<compile_context>
chip_gen: v7x
topology: tpu7x:2x2x1
jax: 0.10.2.dev20260603
libtpu: 0.0.44.dev20260713+nightly
codegen_flags: <defaults>
</compile_context>

<pallas_src>
import functools

import jax
import jax.numpy as jnp
from jax import lax
from jax.experimental import pallas as pl
from jax.experimental.pallas import tpu as pltpu
from jax.experimental.pallas import tpu_sc as plsc

_N = 10000
_IN = 128
_NC = 2
_NS = 16
_NW = _NC * _NS
_L = 16

_B = 128
_NPAD = 10240
_RPT = _NPAD // _NS
_EPT = 10240
_EPAD = _EPT * _NW
_NB = _EPT // _B
_NSTEP = _NB // 2

_f32 = jnp.float32

_sc_mesh = plsc.VectorSubcoreMesh(core_axis_name="c", subcore_axis_name="s",
                                  num_cores=_NC, num_subcores=_NS)
_sc_params = pltpu.CompilerParams(needs_layout_passes=False)


@functools.partial(
    pl.kernel,
    out_type=jax.ShapeDtypeStruct((_NW, _NPAD), _f32),
    mesh=_sc_mesh,
    scratch_types=[
        pltpu.VMEM((_EPT,), jnp.int32),
        pltpu.VMEM((_NPAD,), _f32),
    ],
    compiler_params=_sc_params,
)
def _sc_deg(dst_hbm, z1_hbm, out_hbm, didx, hist):
    cid = lax.axis_index("c")
    sid = lax.axis_index("s")
    wid = cid * _NS + sid

    pltpu.sync_copy(dst_hbm.at[pl.ds(wid * _EPT, _EPT)], didx)
    pltpu.sync_copy(z1_hbm, hist)
    ones = jnp.ones((_L,), _f32)

    def step(i, c):
        plsc.addupdate_scatter(hist, [didx[pl.ds(i * _L, _L)]], ones)
        return c

    lax.fori_loop(0, _EPT // _L, step, 0)
    pltpu.sync_copy(hist, out_hbm.at[wid])


_CB = 8
_NCHUNK = _NB // _CB


@functools.partial(
    pl.kernel,
    out_type=jax.ShapeDtypeStruct((_NC * _NPAD, _IN), _f32),
    mesh=_sc_mesh,
    scratch_types=[
        pltpu.VMEM((2, _CB, _B), jnp.int32),
        pltpu.VMEM((2, _CB, _B), jnp.int32),
        pltpu.VMEM((2, _B, _IN), _f32),
        pltpu.VMEM_SHARED((_NPAD, _IN), _f32),
        pltpu.SemaphoreType.DMA,
        pltpu.SemaphoreType.DMA,
        pltpu.SemaphoreType.DMA,
        pltpu.SemaphoreType.DMA,
    ],
    compiler_params=_sc_params,
)
def _sc_agg(src2_hbm, dst2_hbm, g_hbm, z128_hbm, outs_hbm,
            sidxc, didxc, grow, acc_sh, gs0, gs1, is0, is1):
    cid = lax.axis_index("c")
    sid = lax.axis_index("s")
    wid = cid * _NS + sid
    brow = wid * _NB
    rbase = sid * _RPT
    gsem = (gs0, gs1)
    isem = (is0, is1)

    def load_chunk(cs, c):
        pltpu.async_copy(src2_hbm.at[pl.ds(brow + c * _CB, _CB)],
                         sidxc.at[cs], isem[cs])
        pltpu.async_copy(dst2_hbm.at[pl.ds(brow + c * _CB, _CB)],
                         didxc.at[cs], isem[cs])

    def wait_chunk(cs, c):
        pltpu.make_async_copy(src2_hbm.at[pl.ds(brow + c * _CB, _CB)],
                              sidxc.at[cs], isem[cs]).wait()
        pltpu.make_async_copy(dst2_hbm.at[pl.ds(brow + c * _CB, _CB)],
                              didxc.at[cs], isem[cs]).wait()

    load_chunk(0, 0)
    pltpu.sync_copy(z128_hbm.at[pl.ds(rbase, _RPT)],
                    acc_sh.at[pl.ds(rbase, _RPT)])
    plsc.subcore_barrier()

    def sstep(q, carry):
        for t in range(2):
            c = q * 2 + t

            @pl.when(c < _NCHUNK - 1)
            def _():
                load_chunk((t + 1) % 2, c + 1)

            wait_chunk(t, c)

            def fire(gslot, b):
                pltpu.async_copy(g_hbm.at[sidxc.at[t].at[b]],
                                 grow.at[gslot], gsem[gslot])

            fire(0, 0)
            for b in range(_CB):
                if b + 1 < _CB:
                    fire((b + 1) % 2, b + 1)
                gs = b % 2
                pltpu.make_async_copy(g_hbm.at[sidxc.at[t].at[b]],
                                      grow.at[gs], gsem[gs]).wait()
                pltpu.sync_copy(grow.at[gs], acc_sh.at[didxc.at[t].at[b]],
                                add=True)
        return carry

    lax.fori_loop(0, _NCHUNK // 2, sstep, 0)
    plsc.subcore_barrier()
    pltpu.sync_copy(acc_sh.at[pl.ds(rbase, _RPT)],
                    outs_hbm.at[pl.ds(cid * _NPAD + rbase, _RPT)])


@functools.partial(
    pl.kernel,
    out_type=jax.ShapeDtypeStruct((_NW, _NPAD), _f32),
    mesh=_sc_mesh,
    scratch_types=[
        pltpu.VMEM((_EPT,), jnp.int32),
        pltpu.VMEM((_EPT,), jnp.int32),
        pltpu.VMEM((_NPAD,), _f32),
        pltpu.VMEM((_NPAD,), _f32),
    ],
    compiler_params=_sc_params,
)
def _sc_u(src_hbm, dst_hbm, dinv_hbm, z1_hbm, out_hbm, sidx, didx, dinv_v, uhist):
    cid = lax.axis_index("c")
    sid = lax.axis_index("s")
    wid = cid * _NS + sid

    pltpu.sync_copy(src_hbm.at[pl.ds(wid * _EPT, _EPT)], sidx)
    pltpu.sync_copy(dst_hbm.at[pl.ds(wid * _EPT, _EPT)], didx)
    pltpu.sync_copy(dinv_hbm, dinv_v)
    pltpu.sync_copy(z1_hbm, uhist)

    def step(i, c):
        vals = plsc.load_gather(dinv_v, [didx[pl.ds(i * _L, _L)]])
        plsc.addupdate_scatter(uhist, [sidx[pl.ds(i * _L, _L)]], vals)
        return c

    lax.fori_loop(0, _EPT // _L, step, 0)
    pltpu.sync_copy(uhist, out_hbm.at[wid])


_BLK1 = 1024


def _tc1_body(degp_ref, x_ref, g_ref, dinv_ref):
    deg = jnp.sum(degp_ref[...], axis=0) + 1.0
    dinv = lax.rsqrt(deg)
    dinv_ref[...] = jnp.broadcast_to(dinv[:, None], (_BLK1, _L))
    g_ref[...] = x_ref[...] * dinv[:, None]


_tc1 = pl.pallas_call(
    _tc1_body,
    grid=(_NPAD // _BLK1,),
    in_specs=[
        pl.BlockSpec((_NW, _BLK1), lambda i: (0, i)),
        pl.BlockSpec((_BLK1, _IN), lambda i: (i, 0)),
    ],
    out_specs=[
        pl.BlockSpec((_BLK1, _IN), lambda i: (i, 0)),
        pl.BlockSpec((_BLK1, _L), lambda i: (i, 0)),
    ],
    out_shape=[
        jax.ShapeDtypeStruct((_NPAD, _IN), _f32),
        jax.ShapeDtypeStruct((_NPAD, _L), _f32),
    ],
)


_BLK2 = 512
_NG2 = _NPAD // _BLK2


def _tc2_body(sp_ref, g_ref, dinv_ref, up_ref, w1_ref, b1_ref, w2_ref, b2_ref,
              out_ref, qacc):
    i = pl.program_id(0)

    @pl.when(i == 0)
    def _():
        qacc[...] = jnp.zeros_like(qacc)

    s = sp_ref[0] + sp_ref[1]
    dinv = dinv_ref[...][:, 0:1]
    px = dinv * (s + g_ref[...])
    h = jnp.dot(px, w1_ref[...], preferred_element_type=_f32) + b1_ref[...]
    a = jnp.maximum(h, 0.0)
    u = jnp.sum(up_ref[...], axis=0)[:, None]
    rows = i * _BLK2 + lax.broadcasted_iota(jnp.int32, (_BLK2, 1), 0)
    c = jnp.where(rows < _N, dinv * u + dinv * dinv, 0.0)
    qacc[...] += jnp.sum(c * a, axis=0, keepdims=True)

    @pl.when(i == _NG2 - 1)
    def _():
        out_ref[...] = (jnp.dot(qacc[...], w2_ref[...],
                                preferred_element_type=_f32)
                        * (1.0 / _N) + b2_ref[...])


def _tc2(sp, g, dinv16, up, W1, b1, W2, b2):
    hid = W1.shape[1]
    out = W2.shape[1]
    return pl.pallas_call(
        _tc2_body,
        grid=(_NG2,),
        in_specs=[
            pl.BlockSpec((_NC, _BLK2, _IN), lambda i: (0, i, 0)),
            pl.BlockSpec((_BLK2, _IN), lambda i: (i, 0)),
            pl.BlockSpec((_BLK2, _L), lambda i: (i, 0)),
            pl.BlockSpec((_NW, _BLK2), lambda i: (0, i)),
            pl.BlockSpec((_IN, hid), lambda i: (0, 0)),
            pl.BlockSpec((1, hid), lambda i: (0, 0)),
            pl.BlockSpec((hid, out), lambda i: (0, 0)),
            pl.BlockSpec((1, out), lambda i: (0, 0)),
        ],
        out_specs=pl.BlockSpec((1, out), lambda i: (0, 0)),
        out_shape=jax.ShapeDtypeStruct((1, out), _f32),
        scratch_shapes=[pltpu.VMEM((1, hid), _f32)],
    )(sp, g, dinv16, up, W1, b1.reshape(1, hid), W2, b2.reshape(1, out))


def kernel(x, edge_index, W1, b1, W2, b2):
    n, in_dim = x.shape
    src = edge_index[0]
    dst = edge_index[1]
    e = src.shape[0]
    pad = jnp.full((_EPAD - e,), n, jnp.int32)
    srcp = jnp.concatenate([src, pad])
    dstp = jnp.concatenate([dst, pad])
    xpad = jnp.zeros((_NPAD, in_dim), _f32).at[:n].set(x)
    z128 = jnp.zeros((_NPAD, _IN), _f32)
    z1 = jnp.zeros((_NPAD,), _f32)

    degp = _sc_deg(dstp, z1)
    g, dinv16 = _tc1(degp, xpad)
    dinv1d = dinv16[:, 0]
    src2 = srcp.reshape(-1, _B)
    dst2 = dstp.reshape(-1, _B)
    sp = _sc_agg(src2, dst2, g, z128).reshape(_NC, _NPAD, _IN)
    up = _sc_u(srcp, dstp, dinv1d, z1)
    out = _tc2(sp, g, dinv16, up, W1, b1, W2, b2)
    return out.reshape(-1)

# --- scband reference (transcript-rebuilt; emitter-appended) ---
"""Pipeline reference for scband-qagraph-encoder-43422119362693 (READ-ONLY COPY).

The authoritative reference and input builder live on the scoring server;
editing this copy changes nothing except your own understanding.
"""

import jax, jax.numpy as jnp
import numpy as np

N = 10000
E = 320000
IN_DIM = 128
HID_DIM = 256
OUT_DIM = 128


def setup_inputs(seed: int = 0) -> dict:
    key = jax.random.key(seed)
    k1, k2, k3, k4, k5, k6 = jax.random.split(key, 6)
    x = jax.random.normal(k1, (N, IN_DIM), dtype=jnp.float32)
    edge_index = jax.random.randint(k2, (2, E), 0, N, dtype=jnp.int32)
    W1 = jax.random.normal(k3, (IN_DIM, HID_DIM), dtype=jnp.float32) * 0.05
    b1 = jnp.zeros((HID_DIM,), dtype=jnp.float32)
    W2 = jax.random.normal(k4, (HID_DIM, OUT_DIM), dtype=jnp.float32) * 0.05
    b2 = jnp.zeros((OUT_DIM,), dtype=jnp.float32)
    return {"x": x, "edge_index": edge_index, "W1": W1, "b1": b1, "W2": W2, "b2": b2}


def gcn_conv(x, edge_index, W, b):
    # GCNConv with add_self_loops=True and symmetric normalization (PyG semantics).
    n = x.shape[0]
    loop = jnp.arange(n, dtype=edge_index.dtype)
    src = jnp.concatenate([edge_index[0], loop])
    dst = jnp.concatenate([edge_index[1], loop])
    deg = jnp.zeros((n,), dtype=x.dtype).at[dst].add(1.0)
    dinv = jnp.where(deg > 0, 1.0 / jnp.sqrt(deg), 0.0)
    norm = dinv[src] * dinv[dst]
    h = x @ W
    msg = h[src] * norm[:, None]
    out = jnp.zeros((n, W.shape[1]), dtype=x.dtype).at[dst].add(msg)
    return out + b


def reference(x, edge_index, W1, b1, W2, b2):
    h = gcn_conv(x, edge_index, W1, b1)
    h = jax.nn.relu(h)
    # dropout is identity in eval mode
    h = gcn_conv(h, edge_index, W2, b2)
    # global_mean_pool with a single graph (batch all zeros) -> mean over nodes, squeeze
    graph_embedding = jnp.mean(h, axis=0)
    return graph_embedding

if __name__ == "__main__":
    import jax
    _d = setup_inputs()
    print(jax.jit(kernel)(*tuple(_d.values())))

</pallas_src>

<mosaic_0001>
#map = affine_map<(d0, d1) -> (0, 0)>
module attributes {stable_mosaic.version = 14 : i64} {
  func.func @_sc_agg(%arg0: i32, %arg1: i32, %arg2: memref<2560x128xi32, #tpu.memory_space<hbm>>, %arg3: memref<2560x128xi32, #tpu.memory_space<hbm>>, %arg4: memref<10240x128xf32, #tpu.memory_space<hbm>>, %arg5: memref<10240x128xf32, #tpu.memory_space<hbm>>, %arg6: memref<20480x128xf32, #tpu.memory_space<hbm>>, %arg7: memref<2x8x128xi32, #tpu.memory_space<vmem>>, %arg8: memref<2x8x128xi32, #tpu.memory_space<vmem>>, %arg9: memref<2x128x128xf32, #tpu.memory_space<vmem>>, %arg10: memref<10240x128xf32, #tpu.memory_space<vmem_shared>>, %arg11: memref<!tpu.dma_semaphore, #tpu.memory_space<semaphore_mem>>, %arg12: memref<!tpu.dma_semaphore, #tpu.memory_space<semaphore_mem>>, %arg13: memref<!tpu.dma_semaphore, #tpu.memory_space<semaphore_mem>>, %arg14: memref<!tpu.dma_semaphore, #tpu.memory_space<semaphore_mem>>) attributes {dimension_semantics = [#tpu.dimension_semantics<core_parallel>, #tpu.dimension_semantics<subcore_parallel>], iteration_bounds = array<i64: 2, 16>, scalar_prefetch = 0 : i64, scratch_operands = 8 : i64, tpu.core_type = #tpu.core_type<sc_vector_subcore>, window_params = [{transform_indices = #map}, {transform_indices = #map}, {transform_indices = #map}, {transform_indices = #map}, {transform_indices = #map}]} {
    %mul3A = arith.constant 16 : i32
    %mul3A_0 = arith.muli %arg0, %mul3A : i32
    %add3A = arith.addi %mul3A_0, %arg1 : i32
    %mul3A_1 = arith.constant 80 : i32
    %mul3A_2 = arith.muli %add3A, %mul3A_1 : i32
    %mul3A_3 = arith.constant 640 : i32
    %mul3A_4 = arith.muli %arg1, %mul3A_3 : i32
    %add3A_5 = arith.constant 0 : i32
    %add3A_6 = arith.addi %mul3A_2, %add3A_5 : i32
    %dma_start3A = arith.constant 0 : i32
    %dma_start3A_7 = arith.constant 0 : i32
    %dma_start3A_8 = arith.constant 0 : i32
    %dma_start3A_9 = tpu.memref_slice %arg7[%dma_start3A, %dma_start3A_7, %dma_start3A_8] : memref<2x8x128xi32, #tpu.memory_space<vmem>> -> memref<1x8x128xi32, #tpu.memory_space<vmem>>
    %dma_start3A_10 = tpu.memref_squeeze %dma_start3A_9 : memref<1x8x128xi32, #tpu.memory_space<vmem>> -> memref<8x128xi32, #tpu.memory_space<vmem>>
    %dma_start3A_11 = arith.constant 0 : i32
    %dma_start3A_12 = tpu.memref_slice %arg2[%add3A_6, %dma_start3A_11] : memref<2560x128xi32, #tpu.memory_space<hbm>> -> memref<8x128xi32, #tpu.memory_space<hbm>>
    %dma_start3A_13 = arith.constant 0 : i32
    %dma_start3A_14 = arith.constant 0 : i32
    %dma_start3A_15 = tpu.memref_slice %arg7[%dma_start3A, %dma_start3A_13, %dma_start3A_14] : memref<2x8x128xi32, #tpu.memory_space<vmem>> -> memref<1x8x128xi32, #tpu.memory_space<vmem>>
    %dma_start3A_16 = tpu.memref_squeeze %dma_start3A_15 : memref<1x8x128xi32, #tpu.memory_space<vmem>> -> memref<8x128xi32, #tpu.memory_space<vmem>>
    %dma_start3A_17 = arith.constant 0 : i32
    %dma_start3A_18 = tpu.memref_slice %arg2[%add3A_6, %dma_start3A_17] : memref<2560x128xi32, #tpu.memory_space<hbm>> -> memref<8x128xi32, #tpu.memory_space<hbm>>
    tpu.enqueue_dma source(%dma_start3A_18 : memref<8x128xi32, #tpu.memory_space<hbm>>) target(%dma_start3A_16 : memref<8x128xi32, #tpu.memory_space<vmem>>) target_semaphore(%arg13 : memref<!tpu.dma_semaphore, #tpu.memory_space<semaphore_mem>>)
    %add3A_19 = arith.constant 0 : i32
    %add3A_20 = arith.addi %mul3A_2, %add3A_19 : i32
    %dma_start3A_21 = arith.constant 0 : i32
    %dma_start3A_22 = arith.constant 0 : i32
    %dma_start3A_23 = arith.constant 0 : i32
    %dma_start3A_24 = tpu.memref_slice %arg8[%dma_start3A_21, %dma_start3A_22, %dma_start3A_23] : memref<2x8x128xi32, #tpu.memory_space<vmem>> -> memref<1x8x128xi32, #tpu.memory_space<vmem>>
    %dma_start3A_25 = tpu.memref_squeeze %dma_start3A_24 : memref<1x8x128xi32, #tpu.memory_space<vmem>> -> memref<8x128xi32, #tpu.memory_space<vmem>>
    %dma_start3A_26 = arith.constant 0 : i32
    %dma_start3A_27 = tpu.memref_slice %arg3[%add3A_20, %dma_start3A_26] : memref<2560x128xi32, #tpu.memory_space<hbm>> -> memref<8x128xi32, #tpu.memory_space<hbm>>
    %dma_start3A_28 = arith.constant 0 : i32
    %dma_start3A_29 = arith.constant 0 : i32
    %dma_start3A_30 = tpu.memref_slice %arg8[%dma_start3A_21, %dma_start3A_28, %dma_start3A_29] : memref<2x8x128xi32, #tpu.memory_space<vmem>> -> memref<1x8x128xi32, #tpu.memory_space<vmem>>
    %dma_start3A_31 = tpu.memref_squeeze %dma_start3A_30 : memref<1x8x128xi32, #tpu.memory_space<vmem>> -> memref<8x128xi32, #tpu.memory_space<vmem>>
    %dma_start3A_32 = arith.constant 0 : i32
    %dma_start3A_33 = tpu.memref_slice %arg3[%add3A_20, %dma_start3A_32] : memref<2560x128xi32, #tpu.memory_space<hbm>> -> memref<8x128xi32, #tpu.memory_space<hbm>>
    tpu.enqueue_dma source(%dma_start3A_33 : memref<8x128xi32, #tpu.memory_space<hbm>>) target(%dma_start3A_31 : memref<8x128xi32, #tpu.memory_space<vmem>>) target_semaphore(%arg13 : memref<!tpu.dma_semaphore, #tpu.memory_space<semaphore_mem>>)
    "tpu.region"() ({
      %run_scoped3A = tpu.sem_alloc : memref<!tpu.dma_semaphore, #tpu.memory_space<semaphore_mem>>
      %dma_start3A_43 = arith.constant 0 : i32
      %dma_start3A_44 = tpu.memref_slice %arg10[%mul3A_4, %dma_start3A_43] : memref<10240x128xf32, #tpu.memory_space<vmem_shared>> -> memref<640x128xf32, #tpu.memory_space<vmem_shared>>
      %dma_start3A_45 = arith.constant 0 : i32
      %dma_start3A_46 = tpu.memref_slice %arg5[%mul3A_4, %dma_start3A_45] : memref<10240x128xf32, #tpu.memory_space<hbm>> -> memref<640x128xf32, #tpu.memory_space<hbm>>
      tpu.enqueue_dma source(%dma_start3A_46 : memref<640x128xf32, #tpu.memory_space<hbm>>) target(%dma_start3A_44 : memref<640x128xf32, #tpu.memory_space<vmem_shared>>) target_semaphore(%run_scoped3A : memref<!tpu.dma_semaphore, #tpu.memory_space<semaphore_mem>>)
      %dma_wait3A = arith.constant 0 : i32
      %dma_wait3A_47 = tpu.memref_slice %arg10[%mul3A_4, %dma_wait3A] : memref<10240x128xf32, #tpu.memory_space<vmem_shared>> -> memref<640x128xf32, #tpu.memory_space<vmem_shared>>
      %dma_wait3A_48 = arith.constant 0 : i32
      %dma_wait3A_49 = tpu.memref_slice %arg5[%mul3A_4, %dma_wait3A_48] : memref<10240x128xf32, #tpu.memory_space<hbm>> -> memref<640x128xf32, #tpu.memory_space<hbm>>
      tpu.wait_dma2 semaphore(%run_scoped3A : memref<!tpu.dma_semaphore, #tpu.memory_space<semaphore_mem>>) src(%dma_wait3A_49 : memref<640x128xf32, #tpu.memory_space<hbm>>) dst(%dma_wait3A_47 : memref<640x128xf32, #tpu.memory_space<vmem_shared>>)
      tpu.yield
    }) : () -> ()
    %barrier3A = arith.constant 0 : index
    tpu.barrier barrier_id(%barrier3A)
    %scan3A = arith.constant 0 : i32
    %scan3A_34 = arith.constant 0 : i32
    %scan3A_35 = arith.constant 5 : i32
    %scan3A_36 = arith.addi %scan3A_34, %scan3A_35 : i32
    %scan3A_37 = arith.constant 1 : i32
    scf.for %scan3A_43 = %scan3A_34 to %scan3A_36 step %scan3A_37  : i32 {
      %mul3A_44 = arith.constant 2 : i32
      %mul3A_45 = arith.muli %scan3A_43, %mul3A_44 : i32
      %add3A_46 = arith.constant 0 : i32
      %add3A_47 = arith.addi %mul3A_45, %add3A_46 : i32
      %lt3A = arith.constant 9 : i32
      %lt3A_48 = arith.cmpi slt, %add3A_47, %lt3A : i32
      %convert_element_type3A = arith.extui %lt3A_48 : i1 to i32
      %cond3A = arith.constant 0 : i32
      %cond3A_49 = arith.cmpi ne, %convert_element_type3A, %cond3A : i32
      scf.if %cond3A_49 {
        %add3A_713 = arith.constant 1 : i32
        %add3A_714 = arith.addi %add3A_47, %add3A_713 : i32
        %mul3A_715 = arith.constant 8 : i32
        %mul3A_716 = arith.muli %add3A_714, %mul3A_715 : i32
        %add3A_717 = arith.addi %mul3A_2, %mul3A_716 : i32
        %dma_start3A_718 = arith.constant 1 : i32
        %dma_start3A_719 = arith.constant 0 : i32
        %dma_start3A_720 = arith.constant 0 : i32
        %dma_start3A_721 = tpu.memref_slice %arg7[%dma_start3A_718, %dma_start3A_719, %dma_start3A_720] : memref<2x8x128xi32, #tpu.memory_space<vmem>> -> memref<1x8x128xi32, #tpu.memory_space<vmem>>
        %dma_start3A_722 = tpu.memref_squeeze %dma_start3A_721 : memref<1x8x128xi32, #tpu.memory_space<vmem>> -> memref<8x128xi32, #tpu.memory_space<vmem>>
        %dma_start3A_723 = arith.constant 0 : i32
        %dma_start3A_724 = tpu.memref_slice %arg2[%add3A_717, %dma_start3A_723] : memref<2560x128xi32, #tpu.memory_space<hbm>> -> memref<8x128xi32, #tpu.memory_space<hbm>>
        %dma_start3A_725 = arith.constant 0 : i32
        %dma_start3A_726 = arith.constant 0 : i32
        %dma_start3A_727 = tpu.memref_slice %arg7[%dma_start3A_718, %dma_start3A_725, %dma_start3A_726] : memref<2x8x128xi32, #tpu.memory_space<vmem>> -> memref<1x8x128xi32, #tpu.memory_space<vmem>>
        %dma_start3A_728 = tpu.memref_squeeze %dma_start3A_727 : memref<1x8x128xi32, #tpu.memory_space<vmem>> -> memref<8x128xi32, #tpu.memory_space<vmem>>
        %dma_start3A_729 = arith.constant 0 : i32
        %dma_start3A_730 = tpu.memref_slice %arg2[%add3A_717, %dma_start3A_729] : memref<2560x128xi32, #tpu.memory_space<hbm>> -> memref<8x128xi32, #tpu.memory_space<hbm>>
        tpu.enqueue_dma source(%dma_start3A_730 : memref<8x128xi32, #tpu.memory_space<hbm>>) target(%dma_start3A_728 : memref<8x128xi32, #tpu.memory_space<vmem>>) target_semaphore(%arg14 : memref<!tpu.dma_semaphore, #tpu.memory_space<semaphore_mem>>)
        %mul3A_731 = arith.constant 8 : i32
        %mul3A_732 = arith.muli %add3A_714, %mul3A_731 : i32
        %add3A_733 = arith.addi %mul3A_2, %mul3A_732 : i32
        %dma_start3A_734 = arith.constant 1 : i32
        %dma_start3A_735 = arith.constant 0 : i32
        %dma_start3A_736 = arith.constant 0 : i32
        %dma_start3A_737 = tpu.memref_slice %arg8[%dma_start3A_734, %dma_start3A_735, %dma_start3A_736] : memref<2x8x128xi32, #tpu.memory_space<vmem>> -> memref<1x8x128xi32, #tpu.memory_space<vmem>>
        %dma_start3A_738 = tpu.memref_squeeze %dma_start3A_737 : memref<1x8x128xi32, #tpu.memory_space<vmem>> -> memref<8x128xi32, #tpu.memory_space<vmem>>
        %dma_start3A_739 = arith.constant 0 : i32
        %dma_start3A_740 = tpu.memref_slice %arg3[%add3A_733, %dma_start3A_739] : memref<2560x128xi32, #tpu.memory_space<hbm>> -> memref<8x128xi32, #tpu.memory_space<hbm>>
        %dma_start3A_741 = arith.constant 0 : i32
        %dma_start3A_742 = arith.constant 0 : i32
        %dma_start3A_743 = tpu.memref_slice %arg8[%dma_start3A_734, %dma_start3A_741, %dma_start3A_742] : memref<2x8x128xi32, #tpu.memory_space<vmem>> -> memref<1x8x128xi32, #tpu.memory_space<vmem>>
        %dma_start3A_744 = tpu.memref_squeeze %dma_start3A_743 : memref<1x8x128xi32, #tpu.memory_space<vmem>> -> memref<8x128xi32, #tpu.memory_space<vmem>>
        %dma_start3A_745 = arith.constant 0 : i32
        %dma_start3A_746 = tpu.memref_slice %arg3[%add3A_733, %dma_start3A_745] : memref<2560x128xi32, #tpu.memory_space<hbm>> -> memref<8x128xi32, #tpu.memory_space<hbm>>
        tpu.enqueue_dma source(%dma_start3A_746 : memref<8x128xi32, #tpu.memory_space<hbm>>) target(%dma_start3A_744 : memref<8x128xi32, #tpu.memory_space<vmem>>) target_semaphore(%arg14 : memref<!tpu.dma_semaphore, #tpu.memory_space<semaphore_mem>>)
      } else {
      }
      %mul3A_50 = arith.constant 8 : i32
      %mul3A_51 = arith.muli %add3A_47, %mul3A_50 : i32
      %add3A_52 = arith.addi %mul3A_2, %mul3A_51 : i32
      %dma_wait3A = arith.constant 0 : i32
      %dma_wait3A_53 = arith.constant 0 : i32
      %dma_wait3A_54 = arith.constant 0 : i32
      %dma_wait3A_55 = tpu.memref_slice %arg7[%dma_wait3A, %dma_wait3A_53, %dma_wait3A_54] : memref<2x8x128xi32, #tpu.memory_space<vmem>> -> memref<1x8x128xi32, #tpu.memory_space<vmem>>
      %dma_wait3A_56 = tpu.memref_squeeze %dma_wait3A_55 : memref<1x8x128xi32, #tpu.memory_space<vmem>> -> memref<8x128xi32, #tpu.memory_space<vmem>>
      %dma_wait3A_57 = arith.constant 0 : i32
      %dma_wait3A_58 = tpu.memref_slice %arg2[%add3A_52, %dma_wait3A_57] : memref<2560x128xi32, #tpu.memory_space<hbm>> -> memref<8x128xi32, #tpu.memory_space<hbm>>
      %dma_wait3A_59 = arith.constant 0 : i32
      %dma_wait3A_60 = arith.constant 0 : i32
      %dma_wait3A_61 = tpu.memref_slice %arg7[%dma_wait3A, %dma_wait3A_59, %dma_wait3A_60] : memref<2x8x128xi32, #tpu.memory_space<vmem>> -> memref<1x8x128xi32, #tpu.memory_space<vmem>>
      %dma_wait3A_62 = tpu.memref_squeeze %dma_wait3A_61 : memref<1x8x128xi32, #tpu.memory_space<vmem>> -> memref<8x128xi32, #tpu.memory_space<vmem>>
      %dma_wait3A_63 = arith.constant 0 : i32
      %dma_wait3A_64 = tpu.memref_slice %arg2[%add3A_52, %dma_wait3A_63] : memref<2560x128xi32, #tpu.memory_space<hbm>> -> memref<8x128xi32, #tpu.memory_space<hbm>>
      tpu.wait_dma2 semaphore(%arg13 : memref<!tpu.dma_semaphore, #tpu.memory_space<semaphore_mem>>) src(%dma_wait3A_64 : memref<8x128xi32, #tpu.memory_space<hbm>>) dst(%dma_wait3A_62 : memref<8x128xi32, #tpu.memory_space<vmem>>)
      %mul3A_65 = arith.constant 8 : i32
      %mul3A_66 = arith.muli %add3A_47, %mul3A_65 : i32
      %add3A_67 = arith.addi %mul3A_2, %mul3A_66 : i32
      %dma_wait3A_68 = arith.constant 0 : i32
      %dma_wait3A_69 = arith.constant 0 : i32
      %dma_wait3A_70 = arith.constant 0 : i32
      %dma_wait3A_71 = tpu.memref_slice %arg8[%dma_wait3A_68, %dma_wait3A_69, %dma_wait3A_70] : memref<2x8x128xi32, #tpu.memory_space<vmem>> -> memref<1x8x128xi32, #tpu.memory_space<vmem>>
      %dma_wait3A_72 = tpu.memref_squeeze %dma_wait3A_71 : memref<1x8x128xi32, #tpu.memory_space<vmem>> -> memref<8x128xi32, #tpu.memory_space<vmem>>
      %dma_wait3A_73 = arith.constant 0 : i32
      %dma_wait3A_74 = tpu.memref_slice %arg3[%add3A_67, %dma_wait3A_73] : memref<2560x128xi32, #tpu.memory_space<hbm>> -> memref<8x128xi32, #tpu.memory_space<hbm>>
      %dma_wait3A_75 = arith.constant 0 : i32
      %dma_wait3A_76 = arith.constant 0 : i32
      %dma_wait3A_77 = tpu.memref_slice %arg8[%dma_wait3A_68, %dma_wait3A_75, %dma_wait3A_76] : memref<2x8x128xi32, #tpu.memory_space<vmem>> -> memref<1x8x128xi32, #tpu.memory_space<vmem>>
      %dma_wait3A_78 = tpu.memref_squeeze %dma_wait3A_77 : memref<1x8x128xi32, #tpu.memory_space<vmem>> -> memref<8x128xi32, #tpu.memory_space<vmem>>
      %dma_wait3A_79 = arith.constant 0 : i32
      %dma_wait3A_80 = tpu.memref_slice %arg3[%add3A_67, %dma_wait3A_79] : memref<2560x128xi32, #tpu.memory_space<hbm>> -> memref<8x128xi32, #tpu.memory_space<hbm>>
      tpu.wait_dma2 semaphore(%arg13 : memref<!tpu.dma_semaphore, #tpu.memory_space<semaphore_mem>>) src(%dma_wait3A_80 : memref<8x128xi32, #tpu.memory_space<hbm>>) dst(%dma_wait3A_78 : memref<8x128xi32, #tpu.memory_space<vmem>>)
      %dma_start3A_81 = arith.constant 0 : i32
      %dma_start3A_82 = arith.constant 0 : i32
      %dma_start3A_83 = arith.constant 0 : i32
      %dma_start3A_84 = arith.constant 0 : i32
      %dma_start3A_85 = arith.constant 0 : i32
      %dma_start3A_86 = tpu.memref_slice %arg9[%dma_start3A_83, %dma_start3A_84, %dma_start3A_85] : memref<2x128x128xf32, #tpu.memory_space<vmem>> -> memref<1x128x128xf32, #tpu.memory_space<vmem>>
      %dma_start3A_87 = tpu.memref_squeeze %dma_start3A_86 : memref<1x128x128xf32, #tpu.memory_space<vmem>> -> memref<128x128xf32, #tpu.memory_space<vmem>>
      %dma_start3A_88 = arith.constant 0 : i32
      %dma_start3A_89 = arith.constant 0 : i32
      %dma_start3A_90 = tpu.memref_slice %arg7[%dma_start3A_81, %dma_start3A_88, %dma_start3A_89] : memref<2x8x128xi32, #tpu.memory_space<vmem>> -> memref<1x8x128xi32, #tpu.memory_space<vmem>>
      %dma_start3A_91 = tpu.memref_squeeze %dma_start3A_90 : memref<1x8x128xi32, #tpu.memory_space<vmem>> -> memref<8x128xi32, #tpu.memory_space<vmem>>
      %dma_start3A_92 = arith.constant 0 : i32
      %dma_start3A_93 = tpu.memref_slice %dma_start3A_91[%dma_start3A_82, %dma_start3A_92] : memref<8x128xi32, #tpu.memory_space<vmem>> -> memref<1x128xi32, #tpu.memory_space<vmem>>
      %dma_start3A_94 = tpu.memref_squeeze %dma_start3A_93 : memref<1x128xi32, #tpu.memory_space<vmem>> -> memref<128xi32, #tpu.memory_space<vmem>>
      %dma_start3A_95 = arith.constant 0 : i32
      %dma_start3A_96 = arith.constant 0 : i32
      %dma_start3A_97 = tpu.memref_slice %arg4[%dma_start3A_95, %dma_start3A_96] : memref<10240x128xf32, #tpu.memory_space<hbm>> -> memref<10240x128xf32, #tpu.memory_space<hbm>>
      tpu.enqueue_indirect_dma source(%dma_start3A_97 : memref<10240x128xf32, #tpu.memory_space<hbm>>) target(%dma_start3A_87 : memref<128x128xf32, #tpu.memory_space<vmem>>) offsets(%dma_start3A_94 : memref<128xi32, #tpu.memory_space<vmem>>) semaphore(%arg11 : memref<!tpu.dma_semaphore, #tpu.memory_space<semaphore_mem>>)
      %dma_start3A_98 = arith.constant 0 : i32
      %dma_start3A_99 = arith.constant 1 : i32
      %dma_start3A_100 = arith.constant 1 : i32
      %dma_start3A_101 = arith.constant 0 : i32
      %dma_start3A_102 = arith.constant 0 : i32
      %dma_start3A_103 = tpu.memref_slice %arg9[%dma_start3A_100, %dma_start3A_101, %dma_start3A_102] : memref<2x128x128xf32, #tpu.memory_space<vmem>> -> memref<1x128x128xf32, #tpu.memory_space<vmem>>
      %dma_start3A_104 = tpu.memref_squeeze %dma_start3A_103 : memref<1x128x128xf32, #tpu.memory_space<vmem>> -> memref<128x128xf32, #tpu.memory_space<vmem>>
      %dma_start3A_105 = arith.constant 0 : i32
      %dma_start3A_106 = arith.constant 0 : i32
      %dma_start3A_107 = tpu.memref_slice %arg7[%dma_start3A_98, %dma_start3A_105, %dma_start3A_106] : memref<2x8x128xi32, #tpu.memory_space<vmem>> -> memref<1x8x128xi32, #tpu.memory_space<vmem>>
      %dma_start3A_108 = tpu.memref_squeeze %dma_start3A_107 : memref<1x8x128xi32, #tpu.memory_space<vmem>> -> memref<8x128xi32, #tpu.memory_space<vmem>>
      %dma_start3A_109 = arith.constant 0 : i32
      %dma_start3A_110 = tpu.memref_slice %dma_start3A_108[%dma_start3A_99, %dma_start3A_109] : memref<8x128xi32, #tpu.memory_space<vmem>> -> memref<1x128xi32, #tpu.memory_space<vmem>>
      %dma_start3A_111 = tpu.memref_squeeze %dma_start3A_110 : memref<1x128xi32, #tpu.memory_space<vmem>> -> memref<128xi32, #tpu.memory_space<vmem>>
      %dma_start3A_112 = arith.constant 0 : i32
      %dma_start3A_113 = arith.constant 0 : i32
      %dma_start3A_114 = tpu.memref_slice %arg4[%dma_start3A_112, %dma_start3A_113] : memref<10240x128xf32, #tpu.memory_space<hbm>> -> memref<10240x128xf32, #tpu.memory_space<hbm>>
      tpu.enqueue_indirect_dma source(%dma_start3A_114 : memref<10240x128xf32, #tpu.memory_space<hbm>>) target(%dma_start3A_104 : memref<128x128xf32, #tpu.memory_space<vmem>>) offsets(%dma_start3A_111 : memref<128xi32, #tpu.memory_space<vmem>>) semaphore(%arg12 : memref<!tpu.dma_semaphore, #tpu.memory_space<semaphore_mem>>)
      %dma_wait3A_115 = arith.constant 0 : i32
      %dma_wait3A_116 = arith.constant 0 : i32
      %dma_wait3A_117 = arith.constant 0 : i32
      %dma_wait3A_118 = arith.constant 0 : i32
      %dma_wait3A_119 = arith.constant 0 : i32
      %dma_wait3A_120 = tpu.memref_slice %arg9[%dma_wait3A_117, %dma_wait3A_118, %dma_wait3A_119] : memref<2x128x128xf32, #tpu.memory_space<vmem>> -> memref<1x128x128xf32, #tpu.memory_space<vmem>>
      %dma_wait3A_121 = tpu.memref_squeeze %dma_wait3A_120 : memref<1x128x128xf32, #tpu.memory_space<vmem>> -> memref<128x128xf32, #tpu.memory_space<vmem>>
      %dma_wait3A_122 = arith.constant 0 : i32
      %dma_wait3A_123 = arith.constant 0 : i32
      %dma_wait3A_124 = tpu.memref_slice %arg7[%dma_wait3A_115, %dma_wait3A_122, %dma_wait3A_123] : memref<2x8x128xi32, #tpu.memory_space<vmem>> -> memref<1x8x128xi32, #tpu.memory_space<vmem>>
      %dma_wait3A_125 = tpu.memref_squeeze %dma_wait3A_124 : memref<1x8x128xi32, #tpu.memory_space<vmem>> -> memref<8x128xi32, #tpu.memory_space<vmem>>
      %dma_wait3A_126 = arith.constant 0 : i32
      %dma_wait3A_127 = tpu.memref_slice %dma_wait3A_125[%dma_wait3A_116, %dma_wait3A_126] : memref<8x128xi32, #tpu.memory_space<vmem>> -> memref<1x128xi32, #tpu.memory_space<vmem>>
      %dma_wait3A_128 = tpu.memref_squeeze %dma_wait3A_127 : memref<1x128xi32, #tpu.memory_space<vmem>> -> memref<128xi32, #tpu.memory_space<vmem>>
      %dma_wait3A_129 = arith.constant 0 : i32
      %dma_wait3A_130 = arith.constant 0 : i32
      %dma_wait3A_131 = tpu.memref_slice %arg4[%dma_wait3A_129, %dma_wait3A_130] : memref<10240x128xf32, #tpu.memory_space<hbm>> -> memref<10240x128xf32, #tpu.memory_space<hbm>>
      tpu.wait_indirect_dma semaphore(%arg11 : memref<!tpu.dma_semaphore, #tpu.memory_space<semaphore_mem>>) src(%dma_wait3A_131 : memref<10240x128xf32, #tpu.memory_space<hbm>>) dst(%dma_wait3A_121 : memref<128x128xf32, #tpu.memory_space<vmem>>)
      %run_scoped3A = arith.constant 0 : i32
      %run_scoped3A_132 = arith.constant 0 : i32
      %run_scoped3A_133 = arith.constant 0 : i32
      "tpu.region"() ({
        %run_scoped3A_713 = tpu.sem_alloc : memref<!tpu.dma_semaphore, #tpu.memory_space<semaphore_mem>>
        %dma_start3A_714 = arith.constant 0 : i32
        %dma_start3A_715 = arith.constant 0 : i32
        %dma_start3A_716 = tpu.memref_slice %arg9[%run_scoped3A, %dma_start3A_714, %dma_start3A_715] : memref<2x128x128xf32, #tpu.memory_space<vmem>> -> memref<1x128x128xf32, #tpu.memory_space<vmem>>
        %dma_start3A_717 = tpu.memref_squeeze %dma_start3A_716 : memref<1x128x128xf32, #tpu.memory_space<vmem>> -> memref<128x128xf32, #tpu.memory_space<vmem>>
        %dma_start3A_718 = arith.constant 0 : i32
        %dma_start3A_719 = arith.constant 0 : i32
        %dma_start3A_720 = tpu.memref_slice %arg8[%run_scoped3A_132, %dma_start3A_718, %dma_start3A_719] : memref<2x8x128xi32, #tpu.memory_space<vmem>> -> memref<1x8x128xi32, #tpu.memory_space<vmem>>
        %dma_start3A_721 = tpu.memref_squeeze %dma_start3A_720 : memref<1x8x128xi32, #tpu.memory_space<vmem>> -> memref<8x128xi32, #tpu.memory_space<vmem>>
        %dma_start3A_722 = arith.constant 0 : i32
        %dma_start3A_723 = tpu.memref_slice %dma_start3A_721[%run_scoped3A_133, %dma_start3A_722] : memref<8x128xi32, #tpu.memory_space<vmem>> -> memref<1x128xi32, #tpu.memory_space<vmem>>
        %dma_start3A_724 = tpu.memref_squeeze %dma_start3A_723 : memref<1x128xi32, #tpu.memory_space<vmem>> -> memref<128xi32, #tpu.memory_space<vmem>>
        %dma_start3A_725 = arith.constant 0 : i32
        %dma_start3A_726 = arith.constant 0 : i32
        %dma_start3A_727 = tpu.memref_slice %arg10[%dma_start3A_725, %dma_start3A_726] : memref<10240x128xf32, #tpu.memory_space<vmem_shared>> -> memref<10240x128xf32, #tpu.memory_space<vmem_shared>>
        tpu.enqueue_indirect_dma source(%dma_start3A_717 : memref<128x128xf32, #tpu.memory_space<vmem>>) target(%dma_start3A_727 : memref<10240x128xf32, #tpu.memory_space<vmem_shared>>) offsets(%dma_start3A_724 : memref<128xi32, #tpu.memory_space<vmem>>) semaphore(%run_scoped3A_713 : memref<!tpu.dma_semaphore, #tpu.memory_space<semaphore_mem>>) {add = true}
        %dma_wait3A_728 = arith.constant 0 : i32
        %dma_wait3A_729 = arith.constant 0 : i32
        %dma_wait3A_730 = tpu.memref_slice %arg9[%run_scoped3A, %dma_wait3A_728, %dma_wait3A_729] : memref<2x128x128xf32, #tpu.memory_space<vmem>> -> memref<1x128x128xf32, #tpu.memory_space<vmem>>
        %dma_wait3A_731 = tpu.memref_squeeze %dma_wait3A_730 : memref<1x128x128xf32, #tpu.memory_space<vmem>> -> memref<128x128xf32, #tpu.memory_space<vmem>>
        %dma_wait3A_732 = arith.constant 0 : i32
        %dma_wait3A_733 = arith.constant 0 : i32
        %dma_wait3A_734 = tpu.memref_slice %arg8[%run_scoped3A_132, %dma_wait3A_732, %dma_wait3A_733] : memref<2x8x128xi32, #tpu.memory_space<vmem>> -> memref<1x8x128xi32, #tpu.memory_space<vmem>>
        %dma_wait3A_735 = tpu.memref_squeeze %dma_wait3A_734 : memref<1x8x128xi32, #tpu.memory_space<vmem>> -> memref<8x128xi32, #tpu.memory_space<vmem>>
        %dma_wait3A_736 = arith.constant 0 : i32
        %dma_wait3A_737 = tpu.memref_slice %dma_wait3A_735[%run_scoped3A_133, %dma_wait3A_736] : memref<8x128xi32, #tpu.memory_space<vmem>> -> memref<1x128xi32, #tpu.memory_space<vmem>>
        %dma_wait3A_738 = tpu.memref_squeeze %dma_wait3A_737 : memref<1x128xi32, #tpu.memory_space<vmem>> -> memref<128xi32, #tpu.memory_space<vmem>>
        %dma_wait3A_739 = arith.constant 0 : i32
        %dma_wait3A_740 = arith.constant 0 : i32
        %dma_wait3A_741 = tpu.memref_slice %arg10[%dma_wait3A_739, %dma_wait3A_740] : memref<10240x128xf32, #tpu.memory_space<vmem_shared>> -> memref<10240x128xf32, #tpu.memory_space<vmem_shared>>
        tpu.wait_indirect_dma semaphore(%run_scoped3A_713 : memref<!tpu.dma_semaphore, #tpu.memory_space<semaphore_mem>>) src(%dma_wait3A_731 : memref<128x128xf32, #tpu.memory_space<vmem>>) dst(%dma_wait3A_741 : memref<10240x128xf32, #tpu.memory_space<vmem_shared>>)
        tpu.yield
      }) : () -> ()
      %dma_start3A_134 = arith.constant 0 : i32
      %dma_start3A_135 = arith.constant 2 : i32
      %dma_start3A_136 = arith.constant 0 : i32
      %dma_start3A_137 = arith.constant 0 : i32
      %dma_start3A_138 = arith.constant 0 : i32
      %dma_start3A_139 = tpu.memref_slice %arg9[%dma_start3A_136, %dma_start3A_137, %dma_start3A_138] : memref<2x128x128xf32, #tpu.memory_space<vmem>> -> memref<1x128x128xf32, #tpu.memory_space<vmem>>
      %dma_start3A_140 = tpu.memref_squeeze %dma_start3A_139 : memref<1x128x128xf32, #tpu.memory_space<vmem>> -> memref<128x128xf32, #tpu.memory_space<vmem>>
      %dma_start3A_141 = arith.constant 0 : i32
      %dma_start3A_142 = arith.constant 0 : i32
      %dma_start3A_143 = tpu.memref_slice %arg7[%dma_start3A_134, %dma_start3A_141, %dma_start3A_142] : memref<2x8x128xi32, #tpu.memory_space<vmem>> -> memref<1x8x128xi32, #tpu.memory_space<vmem>>
      %dma_start3A_144 = tpu.memref_squeeze %dma_start3A_143 : memref<1x8x128xi32, #tpu.memory_space<vmem>> -> memref<8x128xi32, #tpu.memory_space<vmem>>
      %dma_start3A_145 = arith.constant 0 : i32
      %dma_start3A_146 = tpu.memref_slice %dma_start3A_144[%dma_start3A_135, %dma_start3A_145] : memref<8x128xi32, #tpu.memory_space<vmem>> -> memref<1x128xi32, #tpu.memory_space<vmem>>
      %dma_start3A_147 = tpu.memref_squeeze %dma_start3A_146 : memref<1x128xi32, #tpu.memory_space<vmem>> -> memref<128xi32, #tpu.memory_space<vmem>>
      %dma_start3A_148 = arith.constant 0 : i32
      %dma_start3A_149 = arith.constant 0 : i32
      %dma_start3A_150 = tpu.memref_slice %arg4[%dma_start3A_148, %dma_start3A_149] : memref<10240x128xf32, #tpu.memory_space<hbm>> -> memref<10240x128xf32, #tpu.memory_space<hbm>>
      tpu.enqueue_indirect_dma source(%dma_start3A_150 : memref<10240x128xf32, #tpu.memory_space<hbm>>) target(%dma_start3A_140 : memref<128x128xf32, #tpu.memory_space<vmem>>) offsets(%dma_start3A_147 : memref<128xi32, #tpu.memory_space<vmem>>) semaphore(%arg11 : memref<!tpu.dma_semaphore, #tpu.memory_space<semaphore_mem>>)
      %dma_wait3A_151 = arith.constant 0 : i32
      %dma_wait3A_152 = arith.constant 1 : i32
      %dma_wait3A_153 = arith.constant 1 : i32
      %dma_wait3A_154 = arith.constant 0 : i32
      %dma_wait3A_155 = arith.constant 0 : i32
      %dma_wait3A_156 = tpu.memref_slice %arg9[%dma_wait3A_153, %dma_wait3A_154, %dma_wait3A_155] : memref<2x128x128xf32, #tpu.memory_space<vmem>> -> memref<1x128x128xf32, #tpu.memory_space<vmem>>
      %dma_wait3A_157 = tpu.memref_squeeze %dma_wait3A_156 : memref<1x128x128xf32, #tpu.memory_space<vmem>> -> memref<128x128xf32, #tpu.memory_space<vmem>>
      %dma_wait3A_158 = arith.constant 0 : i32
      %dma_wait3A_159 = arith.constant 0 : i32
      %dma_wait3A_160 = tpu.memref_slice %arg7[%dma_wait3A_151, %dma_wait3A_158, %dma_wait3A_159] : memref<2x8x128xi32, #tpu.memory_space<vmem>> -> memref<1x8x128xi32, #tpu.memory_space<vmem>>
      %dma_wait3A_161 = tpu.memref_squeeze %dma_wait3A_160 : memref<1x8x128xi32, #tpu.memory_space<vmem>> -> memref<8x128xi32, #tpu.memory_space<vmem>>
      %dma_wait3A_162 = arith.constant 0 : i32
      %dma_wait3A_163 = tpu.memref_slice %dma_wait3A_161[%dma_wait3A_152, %dma_wait3A_162] : memref<8x128xi32, #tpu.memory_space<vmem>> -> memref<1x128xi32, #tpu.memory_space<vmem>>
      %dma_wait3A_164 = tpu.memref_squeeze %dma_wait3A_163 : memref<1x128xi32, #tpu.memory_space<vmem>> -> memref<128xi32, #tpu.memory_space<vmem>>
      %dma_wait3A_165 = arith.constant 0 : i32
      %dma_wait3A_166 = arith.constant 0 : i32
      %dma_wait3A_167 = tpu.memref_slice %arg4[%dma_wait3A_165, %dma_wait3A_166] : memref<10240x128xf32, #tpu.memory_space<hbm>> -> memref<10240x128xf32, #tpu.memory_space<hbm>>
      tpu.wait_indirect_dma semaphore(%arg12 : memref<!tpu.dma_semaphore, #tpu.memory_space<semaphore_mem>>) src(%dma_wait3A_167 : memref<10240x128xf32, #tpu.memory_space<hbm>>) dst(%dma_wait3A_157 : memref<128x128xf32, #tpu.memory_space<vmem>>)
      %run_scoped3A_168 = arith.constant 1 : i32
      %run_scoped3A_169 = arith.constant 0 : i32
      %run_scoped3A_170 = arith.constant 1 : i32
      "tpu.region"() ({
        %run_scoped3A_713 = tpu.sem_alloc : memref<!tpu.dma_semaphore, #tpu.memory_space<semaphore_mem>>
        %dma_start3A_714 = arith.constant 0 : i32
        %dma_start3A_715 = arith.constant 0 : i32
        %dma_start3A_716 = tpu.memref_slice %arg9[%run_scoped3A_168, %dma_start3A_714, %dma_start3A_715] : memref<2x128x128xf32, #tpu.memory_space<vmem>> -> memref<1x128x128xf32, #tpu.memory_space<vmem>>
        %dma_start3A_717 = tpu.memref_squeeze %dma_start3A_716 : memref<1x128x128xf32, #tpu.memory_space<vmem>> -> memref<128x128xf32, #tpu.memory_space<vmem>>
        %dma_start3A_718 = arith.constant 0 : i32
        %dma_start3A_719 = arith.constant 0 : i32
        %dma_start3A_720 = tpu.memref_slice %arg8[%run_scoped3A_169, %dma_start3A_718, %dma_start3A_719] : memref<2x8x128xi32, #tpu.memory_space<vmem>> -> memref<1x8x128xi32, #tpu.memory_space<vmem>>
        %dma_start3A_721 = tpu.memref_squeeze %dma_start3A_720 : memref<1x8x128xi32, #tpu.memory_space<vmem>> -> memref<8x128xi32, #tpu.memory_space<vmem>>
        %dma_start3A_722 = arith.constant 0 : i32
        %dma_start3A_723 = tpu.memref_slice %dma_start3A_721[%run_scoped3A_170, %dma_start3A_722] : memref<8x128xi32, #tpu.memory_space<vmem>> -> memref<1x128xi32, #tpu.memory_space<vmem>>
        %dma_start3A_724 = tpu.memref_squeeze %dma_start3A_723 : memref<1x128xi32, #tpu.memory_space<vmem>> -> memref<128xi32, #tpu.memory_space<vmem>>
        %dma_start3A_725 = arith.constant 0 : i32
        %dma_start3A_726 = arith.constant 0 : i32
        %dma_start3A_727 = tpu.memref_slice %arg10[%dma_start3A_725, %dma_start3A_726] : memref<10240x128xf32, #tpu.memory_space<vmem_shared>> -> memref<10240x128xf32, #tpu.memory_space<vmem_shared>>
        tpu.enqueue_indirect_dma source(%dma_start3A_717 : memref<128x128xf32, #tpu.memory_space<vmem>>) target(%dma_start3A_727 : memref<10240x128xf32, #tpu.memory_space<vmem_shared>>) offsets(%dma_start3A_724 : memref<128xi32, #tpu.memory_space<vmem>>) semaphore(%run_scoped3A_713 : memref<!tpu.dma_semaphore, #tpu.memory_space<semaphore_mem>>) {add = true}
        %dma_wait3A_728 = arith.constant 0 : i32
        %dma_wait3A_729 = arith.constant 0 : i32
        %dma_wait3A_730 = tpu.memref_slice %arg9[%run_scoped3A_168, %dma_wait3A_728, %dma_wait3A_729] : memref<2x128x128xf32, #tpu.memory_space<vmem>> -> memref<1x128x128xf32, #tpu.memory_space<vmem>>
        %dma_wait3A_731 = tpu.memref_squeeze %dma_wait3A_730 : memref<1x128x128xf32, #tpu.memory_space<vmem>> -> memref<128x128xf32, #tpu.memory_space<vmem>>
        %dma_wait3A_732 = arith.constant 0 : i32
        %dma_wait3A_733 = arith.constant 0 : i32
        %dma_wait3A_734 = tpu.memref_slice %arg8[%run_scoped3A_169, %dma_wait3A_732, %dma_wait3A_733] : memref<2x8x128xi32, #tpu.memory_space<vmem>> -> memref<1x8x128xi32, #tpu.memory_space<vmem>>
        %dma_wait3A_735 = tpu.memref_squeeze %dma_wait3A_734 : memref<1x8x128xi32, #tpu.memory_space<vmem>> -> memref<8x128xi32, #tpu.memory_space<vmem>>
        %dma_wait3A_736 = arith.constant 0 : i32
        %dma_wait3A_737 = tpu.memref_slice %dma_wait3A_735[%run_scoped3A_170, %dma_wait3A_736] : memref<8x128xi32, #tpu.memory_space<vmem>> -> memref<1x128xi32, #tpu.memory_space<vmem>>
        %dma_wait3A_738 = tpu.memref_squeeze %dma_wait3A_737 : memref<1x128xi32, #tpu.memory_space<vmem>> -> memref<128xi32, #tpu.memory_space<vmem>>
        %dma_wait3A_739 = arith.constant 0 : i32
        %dma_wait3A_740 = arith.constant 0 : i32
        %dma_wait3A_741 = tpu.memref_slice %arg10[%dma_wait3A_739, %dma_wait3A_740] : memref<10240x128xf32, #tpu.memory_space<vmem_shared>> -> memref<10240x128xf32, #tpu.memory_space<vmem_shared>>
        tpu.wait_indirect_dma semaphore(%run_scoped3A_713 : memref<!tpu.dma_semaphore, #tpu.memory_space<semaphore_mem>>) src(%dma_wait3A_731 : memref<128x128xf32, #tpu.memory_space<vmem>>) dst(%dma_wait3A_741 : memref<10240x128xf32, #tpu.memory_space<vmem_shared>>)
        tpu.yield
      }) : () -> ()
      %dma_start3A_171 = arith.constant 0 : i32
      %dma_start3A_172 = arith.constant 3 : i32
      %dma_start3A_173 = arith.constant 1 : i32
      %dma_start3A_174 = arith.constant 0 : i32
      %dma_start3A_175 = arith.constant 0 : i32
      %dma_start3A_176 = tpu.memref_slice %arg9[%dma_start3A_173, %dma_start3A_174, %dma_start3A_175] : memref<2x128x128xf32, #tpu.memory_space<vmem>> -> memref<1x128x128xf32, #tpu.memory_space<vmem>>
      %dma_start3A_177 = tpu.memref_squeeze %dma_start3A_176 : memref<1x128x128xf32, #tpu.memory_space<vmem>> -> memref<128x128xf32, #tpu.memory_space<vmem>>
      %dma_start3A_178 = arith.constant 0 : i32
      %dma_start3A_179 = arith.constant 0 : i32
      %dma_start3A_180 = tpu.memref_slice %arg7[%dma_start3A_171, %dma_start3A_178, %dma_start3A_179] : memref<2x8x128xi32, #tpu.memory_space<vmem>> -> memref<1x8x128xi32, #tpu.memory_space<vmem>>
      %dma_start3A_181 = tpu.memref_squeeze %dma_start3A_180 : memref<1x8x128xi32, #tpu.memory_space<vmem>> -> memref<8x128xi32, #tpu.memory_space<vmem>>
      %dma_start3A_182 = arith.constant 0 : i32
      %dma_start3A_183 = tpu.memref_slice %dma_start3A_181[%dma_start3A_172, %dma_start3A_182] : memref<8x128xi32, #tpu.memory_space<vmem>> -> memref<1x128xi32, #tpu.memory_space<vmem>>
      %dma_start3A_184 = tpu.memref_squeeze %dma_start3A_183 : memref<1x128xi32, #tpu.memory_space<vmem>> -> memref<128xi32, #tpu.memory_space<vmem>>
      %dma_start3A_185 = arith.constant 0 : i32
      %dma_start3A_186 = arith.constant 0 : i32
      %dma_start3A_187 = tpu.memref_slice %arg4[%dma_start3A_185, %dma_start3A_186] : memref<10240x128xf32, #tpu.memory_space<hbm>> -> memref<10240x128xf32, #tpu.memory_space<hbm>>
      tpu.enqueue_indirect_dma source(%dma_start3A_187 : memref<10240x128xf32, #tpu.memory_space<hbm>>) target(%dma_start3A_177 : memref<128x128xf32, #tpu.memory_space<vmem>>) offsets(%dma_start3A_184 : memref<128xi32, #tpu.memory_space<vmem>>) semaphore(%arg12 : memref<!tpu.dma_semaphore, #tpu.memory_space<semaphore_mem>>)
      %dma_wait3A_188 = arith.constant 0 : i32
      %dma_wait3A_189 = arith.constant 2 : i32
      %dma_wait3A_190 = arith.constant 0 : i32
      %dma_wait3A_191 = arith.constant 0 : i32
      %dma_wait3A_192 = arith.constant 0 : i32
      %dma_wait3A_193 = tpu.memref_slice %arg9[%dma_wait3A_190, %dma_wait3A_191, %dma_wait3A_192] : memref<2x128x128xf32, #tpu.memory_space<vmem>> -> memref<1x128x128xf32, #tpu.memory_space<vmem>>
      %dma_wait3A_194 = tpu.memref_squeeze %dma_wait3A_193 : memref<1x128x128xf32, #tpu.memory_space<vmem>> -> memref<128x128xf32, #tpu.memory_space<vmem>>
      %dma_wait3A_195 = arith.constant 0 : i32
      %dma_wait3A_196 = arith.constant 0 : i32
      %dma_wait3A_197 = tpu.memref_slice %arg7[%dma_wait3A_188, %dma_wait3A_195, %dma_wait3A_196] : memref<2x8x128xi32, #tpu.memory_space<vmem>> -> memref<1x8x128xi32, #tpu.memory_space<vmem>>
      %dma_wait3A_198 = tpu.memref_squeeze %dma_wait3A_197 : memref<1x8x128xi32, #tpu.memory_space<vmem>> -> memref<8x128xi32, #tpu.memory_space<vmem>>
      %dma_wait3A_199 = arith.constant 0 : i32
      %dma_wait3A_200 = tpu.memref_slice %dma_wait3A_198[%dma_wait3A_189, %dma_wait3A_199] : memref<8x128xi32, #tpu.memory_space<vmem>> -> memref<1x128xi32, #tpu.memory_space<vmem>>
      %dma_wait3A_201 = tpu.memref_squeeze %dma_wait3A_200 : memref<1x128xi32, #tpu.memory_space<vmem>> -> memref<128xi32, #tpu.memory_space<vmem>>
      %dma_wait3A_202 = arith.constant 0 : i32
      %dma_wait3A_203 = arith.constant 0 : i32
      %dma_wait3A_204 = tpu.memref_slice %arg4[%dma_wait3A_202, %dma_wait3A_203] : memref<10240x128xf32, #tpu.memory_space<hbm>> -> memref<10240x128xf32, #tpu.memory_space<hbm>>
      tpu.wait_indirect_dma semaphore(%arg11 : memref<!tpu.dma_semaphore, #tpu.memory_space<semaphore_mem>>) src(%dma_wait3A_204 : memref<10240x128xf32, #tpu.memory_space<hbm>>) dst(%dma_wait3A_194 : memref<128x128xf32, #tpu.memory_space<vmem>>)
      %run_scoped3A_205 = arith.constant 0 : i32
      %run_scoped3A_206 = arith.constant 0 : i32
      %run_scoped3A_207 = arith.constant 2 : i32
      "tpu.region"() ({
        %run_scoped3A_713 = tpu.sem_alloc : memref<!tpu.dma_semaphore, #tpu.memory_space<semaphore_mem>>
        %dma_start3A_714 = arith.constant 0 : i32
        %dma_start3A_715 = arith.constant 0 : i32
        %dma_start3A_716 = tpu.memref_slice %arg9[%run_scoped3A_205, %dma_start3A_714, %dma_start3A_715] : memref<2x128x128xf32, #tpu.memory_space<vmem>> -> memref<1x128x128xf32, #tpu.memory_space<vmem>>
        %dma_start3A_717 = tpu.memref_squeeze %dma_start3A_716 : memref<1x128x128xf32, #tpu.memory_space<vmem>> -> memref<128x128xf32, #tpu.memory_space<vmem>>
        %dma_start3A_718 = arith.constant 0 : i32
        %dma_start3A_719 = arith.constant 0 : i32
        %dma_start3A_720 = tpu.memref_slice %arg8[%run_scoped3A_206, %dma_start3A_718, %dma_start3A_719] : memref<2x8x128xi32, #tpu.memory_space<vmem>> -> memref<1x8x128xi32, #tpu.memory_space<vmem>>
        %dma_start3A_721 = tpu.memref_squeeze %dma_start3A_720 : memref<1x8x128xi32, #tpu.memory_space<vmem>> -> memref<8x128xi32, #tpu.memory_space<vmem>>
        %dma_start3A_722 = arith.constant 0 : i32
        %dma_start3A_723 = tpu.memref_slice %dma_start3A_721[%run_scoped3A_207, %dma_start3A_722] : memref<8x128xi32, #tpu.memory_space<vmem>> -> memref<1x128xi32, #tpu.memory_space<vmem>>
        %dma_start3A_724 = tpu.memref_squeeze %dma_start3A_723 : memref<1x128xi32, #tpu.memory_space<vmem>> -> memref<128xi32, #tpu.memory_space<vmem>>
        %dma_start3A_725 = arith.constant 0 : i32
        %dma_start3A_726 = arith.constant 0 : i32
        %dma_start3A_727 = tpu.memref_slice %arg10[%dma_start3A_725, %dma_start3A_726] : memref<10240x128xf32, #tpu.memory_space<vmem_shared>> -> memref<10240x128xf32, #tpu.memory_space<vmem_shared>>
        tpu.enqueue_indirect_dma source(%dma_start3A_717 : memref<128x128xf32, #tpu.memory_space<vmem>>) target(%dma_start3A_727 : memref<10240x128xf32, #tpu.memory_space<vmem_shared>>) offsets(%dma_start3A_724 : memref<128xi32, #tpu.memory_space<vmem>>) semaphore(%run_scoped3A_713 : memref<!tpu.dma_semaphore, #tpu.memory_space<semaphore_mem>>) {add = true}
        %dma_wait3A_728 = arith.constant 0 : i32
        %dma_wait3A_729 = arith.constant 0 : i32
        %dma_wait3A_730 = tpu.memref_slice %arg9[%run_scoped3A_205, %dma_wait3A_728, %dma_wait3A_729] : memref<2x128x128xf32, #tpu.memory_space<vmem>> -> memref<1x128x128xf32, #tpu.memory_space<vmem>>
        %dma_wait3A_731 = tpu.memref_squeeze %dma_wait3A_730 : memref<1x128x128xf32, #tpu.memory_space<vmem>> -> memref<128x128xf32, #tpu.memory_space<vmem>>
        %dma_wait3A_732 = arith.constant 0 : i32
        %dma_wait3A_733 = arith.constant 0 : i32
        %dma_wait3A_734 = tpu.memref_slice %arg8[%run_scoped3A_206, %dma_wait3A_732, %dma_wait3A_733] : memref<2x8x128xi32, #tpu.memory_space<vmem>> -> memref<1x8x128xi32, #tpu.memory_space<vmem>>
        %dma_wait3A_735 = tpu.memref_squeeze %dma_wait3A_734 : memref<1x8x128xi32, #tpu.memory_space<vmem>> -> memref<8x128xi32, #tpu.memory_space<vmem>>
        %dma_wait3A_736 = arith.constant 0 : i32
        %dma_wait3A_737 = tpu.memref_slice %dma_wait3A_735[%run_scoped3A_207, %dma_wait3A_736] : memref<8x128xi32, #tpu.memory_space<vmem>> -> memref<1x128xi32, #tpu.memory_space<vmem>>
        %dma_wait3A_738 = tpu.memref_squeeze %dma_wait3A_737 : memref<1x128xi32, #tpu.memory_space<vmem>> -> memref<128xi32, #tpu.memory_space<vmem>>
        %dma_wait3A_739 = arith.constant 0 : i32
        %dma_wait3A_740 = arith.constant 0 : i32
        %dma_wait3A_741 = tpu.memref_slice %arg10[%dma_wait3A_739, %dma_wait3A_740] : memref<10240x128xf32, #tpu.memory_space<vmem_shared>> -> memref<10240x128xf32, #tpu.memory_space<vmem_shared>>
        tpu.wait_indirect_dma semaphore(%run_scoped3A_713 : memref<!tpu.dma_semaphore, #tpu.memory_space<semaphore_mem>>) src(%dma_wait3A_731 : memref<128x128xf32, #tpu.memory_space<vmem>>) dst(%dma_wait3A_741 : memref<10240x128xf32, #tpu.memory_space<vmem_shared>>)
        tpu.yield
      }) : () -> ()
      %dma_start3A_208 = arith.constant 0 : i32
      %dma_start3A_209 = arith.constant 4 : i32
      %dma_start3A_210 = arith.constant 0 : i32
      %dma_start3A_211 = arith.constant 0 : i32
      %dma_start3A_212 = arith.constant 0 : i32
      %dma_start3A_213 = tpu.memref_slice %arg9[%dma_start3A_210, %dma_start3A_211, %dma_start3A_212] : memref<2x128x128xf32, #tpu.memory_space<vmem>> -> memref<1x128x128xf32, #tpu.memory_space<vmem>>
      %dma_start3A_214 = tpu.memref_squeeze %dma_start3A_213 : memref<1x128x128xf32, #tpu.memory_space<vmem>> -> memref<128x128xf32, #tpu.memory_space<vmem>>
      %dma_start3A_215 = arith.constant 0 : i32
      %dma_start3A_216 = arith.constant 0 : i32
      %dma_start3A_217 = tpu.memref_slice %arg7[%dma_start3A_208, %dma_start3A_215, %dma_start3A_216] : memref<2x8x128xi32, #tpu.memory_space<vmem>> -> memref<1x8x128xi32, #tpu.memory_space<vmem>>
      %dma_start3A_218 = tpu.memref_squeeze %dma_start3A_217 : memref<1x8x128xi32, #tpu.memory_space<vmem>> -> memref<8x128xi32, #tpu.memory_space<vmem>>
      %dma_start3A_219 = arith.constant 0 : i32
      %dma_start3A_220 = tpu.memref_slice %dma_start3A_218[%dma_start3A_209, %dma_start3A_219] : memref<8x128xi32, #tpu.memory_space<vmem>> -> memref<1x128xi32, #tpu.memory_space<vmem>>
      %dma_start3A_221 = tpu.memref_squeeze %dma_start3A_220 : memref<1x128xi32, #tpu.memory_space<vmem>> -> memref<128xi32, #tpu.memory_space<vmem>>
      %dma_start3A_222 = arith.constant 0 : i32
      %dma_start3A_223 = arith.constant 0 : i32
      %dma_start3A_224 = tpu.memref_slice %arg4[%dma_start3A_222, %dma_start3A_223] : memref<10240x128xf32, #tpu.memory_space<hbm>> -> memref<10240x128xf32, #tpu.memory_space<hbm>>
      tpu.enqueue_indirect_dma source(%dma_start3A_224 : memref<10240x128xf32, #tpu.memory_space<hbm>>) target(%dma_start3A_214 : memref<128x128xf32, #tpu.memory_space<vmem>>) offsets(%dma_start3A_221 : memref<128xi32, #tpu.memory_space<vmem>>) semaphore(%arg11 : memref<!tpu.dma_semaphore, #tpu.memory_space<semaphore_mem>>)
      %dma_wait3A_225 = arith.constant 0 : i32
      %dma_wait3A_226 = arith.constant 3 : i32
      %dma_wait3A_227 = arith.constant 1 : i32
      %dma_wait3A_228 = arith.constant 0 : i32
      %dma_wait3A_229 = arith.constant 0 : i32
      %dma_wait3A_230 = tpu.memref_slice %arg9[%dma_wait3A_227, %dma_wait3A_228, %dma_wait3A_229] : memref<2x128x128xf32, #tpu.memory_space<vmem>> -> memref<1x128x128xf32, #tpu.memory_space<vmem>>
      %dma_wait3A_231 = tpu.memref_squeeze %dma_wait3A_230 : memref<1x128x128xf32, #tpu.memory_space<vmem>> -> memref<128x128xf32, #tpu.memory_space<vmem>>
      %dma_wait3A_232 = arith.constant 0 : i32
      %dma_wait3A_233 = arith.constant 0 : i32
      %dma_wait3A_234 = tpu.memref_slice %arg7[%dma_wait3A_225, %dma_wait3A_232, %dma_wait3A_233] : memref<2x8x128xi32, #tpu.memory_space<vmem>> -> memref<1x8x128xi32, #tpu.memory_space<vmem>>
      %dma_wait3A_235 = tpu.memref_squeeze %dma_wait3A_234 : memref<1x8x128xi32, #tpu.memory_space<vmem>> -> memref<8x128xi32, #tpu.memory_space<vmem>>
      %dma_wait3A_236 = arith.constant 0 : i32
      %dma_wait3A_237 = tpu.memref_slice %dma_wait3A_235[%dma_wait3A_226, %dma_wait3A_236] : memref<8x128xi32, #tpu.memory_space<vmem>> -> memref<1x128xi32, #tpu.memory_space<vmem>>
      %dma_wait3A_238 = tpu.memref_squeeze %dma_wait3A_237 : memref<1x128xi32, #tpu.memory_space<vmem>> -> memref<128xi32, #tpu.memory_space<vmem>>
      %dma_wait3A_239 = arith.constant 0 : i32
      %dma_wait3A_240 = arith.constant 0 : i32
      %dma_wait3A_241 = tpu.memref_slice %arg4[%dma_wait3A_239, %dma_wait3A_240] : memref<10240x128xf32, #tpu.memory_space<hbm>> -> memref<10240x128xf32, #tpu.memory_space<hbm>>
      tpu.wait_indirect_dma semaphore(%arg12 : memref<!tpu.dma_semaphore, #tpu.memory_space<semaphore_mem>>) src(%dma_wait3A_241 : memref<10240x128xf32, #tpu.memory_space<hbm>>) dst(%dma_wait3A_231 : memref<128x128xf32, #tpu.memory_space<vmem>>)
      %run_scoped3A_242 = arith.constant 1 : i32
      %run_scoped3A_243 = arith.constant 0 : i32
      %run_scoped3A_244 = arith.constant 3 : i32
      "tpu.region"() ({
        %run_scoped3A_713 = tpu.sem_alloc : memref<!tpu.dma_semaphore, #tpu.memory_space<semaphore_mem>>
        %dma_start3A_714 = arith.constant 0 : i32
        %dma_start3A_715 = arith.constant 0 : i32
        %dma_start3A_716 = tpu.memref_slice %arg9[%run_scoped3A_242, %dma_start3A_714, %dma_start3A_715] : memref<2x128x128xf32, #tpu.memory_space<vmem>> -> memref<1x128x128xf32, #tpu.memory_space<vmem>>
        %dma_start3A_717 = tpu.memref_squeeze %dma_start3A_716 : memref<1x128x128xf32, #tpu.memory_space<vmem>> -> memref<128x128xf32, #tpu.memory_space<vmem>>
        %dma_start3A_718 = arith.constant 0 : i32
        %dma_start3A_719 = arith.constant 0 : i32
        %dma_start3A_720 = tpu.memref_slice %arg8[%run_scoped3A_243, %dma_start3A_718, %dma_start3A_719] : memref<2x8x128xi32, #tpu.memory_space<vmem>> -> memref<1x8x128xi32, #tpu.memory_space<vmem>>
        %dma_start3A_721 = tpu.memref_squeeze %dma_start3A_720 : memref<1x8x128xi32, #tpu.memory_space<vmem>> -> memref<8x128xi32, #tpu.memory_space<vmem>>
        %dma_start3A_722 = arith.constant 0 : i32
        %dma_start3A_723 = tpu.memref_slice %dma_start3A_721[%run_scoped3A_244, %dma_start3A_722] : memref<8x128xi32, #tpu.memory_space<vmem>> -> memref<1x128xi32, #tpu.memory_space<vmem>>
        %dma_start3A_724 = tpu.memref_squeeze %dma_start3A_723 : memref<1x128xi32, #tpu.memory_space<vmem>> -> memref<128xi32, #tpu.memory_space<vmem>>
        %dma_start3A_725 = arith.constant 0 : i32
        %dma_start3A_726 = arith.constant 0 : i32
        %dma_start3A_727 = tpu.memref_slice %arg10[%dma_start3A_725, %dma_start3A_726] : memref<10240x128xf32, #tpu.memory_space<vmem_shared>> -> memref<10240x128xf32, #tpu.memory_space<vmem_shared>>
        tpu.enqueue_indirect_dma source(%dma_start3A_717 : memref<128x128xf32, #tpu.memory_space<vmem>>) target(%dma_start3A_727 : memref<10240x128xf32, #tpu.memory_space<vmem_shared>>) offsets(%dma_start3A_724 : memref<128xi32, #tpu.memory_space<vmem>>) semaphore(%run_scoped3A_713 : memref<!tpu.dma_semaphore, #tpu.memory_space<semaphore_mem>>) {add = true}
        %dma_wait3A_728 = arith.constant 0 : i32
        %dma_wait3A_729 = arith.constant 0 : i32
        %dma_wait3A_730 = tpu.memref_slice %arg9[%run_scoped3A_242, %dma_wait3A_728, %dma_wait3A_729] : memref<2x128x128xf32, #tpu.memory_space<vmem>> -> memref<1x128x128xf32, #tpu.memory_space<vmem>>
        %dma_wait3A_731 = tpu.memref_squeeze %dma_wait3A_730 : memref<1x128x128xf32, #tpu.memory_space<vmem>> -> memref<128x128xf32, #tpu.memory_space<vmem>>
        %dma_wait3A_732 = arith.constant 0 : i32
        %dma_wait3A_733 = arith.constant 0 : i32
        %dma_wait3A_734 = tpu.memref_slice %arg8[%run_scoped3A_243, %dma_wait3A_732, %dma_wait3A_733] : memref<2x8x128xi32, #tpu.memory_space<vmem>> -> memref<1x8x128xi32, #tpu.memory_space<vmem>>
        %dma_wait3A_735 = tpu.memref_squeeze %dma_wait3A_734 : memref<1x8x128xi32, #tpu.memory_space<vmem>> -> memref<8x128xi32, #tpu.memory_space<vmem>>
        %dma_wait3A_736 = arith.constant 0 : i32
        %dma_wait3A_737 = tpu.memref_slice %dma_wait3A_735[%run_scoped3A_244, %dma_wait3A_736] : memref<8x128xi32, #tpu.memory_space<vmem>> -> memref<1x128xi32, #tpu.memory_space<vmem>>
        %dma_wait3A_738 = tpu.memref_squeeze %dma_wait3A_737 : memref<1x128xi32, #tpu.memory_space<vmem>> -> memref<128xi32, #tpu.memory_space<vmem>>
        %dma_wait3A_739 = arith.constant 0 : i32
        %dma_wait3A_740 = arith.constant 0 : i32
        %dma_wait3A_741 = tpu.memref_slice %arg10[%dma_wait3A_739, %dma_wait3A_740] : memref<10240x128xf32, #tpu.memory_space<vmem_shared>> -> memref<10240x128xf32, #tpu.memory_space<vmem_shared>>
        tpu.wait_indirect_dma semaphore(%run_scoped3A_713 : memref<!tpu.dma_semaphore, #tpu.memory_space<semaphore_mem>>) src(%dma_wait3A_731 : memref<128x128xf32, #tpu.memory_space<vmem>>) dst(%dma_wait3A_741 : memref<10240x128xf32, #tpu.memory_space<vmem_shared>>)
        tpu.yield
      }) : () -> ()
      %dma_start3A_245 = arith.constant 0 : i32
      %dma_start3A_246 = arith.constant 5 : i32
      %dma_start3A_247 = arith.constant 1 : i32
      %dma_start3A_248 = arith.constant 0 : i32
      %dma_start3A_249 = arith.constant 0 : i32
      %dma_start3A_250 = tpu.memref_slice %arg9[%dma_start3A_247, %dma_start3A_248, %dma_start3A_249] : memref<2x128x128xf32, #tpu.memory_space<vmem>> -> memref<1x128x128xf32, #tpu.memory_space<vmem>>
      %dma_start3A_251 = tpu.memref_squeeze %dma_start3A_250 : memref<1x128x128xf32, #tpu.memory_space<vmem>> -> memref<128x128xf32, #tpu.memory_space<vmem>>
      %dma_start3A_252 = arith.constant 0 : i32
      %dma_start3A_253 = arith.constant 0 : i32
      %dma_start3A_254 = tpu.memref_slice %arg7[%dma_start3A_245, %dma_start3A_252, %dma_start3A_253] : memref<2x8x128xi32, #tpu.memory_space<vmem>> -> memref<1x8x128xi32, #tpu.memory_space<vmem>>
      %dma_start3A_255 = tpu.memref_squeeze %dma_start3A_254 : memref<1x8x128xi32, #tpu.memory_space<vmem>> -> memref<8x128xi32, #tpu.memory_space<vmem>>
      %dma_start3A_256 = arith.constant 0 : i32
      %dma_start3A_257 = tpu.memref_slice %dma_start3A_255[%dma_start3A_246, %dma_start3A_256] : memref<8x128xi32, #tpu.memory_space<vmem>> -> memref<1x128xi32, #tpu.memory_space<vmem>>
      %dma_start3A_258 = tpu.memref_squeeze %dma_start3A_257 : memref<1x128xi32, #tpu.memory_space<vmem>> -> memref<128xi32, #tpu.memory_space<vmem>>
      %dma_start3A_259 = arith.constant 0 : i32
      %dma_start3A_260 = arith.constant 0 : i32
      %dma_start3A_261 = tpu.memref_slice %arg4[%dma_start3A_259, %dma_start3A_260] : memref<10240x128xf32, #tpu.memory_space<hbm>> -> memref<10240x128xf32, #tpu.memory_space<hbm>>
      tpu.enqueue_indirect_dma source(%dma_start3A_261 : memref<10240x128xf32, #tpu.memory_space<hbm>>) target(%dma_start3A_251 : memref<128x128xf32, #tpu.memory_space<vmem>>) offsets(%dma_start3A_258 : memref<128xi32, #tpu.memory_space<vmem>>) semaphore(%arg12 : memref<!tpu.dma_semaphore, #tpu.memory_space<semaphore_mem>>)
      %dma_wait3A_262 = arith.constant 0 : i32
      %dma_wait3A_263 = arith.constant 4 : i32
      %dma_wait3A_264 = arith.constant 0 : i32
      %dma_wait3A_265 = arith.constant 0 : i32
      %dma_wait3A_266 = arith.constant 0 : i32
      %dma_wait3A_267 = tpu.memref_slice %arg9[%dma_wait3A_264, %dma_wait3A_265, %dma_wait3A_266] : memref<2x128x128xf32, #tpu.memory_space<vmem>> -> memref<1x128x128xf32, #tpu.memory_space<vmem>>
      %dma_wait3A_268 = tpu.memref_squeeze %dma_wait3A_267 : memref<1x128x128xf32, #tpu.memory_space<vmem>> -> memref<128x128xf32, #tpu.memory_space<vmem>>
      %dma_wait3A_269 = arith.constant 0 : i32
      %dma_wait3A_270 = arith.constant 0 : i32
      %dma_wait3A_271 = tpu.memref_slice %arg7[%dma_wait3A_262, %dma_wait3A_269, %dma_wait3A_270] : memref<2x8x128xi32, #tpu.memory_space<vmem>> -> memref<1x8x128xi32, #tpu.memory_space<vmem>>
      %dma_wait3A_272 = tpu.memref_squeeze %dma_wait3A_271 : memref<1x8x128xi32, #tpu.memory_space<vmem>> -> memref<8x128xi32, #tpu.memory_space<vmem>>
      %dma_wait3A_273 = arith.constant 0 : i32
      %dma_wait3A_274 = tpu.memref_slice %dma_wait3A_272[%dma_wait3A_263, %dma_wait3A_273] : memref<8x128xi32, #tpu.memory_space<vmem>> -> memref<1x128xi32, #tpu.memory_space<vmem>>
      %dma_wait3A_275 = tpu.memref_squeeze %dma_wait3A_274 : memref<1x128xi32, #tpu.memory_space<vmem>> -> memref<128xi32, #tpu.memory_space<vmem>>
      %dma_wait3A_276 = arith.constant 0 : i32
      %dma_wait3A_277 = arith.constant 0 : i32
      %dma_wait3A_278 = tpu.memref_slice %arg4[%dma_wait3A_276, %dma_wait3A_277] : memref<10240x128xf32, #tpu.memory_space<hbm>> -> memref<10240x128xf32, #tpu.memory_space<hbm>>
      tpu.wait_indirect_dma semaphore(%arg11 : memref<!tpu.dma_semaphore, #tpu.memory_space<semaphore_mem>>) src(%dma_wait3A_278 : memref<10240x128xf32, #tpu.memory_space<hbm>>) dst(%dma_wait3A_268 : memref<128x128xf32, #tpu.memory_space<vmem>>)
      %run_scoped3A_279 = arith.constant 0 : i32
      %run_scoped3A_280 = arith.constant 0 : i32
      %run_scoped3A_281 = arith.constant 4 : i32
      "tpu.region"() ({
        %run_scoped3A_713 = tpu.sem_alloc : memref<!tpu.dma_semaphore, #tpu.memory_space<semaphore_mem>>
        %dma_start3A_714 = arith.constant 0 : i32
        %dma_start3A_715 = arith.constant 0 : i32
        %dma_start3A_716 = tpu.memref_slice %arg9[%run_scoped3A_279, %dma_start3A_714, %dma_start3A_715] : memref<2x128x128xf32, #tpu.memory_space<vmem>> -> memref<1x128x128xf32, #tpu.memory_space<vmem>>
        %dma_start3A_717 = tpu.memref_squeeze %dma_start3A_716 : memref<1x128x128xf32, #tpu.memory_space<vmem>> -> memref<128x128xf32, #tpu.memory_space<vmem>>
        %dma_start3A_718 = arith.constant 0 : i32
        %dma_start3A_719 = arith.constant 0 : i32
        %dma_start3A_720 = tpu.memref_slice %arg8[%run_scoped3A_280, %dma_start3A_718, %dma_start3A_719] : memref<2x8x128xi32, #tpu.memory_space<vmem>> -> memref<1x8x128xi32, #tpu.memory_space<vmem>>
        %dma_start3A_721 = tpu.memref_squeeze %dma_start3A_720 : memref<1x8x128xi32, #tpu.memory_space<vmem>> -> memref<8x128xi32, #tpu.memory_space<vmem>>
        %dma_start3A_722 = arith.constant 0 : i32
        %dma_start3A_723 = tpu.memref_slice %dma_start3A_721[%run_scoped3A_281, %dma_start3A_722] : memref<8x128xi32, #tpu.memory_space<vmem>> -> memref<1x128xi32, #tpu.memory_space<vmem>>
        %dma_start3A_724 = tpu.memref_squeeze %dma_start3A_723 : memref<1x128xi32, #tpu.memory_space<vmem>> -> memref<128xi32, #tpu.memory_space<vmem>>
        %dma_start3A_725 = arith.constant 0 : i32
        %dma_start3A_726 = arith.constant 0 : i32
        %dma_start3A_727 = tpu.memref_slice %arg10[%dma_start3A_725, %dma_start3A_726] : memref<10240x128xf32, #tpu.memory_space<vmem_shared>> -> memref<10240x128xf32, #tpu.memory_space<vmem_shared>>
        tpu.enqueue_indirect_dma source(%dma_start3A_717 : memref<128x128xf32, #tpu.memory_space<vmem>>) target(%dma_start3A_727 : memref<10240x128xf32, #tpu.memory_space<vmem_shared>>) offsets(%dma_start3A_724 : memref<128xi32, #tpu.memory_space<vmem>>) semaphore(%run_scoped3A_713 : memref<!tpu.dma_semaphore, #tpu.memory_space<semaphore_mem>>) {add = true}
        %dma_wait3A_728 = arith.constant 0 : i32
        %dma_wait3A_729 = arith.constant 0 : i32
        %dma_wait3A_730 = tpu.memref_slice %arg9[%run_scoped3A_279, %dma_wait3A_728, %dma_wait3A_729] : memref<2x128x128xf32, #tpu.memory_space<vmem>> -> memref<1x128x128xf32, #tpu.memory_space<vmem>>
        %dma_wait3A_731 = tpu.memref_squeeze %dma_wait3A_730 : memref<1x128x128xf32, #tpu.memory_space<vmem>> -> memref<128x128xf32, #tpu.memory_space<vmem>>
        %dma_wait3A_732 = arith.constant 0 : i32
        %dma_wait3A_733 = arith.constant 0 : i32
        %dma_wait3A_734 = tpu.memref_slice %arg8[%run_scoped3A_280, %dma_wait3A_732, %dma_wait3A_733] : memref<2x8x128xi32, #tpu.memory_space<vmem>> -> memref<1x8x128xi32, #tpu.memory_space<vmem>>
        %dma_wait3A_735 = tpu.memref_squeeze %dma_wait3A_734 : memref<1x8x128xi32, #tpu.memory_space<vmem>> -> memref<8x128xi32, #tpu.memory_space<vmem>>
        %dma_wait3A_736 = arith.constant 0 : i32
        %dma_wait3A_737 = tpu.memref_slice %dma_wait3A_735[%run_scoped3A_281, %dma_wait3A_736] : memref<8x128xi32, #tpu.memory_space<vmem>> -> memref<1x128xi32, #tpu.memory_space<vmem>>
        %dma_wait3A_738 = tpu.memref_squeeze %dma_wait3A_737 : memref<1x128xi32, #tpu.memory_space<vmem>> -> memref<128xi32, #tpu.memory_space<vmem>>
        %dma_wait3A_739 = arith.constant 0 : i32
        %dma_wait3A_740 = arith.constant 0 : i32
        %dma_wait3A_741 = tpu.memref_slice %arg10[%dma_wait3A_739, %dma_wait3A_740] : memref<10240x128xf32, #tpu.memory_space<vmem_shared>> -> memref<10240x128xf32, #tpu.memory_space<vmem_shared>>
        tpu.wait_indirect_dma semaphore(%run_scoped3A_713 : memref<!tpu.dma_semaphore, #tpu.memory_space<semaphore_mem>>) src(%dma_wait3A_731 : memref<128x128xf32, #tpu.memory_space<vmem>>) dst(%dma_wait3A_741 : memref<10240x128xf32, #tpu.memory_space<vmem_shared>>)
        tpu.yield
      }) : () -> ()
      %dma_start3A_282 = arith.constant 0 : i32
      %dma_start3A_283 = arith.constant 6 : i32
      %dma_start3A_284 = arith.constant 0 : i32
      %dma_start3A_285 = arith.constant 0 : i32
      %dma_start3A_286 = arith.constant 0 : i32
      %dma_start3A_287 = tpu.memref_slice %arg9[%dma_start3A_284, %dma_start3A_285, %dma_start3A_286] : memref<2x128x128xf32, #tpu.memory_space<vmem>> -> memref<1x128x128xf32, #tpu.memory_space<vmem>>
      %dma_start3A_288 = tpu.memref_squeeze %dma_start3A_287 : memref<1x128x128xf32, #tpu.memory_space<vmem>> -> memref<128x128xf32, #tpu.memory_space<vmem>>
      %dma_start3A_289 = arith.constant 0 : i32
      %dma_start3A_290 = arith.constant 0 : i32
      %dma_start3A_291 = tpu.memref_slice %arg7[%dma_start3A_282, %dma_start3A_289, %dma_start3A_290] : memref<2x8x128xi32, #tpu.memory_space<vmem>> -> memref<1x8x128xi32, #tpu.memory_space<vmem>>
      %dma_start3A_292 = tpu.memref_squeeze %dma_start3A_291 : memref<1x8x128xi32, #tpu.memory_space<vmem>> -> memref<8x128xi32, #tpu.memory_space<vmem>>
      %dma_start3A_293 = arith.constant 0 : i32
      %dma_start3A_294 = tpu.memref_slice %dma_start3A_292[%dma_start3A_283, %dma_start3A_293] : memref<8x128xi32, #tpu.memory_space<vmem>> -> memref<1x128xi32, #tpu.memory_space<vmem>>
      %dma_start3A_295 = tpu.memref_squeeze %dma_start3A_294 : memref<1x128xi32, #tpu.memory_space<vmem>> -> memref<128xi32, #tpu.memory_space<vmem>>
      %dma_start3A_296 = arith.constant 0 : i32
      %dma_start3A_297 = arith.constant 0 : i32
      %dma_start3A_298 = tpu.memref_slice %arg4[%dma_start3A_296, %dma_start3A_297] : memref<10240x128xf32, #tpu.memory_space<hbm>> -> memref<10240x128xf32, #tpu.memory_space<hbm>>
      tpu.enqueue_indirect_dma source(%dma_start3A_298 : memref<10240x128xf32, #tpu.memory_space<hbm>>) target(%dma_start3A_288 : memref<128x128xf32, #tpu.memory_space<vmem>>) offsets(%dma_start3A_295 : memref<128xi32, #tpu.memory_space<vmem>>) semaphore(%arg11 : memref<!tpu.dma_semaphore, #tpu.memory_space<semaphore_mem>>)
      %dma_wait3A_299 = arith.constant 0 : i32
      %dma_wait3A_300 = arith.constant 5 : i32
      %dma_wait3A_301 = arith.constant 1 : i32
      %dma_wait3A_302 = arith.constant 0 : i32
      %dma_wait3A_303 = arith.constant 0 : i32
      %dma_wait3A_304 = tpu.memref_slice %arg9[%dma_wait3A_301, %dma_wait3A_302, %dma_wait3A_303] : memref<2x128x128xf32, #tpu.memory_space<vmem>> -> memref<1x128x128xf32, #tpu.memory_space<vmem>>
      %dma_wait3A_305 = tpu.memref_squeeze %dma_wait3A_304 : memref<1x128x128xf32, #tpu.memory_space<vmem>> -> memref<128x128xf32, #tpu.memory_space<vmem>>
      %dma_wait3A_306 = arith.constant 0 : i32
      %dma_wait3A_307 = arith.constant 0 : i32
      %dma_wait3A_308 = tpu.memref_slice %arg7[%dma_wait3A_299, %dma_wait3A_306, %dma_wait3A_307] : memref<2x8x128xi32, #tpu.memory_space<vmem>> -> memref<1x8x128xi32, #tpu.memory_space<vmem>>
      %dma_wait3A_309 = tpu.memref_squeeze %dma_wait3A_308 : memref<1x8x128xi32, #tpu.memory_space<vmem>> -> memref<8x128xi32, #tpu.memory_space<vmem>>
      %dma_wait3A_310 = arith.constant 0 : i32
      %dma_wait3A_311 = tpu.memref_slice %dma_wait3A_309[%dma_wait3A_300, %dma_wait3A_310] : memref<8x128xi32, #tpu.memory_space<vmem>> -> memref<1x128xi32, #tpu.memory_space<vmem>>
      %dma_wait3A_312 = tpu.memref_squeeze %dma_wait3A_311 : memref<1x128xi32, #tpu.memory_space<vmem>> -> memref<128xi32, #tpu.memory_space<vmem>>
      %dma_wait3A_313 = arith.constant 0 : i32
      %dma_wait3A_314 = arith.constant 0 : i32
      %dma_wait3A_315 = tpu.memref_slice %arg4[%dma_wait3A_313, %dma_wait3A_314] : memref<10240x128xf32, #tpu.memory_space<hbm>> -> memref<10240x128xf32, #tpu.memory_space<hbm>>
      tpu.wait_indirect_dma semaphore(%arg12 : memref<!tpu.dma_semaphore, #tpu.memory_space<semaphore_mem>>) src(%dma_wait3A_315 : memref<10240x128xf32, #tpu.memory_space<hbm>>) dst(%dma_wait3A_305 : memref<128x128xf32, #tpu.memory_space<vmem>>)
      %run_scoped3A_316 = arith.constant 1 : i32
      %run_scoped3A_317 = arith.constant 0 : i32
      %run_scoped3A_318 = arith.constant 5 : i32
      "tpu.region"() ({
        %run_scoped3A_713 = tpu.sem_alloc : memref<!tpu.dma_semaphore, #tpu.memory_space<semaphore_mem>>
        %dma_start3A_714 = arith.constant 0 : i32
        %dma_start3A_715 = arith.constant 0 : i32
        %dma_start3A_716 = tpu.memref_slice %arg9[%run_scoped3A_316, %dma_start3A_714, %dma_start3A_715] : memref<2x128x128xf32, #tpu.memory_space<vmem>> -> memref<1x128x128xf32, #tpu.memory_space<vmem>>
        %dma_start3A_717 = tpu.memref_squeeze %dma_start3A_716 : memref<1x128x128xf32, #tpu.memory_space<vmem>> -> memref<128x128xf32, #tpu.memory_space<vmem>>
        %dma_start3A_718 = arith.constant 0 : i32
        %dma_start3A_719 = arith.constant 0 : i32
        %dma_start3A_720 = tpu.memref_slice %arg8[%run_scoped3A_317, %dma_start3A_718, %dma_start3A_719] : memref<2x8x128xi32, #tpu.memory_space<vmem>> -> memref<1x8x128xi32, #tpu.memory_space<vmem>>
        %dma_start3A_721 = tpu.memref_squeeze %dma_start3A_720 : memref<1x8x128xi32, #tpu.memory_space<vmem>> -> memref<8x128xi32, #tpu.memory_space<vmem>>
        %dma_start3A_722 = arith.constant 0 : i32
        %dma_start3A_723 = tpu.memref_slice %dma_start3A_721[%run_scoped3A_318, %dma_start3A_722] : memref<8x128xi32, #tpu.memory_space<vmem>> -> memref<1x128xi32, #tpu.memory_space<vmem>>
        %dma_start3A_724 = tpu.memref_squeeze %dma_start3A_723 : memref<1x128xi32, #tpu.memory_space<vmem>> -> memref<128xi32, #tpu.memory_space<vmem>>
        %dma_start3A_725 = arith.constant 0 : i32
        %dma_start3A_726 = arith.constant 0 : i32
        %dma_start3A_727 = tpu.memref_slice %arg10[%dma_start3A_725, %dma_start3A_726] : memref<10240x128xf32, #tpu.memory_space<vmem_shared>> -> memref<10240x128xf32, #tpu.memory_space<vmem_shared>>
        tpu.enqueue_indirect_dma source(%dma_start3A_717 : memref<128x128xf32, #tpu.memory_space<vmem>>) target(%dma_start3A_727 : memref<10240x128xf32, #tpu.memory_space<vmem_shared>>) offsets(%dma_start3A_724 : memref<128xi32, #tpu.memory_space<vmem>>) semaphore(%run_scoped3A_713 : memref<!tpu.dma_semaphore, #tpu.memory_space<semaphore_mem>>) {add = true}
        %dma_wait3A_728 = arith.constant 0 : i32
        %dma_wait3A_729 = arith.constant 0 : i32
        %dma_wait3A_730 = tpu.memref_slice %arg9[%run_scoped3A_316, %dma_wait3A_728, %dma_wait3A_729] : memref<2x128x128xf32, #tpu.memory_space<vmem>> -> memref<1x128x128xf32, #tpu.memory_space<vmem>>
        %dma_wait3A_731 = tpu.memref_squeeze %dma_wait3A_730 : memref<1x128x128xf32, #tpu.memory_space<vmem>> -> memref<128x128xf32, #tpu.memory_space<vmem>>
        %dma_wait3A_732 = arith.constant 0 : i32
        %dma_wait3A_733 = arith.constant 0 : i32
        %dma_wait3A_734 = tpu.memref_slice %arg8[%run_scoped3A_317, %dma_wait3A_732, %dma_wait3A_733] : memref<2x8x128xi32, #tpu.memory_space<vmem>> -> memref<1x8x128xi32, #tpu.memory_space<vmem>>
        %dma_wait3A_735 = tpu.memref_squeeze %dma_wait3A_734 : memref<1x8x128xi32, #tpu.memory_space<vmem>> -> memref<8x128xi32, #tpu.memory_space<vmem>>
        %dma_wait3A_736 = arith.constant 0 : i32
        %dma_wait3A_737 = tpu.memref_slice %dma_wait3A_735[%run_scoped3A_318, %dma_wait3A_736] : memref<8x128xi32, #tpu.memory_space<vmem>> -> memref<1x128xi32, #tpu.memory_space<vmem>>
        %dma_wait3A_738 = tpu.memref_squeeze %dma_wait3A_737 : memref<1x128xi32, #tpu.memory_space<vmem>> -> memref<128xi32, #tpu.memory_space<vmem>>
        %dma_wait3A_739 = arith.constant 0 : i32
        %dma_wait3A_740 = arith.constant 0 : i32
        %dma_wait3A_741 = tpu.memref_slice %arg10[%dma_wait3A_739, %dma_wait3A_740] : memref<10240x128xf32, #tpu.memory_space<vmem_shared>> -> memref<10240x128xf32, #tpu.memory_space<vmem_shared>>
        tpu.wait_indirect_dma semaphore(%run_scoped3A_713 : memref<!tpu.dma_semaphore, #tpu.memory_space<semaphore_mem>>) src(%dma_wait3A_731 : memref<128x128xf32, #tpu.memory_space<vmem>>) dst(%dma_wait3A_741 : memref<10240x128xf32, #tpu.memory_space<vmem_shared>>)
        tpu.yield
      }) : () -> ()
      %dma_start3A_319 = arith.constant 0 : i32
      %dma_start3A_320 = arith.constant 7 : i32
      %dma_start3A_321 = arith.constant 1 : i32
      %dma_start3A_322 = arith.constant 0 : i32
      %dma_start3A_323 = arith.constant 0 : i32
      %dma_start3A_324 = tpu.memref_slice %arg9[%dma_start3A_321, %dma_start3A_322, %dma_start3A_323] : memref<2x128x128xf32, #tpu.memory_space<vmem>> -> memref<1x128x128xf32, #tpu.memory_space<vmem>>
      %dma_start3A_325 = tpu.memref_squeeze %dma_start3A_324 : memref<1x128x128xf32, #tpu.memory_space<vmem>> -> memref<128x128xf32, #tpu.memory_space<vmem>>
      %dma_start3A_326 = arith.constant 0 : i32
      %dma_start3A_327 = arith.constant 0 : i32
      %dma_start3A_328 = tpu.memref_slice %arg7[%dma_start3A_319, %dma_start3A_326, %dma_start3A_327] : memref<2x8x128xi32, #tpu.memory_space<vmem>> -> memref<1x8x128xi32, #tpu.memory_space<vmem>>
      %dma_start3A_329 = tpu.memref_squeeze %dma_start3A_328 : memref<1x8x128xi32, #tpu.memory_space<vmem>> -> memref<8x128xi32, #tpu.memory_space<vmem>>
      %dma_start3A_330 = arith.constant 0 : i32
      %dma_start3A_331 = tpu.memref_slice %dma_start3A_329[%dma_start3A_320, %dma_start3A_330] : memref<8x128xi32, #tpu.memory_space<vmem>> -> memref<1x128xi32, #tpu.memory_space<vmem>>
      %dma_start3A_332 = tpu.memref_squeeze %dma_start3A_331 : memref<1x128xi32, #tpu.memory_space<vmem>> -> memref<128xi32, #tpu.memory_space<vmem>>
      %dma_start3A_333 = arith.constant 0 : i32
      %dma_start3A_334 = arith.constant 0 : i32
      %dma_start3A_335 = tpu.memref_slice %arg4[%dma_start3A_333, %dma_start3A_334] : memref<10240x128xf32, #tpu.memory_space<hbm>> -> memref<10240x128xf32, #tpu.memory_space<hbm>>
      tpu.enqueue_indirect_dma source(%dma_start3A_335 : memref<10240x128xf32, #tpu.memory_space<hbm>>) target(%dma_start3A_325 : memref<128x128xf32, #tpu.memory_space<vmem>>) offsets(%dma_start3A_332 : memref<128xi32, #tpu.memory_space<vmem>>) semaphore(%arg12 : memref<!tpu.dma_semaphore, #tpu.memory_space<semaphore_mem>>)
      %dma_wait3A_336 = arith.constant 0 : i32
      %dma_wait3A_337 = arith.constant 6 : i32
      %dma_wait3A_338 = arith.constant 0 : i32
      %dma_wait3A_339 = arith.constant 0 : i32
      %dma_wait3A_340 = arith.constant 0 : i32
      %dma_wait3A_341 = tpu.memref_slice %arg9[%dma_wait3A_338, %dma_wait3A_339, %dma_wait3A_340] : memref<2x128x128xf32, #tpu.memory_space<vmem>> -> memref<1x128x128xf32, #tpu.memory_space<vmem>>
      %dma_wait3A_342 = tpu.memref_squeeze %dma_wait3A_341 : memref<1x128x128xf32, #tpu.memory_space<vmem>> -> memref<128x128xf32, #tpu.memory_space<vmem>>
      %dma_wait3A_343 = arith.constant 0 : i32
      %dma_wait3A_344 = arith.constant 0 : i32
      %dma_wait3A_345 = tpu.memref_slice %arg7[%dma_wait3A_336, %dma_wait3A_343, %dma_wait3A_344] : memref<2x8x128xi32, #tpu.memory_space<vmem>> -> memref<1x8x128xi32, #tpu.memory_space<vmem>>
      %dma_wait3A_346 = tpu.memref_squeeze %dma_wait3A_345 : memref<1x8x128xi32, #tpu.memory_space<vmem>> -> memref<8x128xi32, #tpu.memory_space<vmem>>
      %dma_wait3A_347 = arith.constant 0 : i32
      %dma_wait3A_348 = tpu.memref_slice %dma_wait3A_346[%dma_wait3A_337, %dma_wait3A_347] : memref<8x128xi32, #tpu.memory_space<vmem>> -> memref<1x128xi32, #tpu.memory_space<vmem>>
      %dma_wait3A_349 = tpu.memref_squeeze %dma_wait3A_348 : memref<1x128xi32, #tpu.memory_space<vmem>> -> memref<128xi32, #tpu.memory_space<vmem>>
      %dma_wait3A_350 = arith.constant 0 : i32
      %dma_wait3A_351 = arith.constant 0 : i32
      %dma_wait3A_352 = tpu.memref_slice %arg4[%dma_wait3A_350, %dma_wait3A_351] : memref<10240x128xf32, #tpu.memory_space<hbm>> -> memref<10240x128xf32, #tpu.memory_space<hbm>>
      tpu.wait_indirect_dma semaphore(%arg11 : memref<!tpu.dma_semaphore, #tpu.memory_space<semaphore_mem>>) src(%dma_wait3A_352 : memref<10240x128xf32, #tpu.memory_space<hbm>>) dst(%dma_wait3A_342 : memref<128x128xf32, #tpu.memory_space<vmem>>)
      %run_scoped3A_353 = arith.constant 0 : i32
      %run_scoped3A_354 = arith.constant 0 : i32
      %run_scoped3A_355 = arith.constant 6 : i32
      "tpu.region"() ({
        %run_scoped3A_713 = tpu.sem_alloc : memref<!tpu.dma_semaphore, #tpu.memory_space<semaphore_mem>>
        %dma_start3A_714 = arith.constant 0 : i32
        %dma_start3A_715 = arith.constant 0 : i32
        %dma_start3A_716 = tpu.memref_slice %arg9[%run_scoped3A_353, %dma_start3A_714, %dma_start3A_715] : memref<2x128x128xf32, #tpu.memory_space<vmem>> -> memref<1x128x128xf32, #tpu.memory_space<vmem>>
        %dma_start3A_717 = tpu.memref_squeeze %dma_start3A_716 : memref<1x128x128xf32, #tpu.memory_space<vmem>> -> memref<128x128xf32, #tpu.memory_space<vmem>>
        %dma_start3A_718 = arith.constant 0 : i32
        %dma_start3A_719 = arith.constant 0 : i32
        %dma_start3A_720 = tpu.memref_slice %arg8[%run_scoped3A_354, %dma_start3A_718, %dma_start3A_719] : memref<2x8x128xi32, #tpu.memory_space<vmem>> -> memref<1x8x128xi32, #tpu.memory_space<vmem>>
        %dma_start3A_721 = tpu.memref_squeeze %dma_start3A_720 : memref<1x8x128xi32, #tpu.memory_space<vmem>> -> memref<8x128xi32, #tpu.memory_space<vmem>>
        %dma_start3A_722 = arith.constant 0 : i32
        %dma_start3A_723 = tpu.memref_slice %dma_start3A_721[%run_scoped3A_355, %dma_start3A_722] : memref<8x128xi32, #tpu.memory_space<vmem>> -> memref<1x128xi32, #tpu.memory_space<vmem>>
        %dma_start3A_724 = tpu.memref_squeeze %dma_start3A_723 : memref<1x128xi32, #tpu.memory_space<vmem>> -> memref<128xi32, #tpu.memory_space<vmem>>
        %dma_start3A_725 = arith.constant 0 : i32
        %dma_start3A_726 = arith.constant 0 : i32
        %dma_start3A_727 = tpu.memref_slice %arg10[%dma_start3A_725, %dma_start3A_726] : memref<10240x128xf32, #tpu.memory_space<vmem_shared>> -> memref<10240x128xf32, #tpu.memory_space<vmem_shared>>
        tpu.enqueue_indirect_dma source(%dma_start3A_717 : memref<128x128xf32, #tpu.memory_space<vmem>>) target(%dma_start3A_727 : memref<10240x128xf32, #tpu.memory_space<vmem_shared>>) offsets(%dma_start3A_724 : memref<128xi32, #tpu.memory_space<vmem>>) semaphore(%run_scoped3A_713 : memref<!tpu.dma_semaphore, #tpu.memory_space<semaphore_mem>>) {add = true}
        %dma_wait3A_728 = arith.constant 0 : i32
        %dma_wait3A_729 = arith.constant 0 : i32
        %dma_wait3A_730 = tpu.memref_slice %arg9[%run_scoped3A_353, %dma_wait3A_728, %dma_wait3A_729] : memref<2x128x128xf32, #tpu.memory_space<vmem>> -> memref<1x128x128xf32, #tpu.memory_space<vmem>>
        %dma_wait3A_731 = tpu.memref_squeeze %dma_wait3A_730 : memref<1x128x128xf32, #tpu.memory_space<vmem>> -> memref<128x128xf32, #tpu.memory_space<vmem>>
        %dma_wait3A_732 = arith.constant 0 : i32
        %dma_wait3A_733 = arith.constant 0 : i32
        %dma_wait3A_734 = tpu.memref_slice %arg8[%run_scoped3A_354, %dma_wait3A_732, %dma_wait3A_733] : memref<2x8x128xi32, #tpu.memory_space<vmem>> -> memref<1x8x128xi32, #tpu.memory_space<vmem>>
        %dma_wait3A_735 = tpu.memref_squeeze %dma_wait3A_734 : memref<1x8x128xi32, #tpu.memory_space<vmem>> -> memref<8x128xi32, #tpu.memory_space<vmem>>
        %dma_wait3A_736 = arith.constant 0 : i32
        %dma_wait3A_737 = tpu.memref_slice %dma_wait3A_735[%run_scoped3A_355, %dma_wait3A_736] : memref<8x128xi32, #tpu.memory_space<vmem>> -> memref<1x128xi32, #tpu.memory_space<vmem>>
        %dma_wait3A_738 = tpu.memref_squeeze %dma_wait3A_737 : memref<1x128xi32, #tpu.memory_space<vmem>> -> memref<128xi32, #tpu.memory_space<vmem>>
        %dma_wait3A_739 = arith.constant 0 : i32
        %dma_wait3A_740 = arith.constant 0 : i32
        %dma_wait3A_741 = tpu.memref_slice %arg10[%dma_wait3A_739, %dma_wait3A_740] : memref<10240x128xf32, #tpu.memory_space<vmem_shared>> -> memref<10240x128xf32, #tpu.memory_space<vmem_shared>>
        tpu.wait_indirect_dma semaphore(%run_scoped3A_713 : memref<!tpu.dma_semaphore, #tpu.memory_space<semaphore_mem>>) src(%dma_wait3A_731 : memref<128x128xf32, #tpu.memory_space<vmem>>) dst(%dma_wait3A_741 : memref<10240x128xf32, #tpu.memory_space<vmem_shared>>)
        tpu.yield
      }) : () -> ()
      %dma_wait3A_356 = arith.constant 0 : i32
      %dma_wait3A_357 = arith.constant 7 : i32
      %dma_wait3A_358 = arith.constant 1 : i32
      %dma_wait3A_359 = arith.constant 0 : i32
      %dma_wait3A_360 = arith.constant 0 : i32
      %dma_wait3A_361 = tpu.memref_slice %arg9[%dma_wait3A_358, %dma_wait3A_359, %dma_wait3A_360] : memref<2x128x128xf32, #tpu.memory_space<vmem>> -> memref<1x128x128xf32, #tpu.memory_space<vmem>>
      %dma_wait3A_362 = tpu.memref_squeeze %dma_wait3A_361 : memref<1x128x128xf32, #tpu.memory_space<vmem>> -> memref<128x128xf32, #tpu.memory_space<vmem>>
      %dma_wait3A_363 = arith.constant 0 : i32
      %dma_wait3A_364 = arith.constant 0 : i32
      %dma_wait3A_365 = tpu.memref_slice %arg7[%dma_wait3A_356, %dma_wait3A_363, %dma_wait3A_364] : memref<2x8x128xi32, #tpu.memory_space<vmem>> -> memref<1x8x128xi32, #tpu.memory_space<vmem>>
      %dma_wait3A_366 = tpu.memref_squeeze %dma_wait3A_365 : memref<1x8x128xi32, #tpu.memory_space<vmem>> -> memref<8x128xi32, #tpu.memory_space<vmem>>
      %dma_wait3A_367 = arith.constant 0 : i32
      %dma_wait3A_368 = tpu.memref_slice %dma_wait3A_366[%dma_wait3A_357, %dma_wait3A_367] : memref<8x128xi32, #tpu.memory_space<vmem>> -> memref<1x128xi32, #tpu.memory_space<vmem>>
      %dma_wait3A_369 = tpu.memref_squeeze %dma_wait3A_368 : memref<1x128xi32, #tpu.memory_space<vmem>> -> memref<128xi32, #tpu.memory_space<vmem>>
      %dma_wait3A_370 = arith.constant 0 : i32
      %dma_wait3A_371 = arith.constant 0 : i32
      %dma_wait3A_372 = tpu.memref_slice %arg4[%dma_wait3A_370, %dma_wait3A_371] : memref<10240x128xf32, #tpu.memory_space<hbm>> -> memref<10240x128xf32, #tpu.memory_space<hbm>>
      tpu.wait_indirect_dma semaphore(%arg12 : memref<!tpu.dma_semaphore, #tpu.memory_space<semaphore_mem>>) src(%dma_wait3A_372 : memref<10240x128xf32, #tpu.memory_space<hbm>>) dst(%dma_wait3A_362 : memref<128x128xf32, #tpu.memory_space<vmem>>)
      %run_scoped3A_373 = arith.constant 1 : i32
      %run_scoped3A_374 = arith.constant 0 : i32
      %run_scoped3A_375 = arith.constant 7 : i32
      "tpu.region"() ({
        %run_scoped3A_713 = tpu.sem_alloc : memref<!tpu.dma_semaphore, #tpu.memory_space<semaphore_mem>>
        %dma_start3A_714 = arith.constant 0 : i32
        %dma_start3A_715 = arith.constant 0 : i32
        %dma_start3A_716 = tpu.memref_slice %arg9[%run_scoped3A_373, %dma_start3A_714, %dma_start3A_715] : memref<2x128x128xf32, #tpu.memory_space<vmem>> -> memref<1x128x128xf32, #tpu.memory_space<vmem>>
        %dma_start3A_717 = tpu.memref_squeeze %dma_start3A_716 : memref<1x128x128xf32, #tpu.memory_space<vmem>> -> memref<128x128xf32, #tpu.memory_space<vmem>>
        %dma_start3A_718 = arith.constant 0 : i32
        %dma_start3A_719 = arith.constant 0 : i32
        %dma_start3A_720 = tpu.memref_slice %arg8[%run_scoped3A_374, %dma_start3A_718, %dma_start3A_719] : memref<2x8x128xi32, #tpu.memory_space<vmem>> -> memref<1x8x128xi32, #tpu.memory_space<vmem>>
        %dma_start3A_721 = tpu.memref_squeeze %dma_start3A_720 : memref<1x8x128xi32, #tpu.memory_space<vmem>> -> memref<8x128xi32, #tpu.memory_space<vmem>>
        %dma_start3A_722 = arith.constant 0 : i32
        %dma_start3A_723 = tpu.memref_slice %dma_start3A_721[%run_scoped3A_375, %dma_start3A_722] : memref<8x128xi32, #tpu.memory_space<vmem>> -> memref<1x128xi32, #tpu.memory_space<vmem>>
        %dma_start3A_724 = tpu.memref_squeeze %dma_start3A_723 : memref<1x128xi32, #tpu.memory_space<vmem>> -> memref<128xi32, #tpu.memory_space<vmem>>
        %dma_start3A_725 = arith.constant 0 : i32
        %dma_start3A_726 = arith.constant 0 : i32
        %dma_start3A_727 = tpu.memref_slice %arg10[%dma_start3A_725, %dma_start3A_726] : memref<10240x128xf32, #tpu.memory_space<vmem_shared>> -> memref<10240x128xf32, #tpu.memory_space<vmem_shared>>
        tpu.enqueue_indirect_dma source(%dma_start3A_717 : memref<128x128xf32, #tpu.memory_space<vmem>>) target(%dma_start3A_727 : memref<10240x128xf32, #tpu.memory_space<vmem_shared>>) offsets(%dma_start3A_724 : memref<128xi32, #tpu.memory_space<vmem>>) semaphore(%run_scoped3A_713 : memref<!tpu.dma_semaphore, #tpu.memory_space<semaphore_mem>>) {add = true}
        %dma_wait3A_728 = arith.constant 0 : i32
        %dma_wait3A_729 = arith.constant 0 : i32
        %dma_wait3A_730 = tpu.memref_slice %arg9[%run_scoped3A_373, %dma_wait3A_728, %dma_wait3A_729] : memref<2x128x128xf32, #tpu.memory_space<vmem>> -> memref<1x128x128xf32, #tpu.memory_space<vmem>>
        %dma_wait3A_731 = tpu.memref_squeeze %dma_wait3A_730 : memref<1x128x128xf32, #tpu.memory_space<vmem>> -> memref<128x128xf32, #tpu.memory_space<vmem>>
        %dma_wait3A_732 = arith.constant 0 : i32
        %dma_wait3A_733 = arith.constant 0 : i32
        %dma_wait3A_734 = tpu.memref_slice %arg8[%run_scoped3A_374, %dma_wait3A_732, %dma_wait3A_733] : memref<2x8x128xi32, #tpu.memory_space<vmem>> -> memref<1x8x128xi32, #tpu.memory_space<vmem>>
        %dma_wait3A_735 = tpu.memref_squeeze %dma_wait3A_734 : memref<1x8x128xi32, #tpu.memory_space<vmem>> -> memref<8x128xi32, #tpu.memory_space<vmem>>
        %dma_wait3A_736 = arith.constant 0 : i32
        %dma_wait3A_737 = tpu.memref_slice %dma_wait3A_735[%run_scoped3A_375, %dma_wait3A_736] : memref<8x128xi32, #tpu.memory_space<vmem>> -> memref<1x128xi32, #tpu.memory_space<vmem>>
        %dma_wait3A_738 = tpu.memref_squeeze %dma_wait3A_737 : memref<1x128xi32, #tpu.memory_space<vmem>> -> memref<128xi32, #tpu.memory_space<vmem>>
        %dma_wait3A_739 = arith.constant 0 : i32
        %dma_wait3A_740 = arith.constant 0 : i32
        %dma_wait3A_741 = tpu.memref_slice %arg10[%dma_wait3A_739, %dma_wait3A_740] : memref<10240x128xf32, #tpu.memory_space<vmem_shared>> -> memref<10240x128xf32, #tpu.memory_space<vmem_shared>>
        tpu.wait_indirect_dma semaphore(%run_scoped3A_713 : memref<!tpu.dma_semaphore, #tpu.memory_space<semaphore_mem>>) src(%dma_wait3A_731 : memref<128x128xf32, #tpu.memory_space<vmem>>) dst(%dma_wait3A_741 : memref<10240x128xf32, #tpu.memory_space<vmem_shared>>)
        tpu.yield
      }) : () -> ()
      %mul3A_376 = arith.constant 2 : i32
      %mul3A_377 = arith.muli %scan3A_43, %mul3A_376 : i32
      %add3A_378 = arith.constant 1 : i32
      %add3A_379 = arith.addi %mul3A_377, %add3A_378 : i32
      %lt3A_380 = arith.constant 9 : i32
      %lt3A_381 = arith.cmpi slt, %add3A_379, %lt3A_380 : i32
      %convert_element_type3A_382 = arith.extui %lt3A_381 : i1 to i32
      %cond3A_383 = arith.constant 0 : i32
      %cond3A_384 = arith.cmpi ne, %convert_element_type3A_382, %cond3A_383 : i32
      scf.if %cond3A_384 {
        %add3A_713 = arith.constant 1 : i32
        %add3A_714 = arith.addi %add3A_379, %add3A_713 : i32
        %mul3A_715 = arith.constant 8 : i32
        %mul3A_716 = arith.muli %add3A_714, %mul3A_715 : i32
        %add3A_717 = arith.addi %mul3A_2, %mul3A_716 : i32
        %dma_start3A_718 = arith.constant 0 : i32
        %dma_start3A_719 = arith.constant 0 : i32
        %dma_start3A_720 = arith.constant 0 : i32
        %dma_start3A_721 = tpu.memref_slice %arg7[%dma_start3A_718, %dma_start3A_719, %dma_start3A_720] : memref<2x8x128xi32, #tpu.memory_space<vmem>> -> memref<1x8x128xi32, #tpu.memory_space<vmem>>
        %dma_start3A_722 = tpu.memref_squeeze %dma_start3A_721 : memref<1x8x128xi32, #tpu.memory_space<vmem>> -> memref<8x128xi32, #tpu.memory_space<vmem>>
        %dma_start3A_723 = arith.constant 0 : i32
        %dma_start3A_724 = tpu.memref_slice %arg2[%add3A_717, %dma_start3A_723] : memref<2560x128xi32, #tpu.memory_space<hbm>> -> memref<8x128xi32, #tpu.memory_space<hbm>>
        %dma_start3A_725 = arith.constant 0 : i32
        %dma_start3A_726 = arith.constant 0 : i32
        %dma_start3A_727 = tpu.memref_slice %arg7[%dma_start3A_718, %dma_start3A_725, %dma_start3A_726] : memref<2x8x128xi32, #tpu.memory_space<vmem>> -> memref<1x8x128xi32, #tpu.memory_space<vmem>>
        %dma_start3A_728 = tpu.memref_squeeze %dma_start3A_727 : memref<1x8x128xi32, #tpu.memory_space<vmem>> -> memref<8x128xi32, #tpu.memory_space<vmem>>
        %dma_start3A_729 = arith.constant 0 : i32
        %dma_start3A_730 = tpu.memref_slice %arg2[%add3A_717, %dma_start3A_729] : memref<2560x128xi32, #tpu.memory_space<hbm>> -> memref<8x128xi32, #tpu.memory_space<hbm>>
        tpu.enqueue_dma source(%dma_start3A_730 : memref<8x128xi32, #tpu.memory_space<hbm>>) target(%dma_start3A_728 : memref<8x128xi32, #tpu.memory_space<vmem>>) target_semaphore(%arg13 : memref<!tpu.dma_semaphore, #tpu.memory_space<semaphore_mem>>)
        %mul3A_731 = arith.constant 8 : i32
        %mul3A_732 = arith.muli %add3A_714, %mul3A_731 : i32
        %add3A_733 = arith.addi %mul3A_2, %mul3A_732 : i32
        %dma_start3A_734 = arith.constant 0 : i32
        %dma_start3A_735 = arith.constant 0 : i32
        %dma_start3A_736 = arith.constant 0 : i32
        %dma_start3A_737 = tpu.memref_slice %arg8[%dma_start3A_734, %dma_start3A_735, %dma_start3A_736] : memref<2x8x128xi32, #tpu.memory_space<vmem>> -> memref<1x8x128xi32, #tpu.memory_space<vmem>>
        %dma_start3A_738 = tpu.memref_squeeze %dma_start3A_737 : memref<1x8x128xi32, #tpu.memory_space<vmem>> -> memref<8x128xi32, #tpu.memory_space<vmem>>
        %dma_start3A_739 = arith.constant 0 : i32
        %dma_start3A_740 = tpu.memref_slice %arg3[%add3A_733, %dma_start3A_739] : memref<2560x128xi32, #tpu.memory_space<hbm>> -> memref<8x128xi32, #tpu.memory_space<hbm>>
        %dma_start3A_741 = arith.constant 0 : i32
        %dma_start3A_742 = arith.constant 0 : i32
        %dma_start3A_743 = tpu.memref_slice %arg8[%dma_start3A_734, %dma_start3A_741, %dma_start3A_742] : memref<2x8x128xi32, #tpu.memory_space<vmem>> -> memref<1x8x128xi32, #tpu.memory_space<vmem>>
        %dma_start3A_744 = tpu.memref_squeeze %dma_start3A_743 : memref<1x8x128xi32, #tpu.memory_space<vmem>> -> memref<8x128xi32, #tpu.memory_space<vmem>>
        %dma_start3A_745 = arith.constant 0 : i32
        %dma_start3A_746 = tpu.memref_slice %arg3[%add3A_733, %dma_start3A_745] : memref<2560x128xi32, #tpu.memory_space<hbm>> -> memref<8x128xi32, #tpu.memory_space<hbm>>
        tpu.enqueue_dma source(%dma_start3A_746 : memref<8x128xi32, #tpu.memory_space<hbm>>) target(%dma_start3A_744 : memref<8x128xi32, #tpu.memory_space<vmem>>) target_semaphore(%arg13 : memref<!tpu.dma_semaphore, #tpu.memory_space<semaphore_mem>>)
      } else {
      }
      %mul3A_385 = arith.constant 8 : i32
      %mul3A_386 = arith.muli %add3A_379, %mul3A_385 : i32
      %add3A_387 = arith.addi %mul3A_2, %mul3A_386 : i32
      %dma_wait3A_388 = arith.constant 1 : i32
      %dma_wait3A_389 = arith.constant 0 : i32
      %dma_wait3A_390 = arith.constant 0 : i32
      %dma_wait3A_391 = tpu.memref_slice %arg7[%dma_wait3A_388, %dma_wait3A_389, %dma_wait3A_390] : memref<2x8x128xi32, #tpu.memory_space<vmem>> -> memref<1x8x128xi32, #tpu.memory_space<vmem>>
      %dma_wait3A_392 = tpu.memref_squeeze %dma_wait3A_391 : memref<1x8x128xi32, #tpu.memory_space<vmem>> -> memref<8x128xi32, #tpu.memory_space<vmem>>
      %dma_wait3A_393 = arith.constant 0 : i32
      %dma_wait3A_394 = tpu.memref_slice %arg2[%add3A_387, %dma_wait3A_393] : memref<2560x128xi32, #tpu.memory_space<hbm>> -> memref<8x128xi32, #tpu.memory_space<hbm>>
      %dma_wait3A_395 = arith.constant 0 : i32
      %dma_wait3A_396 = arith.constant 0 : i32
      %dma_wait3A_397 = tpu.memref_slice %arg7[%dma_wait3A_388, %dma_wait3A_395, %dma_wait3A_396] : memref<2x8x128xi32, #tpu.memory_space<vmem>> -> memref<1x8x128xi32, #tpu.memory_space<vmem>>
      %dma_wait3A_398 = tpu.memref_squeeze %dma_wait3A_397 : memref<1x8x128xi32, #tpu.memory_space<vmem>> -> memref<8x128xi32, #tpu.memory_space<vmem>>
      %dma_wait3A_399 = arith.constant 0 : i32
      %dma_wait3A_400 = tpu.memref_slice %arg2[%add3A_387, %dma_wait3A_399] : memref<2560x128xi32, #tpu.memory_space<hbm>> -> memref<8x128xi32, #tpu.memory_space<hbm>>
      tpu.wait_dma2 semaphore(%arg14 : memref<!tpu.dma_semaphore, #tpu.memory_space<semaphore_mem>>) src(%dma_wait3A_400 : memref<8x128xi32, #tpu.memory_space<hbm>>) dst(%dma_wait3A_398 : memref<8x128xi32, #tpu.memory_space<vmem>>)
      %mul3A_401 = arith.constant 8 : i32
      %mul3A_402 = arith.muli %add3A_379, %mul3A_401 : i32
      %add3A_403 = arith.addi %mul3A_2, %mul3A_402 : i32
      %dma_wait3A_404 = arith.constant 1 : i32
      %dma_wait3A_405 = arith.constant 0 : i32
      %dma_wait3A_406 = arith.constant 0 : i32
      %dma_wait3A_407 = tpu.memref_slice %arg8[%dma_wait3A_404, %dma_wait3A_405, %dma_wait3A_406] : memref<2x8x128xi32, #tpu.memory_space<vmem>> -> memref<1x8x128xi32, #tpu.memory_space<vmem>>
      %dma_wait3A_408 = tpu.memref_squeeze %dma_wait3A_407 : memref<1x8x128xi32, #tpu.memory_space<vmem>> -> memref<8x128xi32, #tpu.memory_space<vmem>>
      %dma_wait3A_409 = arith.constant 0 : i32
      %dma_wait3A_410 = tpu.memref_slice %arg3[%add3A_403, %dma_wait3A_409] : memref<2560x128xi32, #tpu.memory_space<hbm>> -> memref<8x128xi32, #tpu.memory_space<hbm>>
      %dma_wait3A_411 = arith.constant 0 : i32
      %dma_wait3A_412 = arith.constant 0 : i32
      %dma_wait3A_413 = tpu.memref_slice %arg8[%dma_wait3A_404, %dma_wait3A_411, %dma_wait3A_412] : memref<2x8x128xi32, #tpu.memory_space<vmem>> -> memref<1x8x128xi32, #tpu.memory_space<vmem>>
      %dma_wait3A_414 = tpu.memref_squeeze %dma_wait3A_413 : memref<1x8x128xi32, #tpu.memory_space<vmem>> -> memref<8x128xi32, #tpu.memory_space<vmem>>
      %dma_wait3A_415 = arith.constant 0 : i32
      %dma_wait3A_416 = tpu.memref_slice %arg3[%add3A_403, %dma_wait3A_415] : memref<2560x128xi32, #tpu.memory_space<hbm>> -> memref<8x128xi32, #tpu.memory_space<hbm>>
      tpu.wait_dma2 semaphore(%arg14 : memref<!tpu.dma_semaphore, #tpu.memory_space<semaphore_mem>>) src(%dma_wait3A_416 : memref<8x128xi32, #tpu.memory_space<hbm>>) dst(%dma_wait3A_414 : memref<8x128xi32, #tpu.memory_space<vmem>>)
      %dma_start3A_417 = arith.constant 1 : i32
      %dma_start3A_418 = arith.constant 0 : i32
      %dma_start3A_419 = arith.constant 0 : i32
      %dma_start3A_420 = arith.constant 0 : i32
      %dma_start3A_421 = arith.constant 0 : i32
      %dma_start3A_422 = tpu.memref_slice %arg9[%dma_start3A_419, %dma_start3A_420, %dma_start3A_421] : memref<2x128x128xf32, #tpu.memory_space<vmem>> -> memref<1x128x128xf32, #tpu.memory_space<vmem>>
      %dma_start3A_423 = tpu.memref_squeeze %dma_start3A_422 : memref<1x128x128xf32, #tpu.memory_space<vmem>> -> memref<128x128xf32, #tpu.memory_space<vmem>>
      %dma_start3A_424 = arith.constant 0 : i32
      %dma_start3A_425 = arith.constant 0 : i32
      %dma_start3A_426 = tpu.memref_slice %arg7[%dma_start3A_417, %dma_start3A_424, %dma_start3A_425] : memref<2x8x128xi32, #tpu.memory_space<vmem>> -> memref<1x8x128xi32, #tpu.memory_space<vmem>>
      %dma_start3A_427 = tpu.memref_squeeze %dma_start3A_426 : memref<1x8x128xi32, #tpu.memory_space<vmem>> -> memref<8x128xi32, #tpu.memory_space<vmem>>
      %dma_start3A_428 = arith.constant 0 : i32
      %dma_start3A_429 = tpu.memref_slice %dma_start3A_427[%dma_start3A_418, %dma_start3A_428] : memref<8x128xi32, #tpu.memory_space<vmem>> -> memref<1x128xi32, #tpu.memory_space<vmem>>
      %dma_start3A_430 = tpu.memref_squeeze %dma_start3A_429 : memref<1x128xi32, #tpu.memory_space<vmem>> -> memref<128xi32, #tpu.memory_space<vmem>>
      %dma_start3A_431 = arith.constant 0 : i32
      %dma_start3A_432 = arith.constant 0 : i32
      %dma_start3A_433 = tpu.memref_slice %arg4[%dma_start3A_431, %dma_start3A_432] : memref<10240x128xf32, #tpu.memory_space<hbm>> -> memref<10240x128xf32, #tpu.memory_space<hbm>>
      tpu.enqueue_indirect_dma source(%dma_start3A_433 : memref<10240x128xf32, #tpu.memory_space<hbm>>) target(%dma_start3A_423 : memref<128x128xf32, #tpu.memory_space<vmem>>) offsets(%dma_start3A_430 : memref<128xi32, #tpu.memory_space<vmem>>) semaphore(%arg11 : memref<!tpu.dma_semaphore, #tpu.memory_space<semaphore_mem>>)
      %dma_start3A_434 = arith.constant 1 : i32
      %dma_start3A_435 = arith.constant 1 : i32
      %dma_start3A_436 = arith.constant 1 : i32
      %dma_start3A_437 = arith.constant 0 : i32
      %dma_start3A_438 = arith.constant 0 : i32
      %dma_start3A_439 = tpu.memref_slice %arg9[%dma_start3A_436, %dma_start3A_437, %dma_start3A_438] : memref<2x128x128xf32, #tpu.memory_space<vmem>> -> memref<1x128x128xf32, #tpu.memory_space<vmem>>
      %dma_start3A_440 = tpu.memref_squeeze %dma_start3A_439 : memref<1x128x128xf32, #tpu.memory_space<vmem>> -> memref<128x128xf32, #tpu.memory_space<vmem>>
      %dma_start3A_441 = arith.constant 0 : i32
      %dma_start3A_442 = arith.constant 0 : i32
      %dma_start3A_443 = tpu.memref_slice %arg7[%dma_start3A_434, %dma_start3A_441, %dma_start3A_442] : memref<2x8x128xi32, #tpu.memory_space<vmem>> -> memref<1x8x128xi32, #tpu.memory_space<vmem>>
      %dma_start3A_444 = tpu.memref_squeeze %dma_start3A_443 : memref<1x8x128xi32, #tpu.memory_space<vmem>> -> memref<8x128xi32, #tpu.memory_space<vmem>>
      %dma_start3A_445 = arith.constant 0 : i32
      %dma_start3A_446 = tpu.memref_slice %dma_start3A_444[%dma_start3A_435, %dma_start3A_445] : memref<8x128xi32, #tpu.memory_space<vmem>> -> memref<1x128xi32, #tpu.memory_space<vmem>>
      %dma_start3A_447 = tpu.memref_squeeze %dma_start3A_446 : memref<1x128xi32, #tpu.memory_space<vmem>> -> memref<128xi32, #tpu.memory_space<vmem>>
      %dma_start3A_448 = arith.constant 0 : i32
      %dma_start3A_449 = arith.constant 0 : i32
      %dma_start3A_450 = tpu.memref_slice %arg4[%dma_start3A_448, %dma_start3A_449] : memref<10240x128xf32, #tpu.memory_space<hbm>> -> memref<10240x128xf32, #tpu.memory_space<hbm>>
      tpu.enqueue_indirect_dma source(%dma_start3A_450 : memref<10240x128xf32, #tpu.memory_space<hbm>>) target(%dma_start3A_440 : memref<128x128xf32, #tpu.memory_space<vmem>>) offsets(%dma_start3A_447 : memref<128xi32, #tpu.memory_space<vmem>>) semaphore(%arg12 : memref<!tpu.dma_semaphore, #tpu.memory_space<semaphore_mem>>)
      %dma_wait3A_451 = arith.constant 1 : i32
      %dma_wait3A_452 = arith.constant 0 : i32
      %dma_wait3A_453 = arith.constant 0 : i32
      %dma_wait3A_454 = arith.constant 0 : i32
      %dma_wait3A_455 = arith.constant 0 : i32
      %dma_wait3A_456 = tpu.memref_slice %arg9[%dma_wait3A_453, %dma_wait3A_454, %dma_wait3A_455] : memref<2x128x128xf32, #tpu.memory_space<vmem>> -> memref<1x128x128xf32, #tpu.memory_space<vmem>>
      %dma_wait3A_457 = tpu.memref_squeeze %dma_wait3A_456 : memref<1x128x128xf32, #tpu.memory_space<vmem>> -> memref<128x128xf32, #tpu.memory_space<vmem>>
      %dma_wait3A_458 = arith.constant 0 : i32
      %dma_wait3A_459 = arith.constant 0 : i32
      %dma_wait3A_460 = tpu.memref_slice %arg7[%dma_wait3A_451, %dma_wait3A_458, %dma_wait3A_459] : memref<2x8x128xi32, #tpu.memory_space<vmem>> -> memref<1x8x128xi32, #tpu.memory_space<vmem>>
      %dma_wait3A_461 = tpu.memref_squeeze %dma_wait3A_460 : memref<1x8x128xi32, #tpu.memory_space<vmem>> -> memref<8x128xi32, #tpu.memory_space<vmem>>
      %dma_wait3A_462 = arith.constant 0 : i32
      %dma_wait3A_463 = tpu.memref_slice %dma_wait3A_461[%dma_wait3A_452, %dma_wait3A_462] : memref<8x128xi32, #tpu.memory_space<vmem>> -> memref<1x128xi32, #tpu.memory_space<vmem>>
      %dma_wait3A_464 = tpu.memref_squeeze %dma_wait3A_463 : memref<1x128xi32, #tpu.memory_space<vmem>> -> memref<128xi32, #tpu.memory_space<vmem>>
      %dma_wait3A_465 = arith.constant 0 : i32
      %dma_wait3A_466 = arith.constant 0 : i32
      %dma_wait3A_467 = tpu.memref_slice %arg4[%dma_wait3A_465, %dma_wait3A_466] : memref<10240x128xf32, #tpu.memory_space<hbm>> -> memref<10240x128xf32, #tpu.memory_space<hbm>>
      tpu.wait_indirect_dma semaphore(%arg11 : memref<!tpu.dma_semaphore, #tpu.memory_space<semaphore_mem>>) src(%dma_wait3A_467 : memref<10240x128xf32, #tpu.memory_space<hbm>>) dst(%dma_wait3A_457 : memref<128x128xf32, #tpu.memory_space<vmem>>)
      %run_scoped3A_468 = arith.constant 0 : i32
      %run_scoped3A_469 = arith.constant 1 : i32
      %run_scoped3A_470 = arith.constant 0 : i32
      "tpu.region"() ({
        %run_scoped3A_713 = tpu.sem_alloc : memref<!tpu.dma_semaphore, #tpu.memory_space<semaphore_mem>>
        %dma_start3A_714 = arith.constant 0 : i32
        %dma_start3A_715 = arith.constant 0 : i32
        %dma_start3A_716 = tpu.memref_slice %arg9[%run_scoped3A_468, %dma_start3A_714, %dma_start3A_715] : memref<2x128x128xf32, #tpu.memory_space<vmem>> -> memref<1x128x128xf32, #tpu.memory_space<vmem>>
        %dma_start3A_717 = tpu.memref_squeeze %dma_start3A_716 : memref<1x128x128xf32, #tpu.memory_space<vmem>> -> memref<128x128xf32, #tpu.memory_space<vmem>>
        %dma_start3A_718 = arith.constant 0 : i32
        %dma_start3A_719 = arith.constant 0 : i32
        %dma_start3A_720 = tpu.memref_slice %arg8[%run_scoped3A_469, %dma_start3A_718, %dma_start3A_719] : memref<2x8x128xi32, #tpu.memory_space<vmem>> -> memref<1x8x128xi32, #tpu.memory_space<vmem>>
        %dma_start3A_721 = tpu.memref_squeeze %dma_start3A_720 : memref<1x8x128xi32, #tpu.memory_space<vmem>> -> memref<8x128xi32, #tpu.memory_space<vmem>>
        %dma_start3A_722 = arith.constant 0 : i32
        %dma_start3A_723 = tpu.memref_slice %dma_start3A_721[%run_scoped3A_470, %dma_start3A_722] : memref<8x128xi32, #tpu.memory_space<vmem>> -> memref<1x128xi32, #tpu.memory_space<vmem>>
        %dma_start3A_724 = tpu.memref_squeeze %dma_start3A_723 : memref<1x128xi32, #tpu.memory_space<vmem>> -> memref<128xi32, #tpu.memory_space<vmem>>
        %dma_start3A_725 = arith.constant 0 : i32
        %dma_start3A_726 = arith.constant 0 : i32
        %dma_start3A_727 = tpu.memref_slice %arg10[%dma_start3A_725, %dma_start3A_726] : memref<10240x128xf32, #tpu.memory_space<vmem_shared>> -> memref<10240x128xf32, #tpu.memory_space<vmem_shared>>
        tpu.enqueue_indirect_dma source(%dma_start3A_717 : memref<128x128xf32, #tpu.memory_space<vmem>>) target(%dma_start3A_727 : memref<10240x128xf32, #tpu.memory_space<vmem_shared>>) offsets(%dma_start3A_724 : memref<128xi32, #tpu.memory_space<vmem>>) semaphore(%run_scoped3A_713 : memref<!tpu.dma_semaphore, #tpu.memory_space<semaphore_mem>>) {add = true}
        %dma_wait3A_728 = arith.constant 0 : i32
        %dma_wait3A_729 = arith.constant 0 : i32
        %dma_wait3A_730 = tpu.memref_slice %arg9[%run_scoped3A_468, %dma_wait3A_728, %dma_wait3A_729] : memref<2x128x128xf32, #tpu.memory_space<vmem>> -> memref<1x128x128xf32, #tpu.memory_space<vmem>>
        %dma_wait3A_731 = tpu.memref_squeeze %dma_wait3A_730 : memref<1x128x128xf32, #tpu.memory_space<vmem>> -> memref<128x128xf32, #tpu.memory_space<vmem>>
        %dma_wait3A_732 = arith.constant 0 : i32
        %dma_wait3A_733 = arith.constant 0 : i32
        %dma_wait3A_734 = tpu.memref_slice %arg8[%run_scoped3A_469, %dma_wait3A_732, %dma_wait3A_733] : memref<2x8x128xi32, #tpu.memory_space<vmem>> -> memref<1x8x128xi32, #tpu.memory_space<vmem>>
        %dma_wait3A_735 = tpu.memref_squeeze %dma_wait3A_734 : memref<1x8x128xi32, #tpu.memory_space<vmem>> -> memref<8x128xi32, #tpu.memory_space<vmem>>
        %dma_wait3A_736 = arith.constant 0 : i32
        %dma_wait3A_737 = tpu.memref_slice %dma_wait3A_735[%run_scoped3A_470, %dma_wait3A_736] : memref<8x128xi32, #tpu.memory_space<vmem>> -> memref<1x128xi32, #tpu.memory_space<vmem>>
        %dma_wait3A_738 = tpu.memref_squeeze %dma_wait3A_737 : memref<1x128xi32, #tpu.memory_space<vmem>> -> memref<128xi32, #tpu.memory_space<vmem>>
        %dma_wait3A_739 = arith.constant 0 : i32
        %dma_wait3A_740 = arith.constant 0 : i32
        %dma_wait3A_741 = tpu.memref_slice %arg10[%dma_wait3A_739, %dma_wait3A_740] : memref<10240x128xf32, #tpu.memory_space<vmem_shared>> -> memref<10240x128xf32, #tpu.memory_space<vmem_shared>>
        tpu.wait_indirect_dma semaphore(%run_scoped3A_713 : memref<!tpu.dma_semaphore, #tpu.memory_space<semaphore_mem>>) src(%dma_wait3A_731 : memref<128x128xf32, #tpu.memory_space<vmem>>) dst(%dma_wait3A_741 : memref<10240x128xf32, #tpu.memory_space<vmem_shared>>)
        tpu.yield
      }) : () -> ()
      %dma_start3A_471 = arith.constant 1 : i32
      %dma_start3A_472 = arith.constant 2 : i32
      %dma_start3A_473 = arith.constant 0 : i32
      %dma_start3A_474 = arith.constant 0 : i32
      %dma_start3A_475 = arith.constant 0 : i32
      %dma_start3A_476 = tpu.memref_slice %arg9[%dma_start3A_473, %dma_start3A_474, %dma_start3A_475] : memref<2x128x128xf32, #tpu.memory_space<vmem>> -> memref<1x128x128xf32, #tpu.memory_space<vmem>>
      %dma_start3A_477 = tpu.memref_squeeze %dma_start3A_476 : memref<1x128x128xf32, #tpu.memory_space<vmem>> -> memref<128x128xf32, #tpu.memory_space<vmem>>
      %dma_start3A_478 = arith.constant 0 : i32
      %dma_start3A_479 = arith.constant 0 : i32
      %dma_start3A_480 = tpu.memref_slice %arg7[%dma_start3A_471, %dma_start3A_478, %dma_start3A_479] : memref<2x8x128xi32, #tpu.memory_space<vmem>> -> memref<1x8x128xi32, #tpu.memory_space<vmem>>
      %dma_start3A_481 = tpu.memref_squeeze %dma_start3A_480 : memref<1x8x128xi32, #tpu.memory_space<vmem>> -> memref<8x128xi32, #tpu.memory_space<vmem>>
      %dma_start3A_482 = arith.constant 0 : i32
      %dma_start3A_483 = tpu.memref_slice %dma_start3A_481[%dma_start3A_472, %dma_start3A_482] : memref<8x128xi32, #tpu.memory_space<vmem>> -> memref<1x128xi32, #tpu.memory_space<vmem>>
      %dma_start3A_484 = tpu.memref_squeeze %dma_start3A_483 : memref<1x128xi32, #tpu.memory_space<vmem>> -> memref<128xi32, #tpu.memory_space<vmem>>
      %dma_start3A_485 = arith.constant 0 : i32
      %dma_start3A_486 = arith.constant 0 : i32
      %dma_start3A_487 = tpu.memref_slice %arg4[%dma_start3A_485, %dma_start3A_486] : memref<10240x128xf32, #tpu.memory_space<hbm>> -> memref<10240x128xf32, #tpu.memory_space<hbm>>
      tpu.enqueue_indirect_dma source(%dma_start3A_487 : memref<10240x128xf32, #tpu.memory_space<hbm>>) target(%dma_start3A_477 : memref<128x128xf32, #tpu.memory_space<vmem>>) offsets(%dma_start3A_484 : memref<128xi32, #tpu.memory_space<vmem>>) semaphore(%arg11 : memref<!tpu.dma_semaphore, #tpu.memory_space<semaphore_mem>>)
      %dma_wait3A_488 = arith.constant 1 : i32
      %dma_wait3A_489 = arith.constant 1 : i32
      %dma_wait3A_490 = arith.constant 1 : i32
      %dma_wait3A_491 = arith.constant 0 : i32
      %dma_wait3A_492 = arith.constant 0 : i32
      %dma_wait3A_493 = tpu.memref_slice %arg9[%dma_wait3A_490, %dma_wait3A_491, %dma_wait3A_492] : memref<2x128x128xf32, #tpu.memory_space<vmem>> -> memref<1x128x128xf32, #tpu.memory_space<vmem>>
      %dma_wait3A_494 = tpu.memref_squeeze %dma_wait3A_493 : memref<1x128x128xf32, #tpu.memory_space<vmem>> -> memref<128x128xf32, #tpu.memory_space<vmem>>
      %dma_wait3A_495 = arith.constant 0 : i32
      %dma_wait3A_496 = arith.constant 0 : i32
      %dma_wait3A_497 = tpu.memref_slice %arg7[%dma_wait3A_488, %dma_wait3A_495, %dma_wait3A_496] : memref<2x8x128xi32, #tpu.memory_space<vmem>> -> memref<1x8x128xi32, #tpu.memory_space<vmem>>
      %dma_wait3A_498 = tpu.memref_squeeze %dma_wait3A_497 : memref<1x8x128xi32, #tpu.memory_space<vmem>> -> memref<8x128xi32, #tpu.memory_space<vmem>>
      %dma_wait3A_499 = arith.constant 0 : i32
      %dma_wait3A_500 = tpu.memref_slice %dma_wait3A_498[%dma_wait3A_489, %dma_wait3A_499] : memref<8x128xi32, #tpu.memory_space<vmem>> -> memref<1x128xi32, #tpu.memory_space<vmem>>
      %dma_wait3A_501 = tpu.memref_squeeze %dma_wait3A_500 : memref<1x128xi32, #tpu.memory_space<vmem>> -> memref<128xi32, #tpu.memory_space<vmem>>
      %dma_wait3A_502 = arith.constant 0 : i32
      %dma_wait3A_503 = arith.constant 0 : i32
      %dma_wait3A_504 = tpu.memref_slice %arg4[%dma_wait3A_502, %dma_wait3A_503] : memref<10240x128xf32, #tpu.memory_space<hbm>> -> memref<10240x128xf32, #tpu.memory_space<hbm>>
      tpu.wait_indirect_dma semaphore(%arg12 : memref<!tpu.dma_semaphore, #tpu.memory_space<semaphore_mem>>) src(%dma_wait3A_504 : memref<10240x128xf32, #tpu.memory_space<hbm>>) dst(%dma_wait3A_494 : memref<128x128xf32, #tpu.memory_space<vmem>>)
      %run_scoped3A_505 = arith.constant 1 : i32
      %run_scoped3A_506 = arith.constant 1 : i32
      %run_scoped3A_507 = arith.constant 1 : i32
      "tpu.region"() ({
        %run_scoped3A_713 = tpu.sem_alloc : memref<!tpu.dma_semaphore, #tpu.memory_space<semaphore_mem>>
        %dma_start3A_714 = arith.constant 0 : i32
        %dma_start3A_715 = arith.constant 0 : i32
        %dma_start3A_716 = tpu.memref_slice %arg9[%run_scoped3A_505, %dma_start3A_714, %dma_start3A_715] : memref<2x128x128xf32, #tpu.memory_space<vmem>> -> memref<1x128x128xf32, #tpu.memory_space<vmem>>
        %dma_start3A_717 = tpu.memref_squeeze %dma_start3A_716 : memref<1x128x128xf32, #tpu.memory_space<vmem>> -> memref<128x128xf32, #tpu.memory_space<vmem>>
        %dma_start3A_718 = arith.constant 0 : i32
        %dma_start3A_719 = arith.constant 0 : i32
        %dma_start3A_720 = tpu.memref_slice %arg8[%run_scoped3A_506, %dma_start3A_718, %dma_start3A_719] : memref<2x8x128xi32, #tpu.memory_space<vmem>> -> memref<1x8x128xi32, #tpu.memory_space<vmem>>
        %dma_start3A_721 = tpu.memref_squeeze %dma_start3A_720 : memref<1x8x128xi32, #tpu.memory_space<vmem>> -> memref<8x128xi32, #tpu.memory_space<vmem>>
        %dma_start3A_722 = arith.constant 0 : i32
        %dma_start3A_723 = tpu.memref_slice %dma_start3A_721[%run_scoped3A_507, %dma_start3A_722] : memref<8x128xi32, #tpu.memory_space<vmem>> -> memref<1x128xi32, #tpu.memory_space<vmem>>
        %dma_start3A_724 = tpu.memref_squeeze %dma_start3A_723 : memref<1x128xi32, #tpu.memory_space<vmem>> -> memref<128xi32, #tpu.memory_space<vmem>>
        %dma_start3A_725 = arith.constant 0 : i32
        %dma_start3A_726 = arith.constant 0 : i32
        %dma_start3A_727 = tpu.memref_slice %arg10[%dma_start3A_725, %dma_start3A_726] : memref<10240x128xf32, #tpu.memory_space<vmem_shared>> -> memref<10240x128xf32, #tpu.memory_space<vmem_shared>>
        tpu.enqueue_indirect_dma source(%dma_start3A_717 : memref<128x128xf32, #tpu.memory_space<vmem>>) target(%dma_start3A_727 : memref<10240x128xf32, #tpu.memory_space<vmem_shared>>) offsets(%dma_start3A_724 : memref<128xi32, #tpu.memory_space<vmem>>) semaphore(%run_scoped3A_713 : memref<!tpu.dma_semaphore, #tpu.memory_space<semaphore_mem>>) {add = true}
        %dma_wait3A_728 = arith.constant 0 : i32
        %dma_wait3A_729 = arith.constant 0 : i32
        %dma_wait3A_730 = tpu.memref_slice %arg9[%run_scoped3A_505, %dma_wait3A_728, %dma_wait3A_729] : memref<2x128x128xf32, #tpu.memory_space<vmem>> -> memref<1x128x128xf32, #tpu.memory_space<vmem>>
        %dma_wait3A_731 = tpu.memref_squeeze %dma_wait3A_730 : memref<1x128x128xf32, #tpu.memory_space<vmem>> -> memref<128x128xf32, #tpu.memory_space<vmem>>
        %dma_wait3A_732 = arith.constant 0 : i32
        %dma_wait3A_733 = arith.constant 0 : i32
        %dma_wait3A_734 = tpu.memref_slice %arg8[%run_scoped3A_506, %dma_wait3A_732, %dma_wait3A_733] : memref<2x8x128xi32, #tpu.memory_space<vmem>> -> memref<1x8x128xi32, #tpu.memory_space<vmem>>
        %dma_wait3A_735 = tpu.memref_squeeze %dma_wait3A_734 : memref<1x8x128xi32, #tpu.memory_space<vmem>> -> memref<8x128xi32, #tpu.memory_space<vmem>>
        %dma_wait3A_736 = arith.constant 0 : i32
        %dma_wait3A_737 = tpu.memref_slice %dma_wait3A_735[%run_scoped3A_507, %dma_wait3A_736] : memref<8x128xi32, #tpu.memory_space<vmem>> -> memref<1x128xi32, #tpu.memory_space<vmem>>
        %dma_wait3A_738 = tpu.memref_squeeze %dma_wait3A_737 : memref<1x128xi32, #tpu.memory_space<vmem>> -> memref<128xi32, #tpu.memory_space<vmem>>
        %dma_wait3A_739 = arith.constant 0 : i32
        %dma_wait3A_740 = arith.constant 0 : i32
        %dma_wait3A_741 = tpu.memref_slice %arg10[%dma_wait3A_739, %dma_wait3A_740] : memref<10240x128xf32, #tpu.memory_space<vmem_shared>> -> memref<10240x128xf32, #tpu.memory_space<vmem_shared>>
        tpu.wait_indirect_dma semaphore(%run_scoped3A_713 : memref<!tpu.dma_semaphore, #tpu.memory_space<semaphore_mem>>) src(%dma_wait3A_731 : memref<128x128xf32, #tpu.memory_space<vmem>>) dst(%dma_wait3A_741 : memref<10240x128xf32, #tpu.memory_space<vmem_shared>>)
        tpu.yield
      }) : () -> ()
      %dma_start3A_508 = arith.constant 1 : i32
      %dma_start3A_509 = arith.constant 3 : i32
      %dma_start3A_510 = arith.constant 1 : i32
      %dma_start3A_511 = arith.constant 0 : i32
      %dma_start3A_512 = arith.constant 0 : i32
      %dma_start3A_513 = tpu.memref_slice %arg9[%dma_start3A_510, %dma_start3A_511, %dma_start3A_512] : memref<2x128x128xf32, #tpu.memory_space<vmem>> -> memref<1x128x128xf32, #tpu.memory_space<vmem>>
      %dma_start3A_514 = tpu.memref_squeeze %dma_start3A_513 : memref<1x128x128xf32, #tpu.memory_space<vmem>> -> memref<128x128xf32, #tpu.memory_space<vmem>>
      %dma_start3A_515 = arith.constant 0 : i32
      %dma_start3A_516 = arith.constant 0 : i32
      %dma_start3A_517 = tpu.memref_slice %arg7[%dma_start3A_508, %dma_start3A_515, %dma_start3A_516] : memref<2x8x128xi32, #tpu.memory_space<vmem>> -> memref<1x8x128xi32, #tpu.memory_space<vmem>>
      %dma_start3A_518 = tpu.memref_squeeze %dma_start3A_517 : memref<1x8x128xi32, #tpu.memory_space<vmem>> -> memref<8x128xi32, #tpu.memory_space<vmem>>
      %dma_start3A_519 = arith.constant 0 : i32
      %dma_start3A_520 = tpu.memref_slice %dma_start3A_518[%dma_start3A_509, %dma_start3A_519] : memref<8x128xi32, #tpu.memory_space<vmem>> -> memref<1x128xi32, #tpu.memory_space<vmem>>
      %dma_start3A_521 = tpu.memref_squeeze %dma_start3A_520 : memref<1x128xi32, #tpu.memory_space<vmem>> -> memref<128xi32, #tpu.memory_space<vmem>>
      %dma_start3A_522 = arith.constant 0 : i32
      %dma_start3A_523 = arith.constant 0 : i32
      %dma_start3A_524 = tpu.memref_slice %arg4[%dma_start3A_522, %dma_start3A_523] : memref<10240x128xf32, #tpu.memory_space<hbm>> -> memref<10240x128xf32, #tpu.memory_space<hbm>>
      tpu.enqueue_indirect_dma source(%dma_start3A_524 : memref<10240x128xf32, #tpu.memory_space<hbm>>) target(%dma_start3A_514 : memref<128x128xf32, #tpu.memory_space<vmem>>) offsets(%dma_start3A_521 : memref<128xi32, #tpu.memory_space<vmem>>) semaphore(%arg12 : memref<!tpu.dma_semaphore, #tpu.memory_space<semaphore_mem>>)
      %dma_wait3A_525 = arith.constant 1 : i32
      %dma_wait3A_526 = arith.constant 2 : i32
      %dma_wait3A_527 = arith.constant 0 : i32
      %dma_wait3A_528 = arith.constant 0 : i32
      %dma_wait3A_529 = arith.constant 0 : i32
      %dma_wait3A_530 = tpu.memref_slice %arg9[%dma_wait3A_527, %dma_wait3A_528, %dma_wait3A_529] : memref<2x128x128xf32, #tpu.memory_space<vmem>> -> memref<1x128x128xf32, #tpu.memory_space<vmem>>
      %dma_wait3A_531 = tpu.memref_squeeze %dma_wait3A_530 : memref<1x128x128xf32, #tpu.memory_space<vmem>> -> memref<128x128xf32, #tpu.memory_space<vmem>>
      %dma_wait3A_532 = arith.constant 0 : i32
      %dma_wait3A_533 = arith.constant 0 : i32
      %dma_wait3A_534 = tpu.memref_slice %arg7[%dma_wait3A_525, %dma_wait3A_532, %dma_wait3A_533] : memref<2x8x128xi32, #tpu.memory_space<vmem>> -> memref<1x8x128xi32, #tpu.memory_space<vmem>>
      %dma_wait3A_535 = tpu.memref_squeeze %dma_wait3A_534 : memref<1x8x128xi32, #tpu.memory_space<vmem>> -> memref<8x128xi32, #tpu.memory_space<vmem>>
      %dma_wait3A_536 = arith.constant 0 : i32
      %dma_wait3A_537 = tpu.memref_slice %dma_wait3A_535[%dma_wait3A_526, %dma_wait3A_536] : memref<8x128xi32, #tpu.memory_space<vmem>> -> memref<1x128xi32, #tpu.memory_space<vmem>>
      %dma_wait3A_538 = tpu.memref_squeeze %dma_wait3A_537 : memref<1x128xi32, #tpu.memory_space<vmem>> -> memref<128xi32, #tpu.memory_space<vmem>>
      %dma_wait3A_539 = arith.constant 0 : i32
      %dma_wait3A_540 = arith.constant 0 : i32
      %dma_wait3A_541 = tpu.memref_slice %arg4[%dma_wait3A_539, %dma_wait3A_540] : memref<10240x128xf32, #tpu.memory_space<hbm>> -> memref<10240x128xf32, #tpu.memory_space<hbm>>
      tpu.wait_indirect_dma semaphore(%arg11 : memref<!tpu.dma_semaphore, #tpu.memory_space<semaphore_mem>>) src(%dma_wait3A_541 : memref<10240x128xf32, #tpu.memory_space<hbm>>) dst(%dma_wait3A_531 : memref<128x128xf32, #tpu.memory_space<vmem>>)
      %run_scoped3A_542 = arith.constant 0 : i32
      %run_scoped3A_543 = arith.constant 1 : i32
      %run_scoped3A_544 = arith.constant 2 : i32
      "tpu.region"() ({
        %run_scoped3A_713 = tpu.sem_alloc : memref<!tpu.dma_semaphore, #tpu.memory_space<semaphore_mem>>
        %dma_start3A_714 = arith.constant 0 : i32
        %dma_start3A_715 = arith.constant 0 : i32
        %dma_start3A_716 = tpu.memref_slice %arg9[%run_scoped3A_542, %dma_start3A_714, %dma_start3A_715] : memref<2x128x128xf32, #tpu.memory_space<vmem>> -> memref<1x128x128xf32, #tpu.memory_space<vmem>>
        %dma_start3A_717 = tpu.memref_squeeze %dma_start3A_716 : memref<1x128x128xf32, #tpu.memory_space<vmem>> -> memref<128x128xf32, #tpu.memory_space<vmem>>
        %dma_start3A_718 = arith.constant 0 : i32
        %dma_start3A_719 = arith.constant 0 : i32
        %dma_start3A_720 = tpu.memref_slice %arg8[%run_scoped3A_543, %dma_start3A_718, %dma_start3A_719] : memref<2x8x128xi32, #tpu.memory_space<vmem>> -> memref<1x8x128xi32, #tpu.memory_space<vmem>>
        %dma_start3A_721 = tpu.memref_squeeze %dma_start3A_720 : memref<1x8x128xi32, #tpu.memory_space<vmem>> -> memref<8x128xi32, #tpu.memory_space<vmem>>
        %dma_start3A_722 = arith.constant 0 : i32
        %dma_start3A_723 = tpu.memref_slice %dma_start3A_721[%run_scoped3A_544, %dma_start3A_722] : memref<8x128xi32, #tpu.memory_space<vmem>> -> memref<1x128xi32, #tpu.memory_space<vmem>>
        %dma_start3A_724 = tpu.memref_squeeze %dma_start3A_723 : memref<1x128xi32, #tpu.memory_space<vmem>> -> memref<128xi32, #tpu.memory_space<vmem>>
        %dma_start3A_725 = arith.constant 0 : i32
        %dma_start3A_726 = arith.constant 0 : i32
        %dma_start3A_727 = tpu.memref_slice %arg10[%dma_start3A_725, %dma_start3A_726] : memref<10240x128xf32, #tpu.memory_space<vmem_shared>> -> memref<10240x128xf32, #tpu.memory_space<vmem_shared>>
        tpu.enqueue_indirect_dma source(%dma_start3A_717 : memref<128x128xf32, #tpu.memory_space<vmem>>) target(%dma_start3A_727 : memref<10240x128xf32, #tpu.memory_space<vmem_shared>>) offsets(%dma_start3A_724 : memref<128xi32, #tpu.memory_space<vmem>>) semaphore(%run_scoped3A_713 : memref<!tpu.dma_semaphore, #tpu.memory_space<semaphore_mem>>) {add = true}
        %dma_wait3A_728 = arith.constant 0 : i32
        %dma_wait3A_729 = arith.constant 0 : i32
        %dma_wait3A_730 = tpu.memref_slice %arg9[%run_scoped3A_542, %dma_wait3A_728, %dma_wait3A_729] : memref<2x128x128xf32, #tpu.memory_space<vmem>> -> memref<1x128x128xf32, #tpu.memory_space<vmem>>
        %dma_wait3A_731 = tpu.memref_squeeze %dma_wait3A_730 : memref<1x128x128xf32, #tpu.memory_space<vmem>> -> memref<128x128xf32, #tpu.memory_space<vmem>>
        %dma_wait3A_732 = arith.constant 0 : i32
        %dma_wait3A_733 = arith.constant 0 : i32
        %dma_wait3A_734 = tpu.memref_slice %arg8[%run_scoped3A_543, %dma_wait3A_732, %dma_wait3A_733] : memref<2x8x128xi32, #tpu.memory_space<vmem>> -> memref<1x8x128xi32, #tpu.memory_space<vmem>>
        %dma_wait3A_735 = tpu.memref_squeeze %dma_wait3A_734 : memref<1x8x128xi32, #tpu.memory_space<vmem>> -> memref<8x128xi32, #tpu.memory_space<vmem>>
        %dma_wait3A_736 = arith.constant 0 : i32
        %dma_wait3A_737 = tpu.memref_slice %dma_wait3A_735[%run_scoped3A_544, %dma_wait3A_736] : memref<8x128xi32, #tpu.memory_space<vmem>> -> memref<1x128xi32, #tpu.memory_space<vmem>>
        %dma_wait3A_738 = tpu.memref_squeeze %dma_wait3A_737 : memref<1x128xi32, #tpu.memory_space<vmem>> -> memref<128xi32, #tpu.memory_space<vmem>>
        %dma_wait3A_739 = arith.constant 0 : i32
        %dma_wait3A_740 = arith.constant 0 : i32
        %dma_wait3A_741 = tpu.memref_slice %arg10[%dma_wait3A_739, %dma_wait3A_740] : memref<10240x128xf32, #tpu.memory_space<vmem_shared>> -> memref<10240x128xf32, #tpu.memory_space<vmem_shared>>
        tpu.wait_indirect_dma semaphore(%run_scoped3A_713 : memref<!tpu.dma_semaphore, #tpu.memory_space<semaphore_mem>>) src(%dma_wait3A_731 : memref<128x128xf32, #tpu.memory_space<vmem>>) dst(%dma_wait3A_741 : memref<10240x128xf32, #tpu.memory_space<vmem_shared>>)
        tpu.yield
      }) : () -> ()
      %dma_start3A_545 = arith.constant 1 : i32
      %dma_start3A_546 = arith.constant 4 : i32
      %dma_start3A_547 = arith.constant 0 : i32
      %dma_start3A_548 = arith.constant 0 : i32
      %dma_start3A_549 = arith.constant 0 : i32
      %dma_start3A_550 = tpu.memref_slice %arg9[%dma_start3A_547, %dma_start3A_548, %dma_start3A_549] : memref<2x128x128xf32, #tpu.memory_space<vmem>> -> memref<1x128x128xf32, #tpu.memory_space<vmem>>
      %dma_start3A_551 = tpu.memref_squeeze %dma_start3A_550 : memref<1x128x128xf32, #tpu.memory_space<vmem>> -> memref<128x128xf32, #tpu.memory_space<vmem>>
      %dma_start3A_552 = arith.constant 0 : i32
      %dma_start3A_553 = arith.constant 0 : i32
      %dma_start3A_554 = tpu.memref_slice %arg7[%dma_start3A_545, %dma_start3A_552, %dma_start3A_553] : memref<2x8x128xi32, #tpu.memory_space<vmem>> -> memref<1x8x128xi32, #tpu.memory_space<vmem>>
      %dma_start3A_555 = tpu.memref_squeeze %dma_start3A_554 : memref<1x8x128xi32, #tpu.memory_space<vmem>> -> memref<8x128xi32, #tpu.memory_space<vmem>>
      %dma_start3A_556 = arith.constant 0 : i32
      %dma_start3A_557 = tpu.memref_slice %dma_start3A_555[%dma_start3A_546, %dma_start3A_556] : memref<8x128xi32, #tpu.memory_space<vmem>> -> memref<1x128xi32, #tpu.memory_space<vmem>>
      %dma_start3A_558 = tpu.memref_squeeze %dma_start3A_557 : memref<1x128xi32, #tpu.memory_space<vmem>> -> memref<128xi32, #tpu.memory_space<vmem>>
      %dma_start3A_559 = arith.constant 0 : i32
      %dma_start3A_560 = arith.constant 0 : i32
      %dma_start3A_561 = tpu.memref_slice %arg4[%dma_start3A_559, %dma_start3A_560] : memref<10240x128xf32, #tpu.memory_space<hbm>> -> memref<10240x128xf32, #tpu.memory_space<hbm>>
      tpu.enqueue_indirect_dma source(%dma_start3A_561 : memref<10240x128xf32, #tpu.memory_space<hbm>>) target(%dma_start3A_551 : memref<128x128xf32, #tpu.memory_space<vmem>>) offsets(%dma_start3A_558 : memref<128xi32, #tpu.memory_space<vmem>>) semaphore(%arg11 : memref<!tpu.dma_semaphore, #tpu.memory_space<semaphore_mem>>)
      %dma_wait3A_562 = arith.constant 1 : i32
      %dma_wait3A_563 = arith.constant 3 : i32
      %dma_wait3A_564 = arith.constant 1 : i32
      %dma_wait3A_565 = arith.constant 0 : i32
      %dma_wait3A_566 = arith.constant 0 : i32
      %dma_wait3A_567 = tpu.memref_slice %arg9[%dma_wait3A_564, %dma_wait3A_565, %dma_wait3A_566] : memref<2x128x128xf32, #tpu.memory_space<vmem>> -> memref<1x128x128xf32, #tpu.memory_space<vmem>>
      %dma_wait3A_568 = tpu.memref_squeeze %dma_wait3A_567 : memref<1x128x128xf32, #tpu.memory_space<vmem>> -> memref<128x128xf32, #tpu.memory_space<vmem>>
      %dma_wait3A_569 = arith.constant 0 : i32
      %dma_wait3A_570 = arith.constant 0 : i32
      %dma_wait3A_571 = tpu.memref_slice %arg7[%dma_wait3A_562, %dma_wait3A_569, %dma_wait3A_570] : memref<2x8x128xi32, #tpu.memory_space<vmem>> -> memref<1x8x128xi32, #tpu.memory_space<vmem>>
      %dma_wait3A_572 = tpu.memref_squeeze %dma_wait3A_571 : memref<1x8x128xi32, #tpu.memory_space<vmem>> -> memref<8x128xi32, #tpu.memory_space<vmem>>
      %dma_wait3A_573 = arith.constant 0 : i32
      %dma_wait3A_574 = tpu.memref_slice %dma_wait3A_572[%dma_wait3A_563, %dma_wait3A_573] : memref<8x128xi32, #tpu.memory_space<vmem>> -> memref<1x128xi32, #tpu.memory_space<vmem>>
      %dma_wait3A_575 = tpu.memref_squeeze %dma_wait3A_574 : memref<1x128xi32, #tpu.memory_space<vmem>> -> memref<128xi32, #tpu.memory_space<vmem>>
      %dma_wait3A_576 = arith.constant 0 : i32
      %dma_wait3A_577 = arith.constant 0 : i32
      %dma_wait3A_578 = tpu.memref_slice %arg4[%dma_wait3A_576, %dma_wait3A_577] : memref<10240x128xf32, #tpu.memory_space<hbm>> -> memref<10240x128xf32, #tpu.memory_space<hbm>>
      tpu.wait_indirect_dma semaphore(%arg12 : memref<!tpu.dma_semaphore, #tpu.memory_space<semaphore_mem>>) src(%dma_wait3A_578 : memref<10240x128xf32, #tpu.memory_space<hbm>>) dst(%dma_wait3A_568 : memref<128x128xf32, #tpu.memory_space<vmem>>)
      %run_scoped3A_579 = arith.constant 1 : i32
      %run_scoped3A_580 = arith.constant 1 : i32
      %run_scoped3A_581 = arith.constant 3 : i32
      "tpu.region"() ({
        %run_scoped3A_713 = tpu.sem_alloc : memref<!tpu.dma_semaphore, #tpu.memory_space<semaphore_mem>>
        %dma_start3A_714 = arith.constant 0 : i32
        %dma_start3A_715 = arith.constant 0 : i32
        %dma_start3A_716 = tpu.memref_slice %arg9[%run_scoped3A_579, %dma_start3A_714, %dma_start3A_715] : memref<2x128x128xf32, #tpu.memory_space<vmem>> -> memref<1x128x128xf32, #tpu.memory_space<vmem>>
        %dma_start3A_717 = tpu.memref_squeeze %dma_start3A_716 : memref<1x128x128xf32, #tpu.memory_space<vmem>> -> memref<128x128xf32, #tpu.memory_space<vmem>>
        %dma_start3A_718 = arith.constant 0 : i32
        %dma_start3A_719 = arith.constant 0 : i32
        %dma_start3A_720 = tpu.memref_slice %arg8[%run_scoped3A_580, %dma_start3A_718, %dma_start3A_719] : memref<2x8x128xi32, #tpu.memory_space<vmem>> -> memref<1x8x128xi32, #tpu.memory_space<vmem>>
        %dma_start3A_721 = tpu.memref_squeeze %dma_start3A_720 : memref<1x8x128xi32, #tpu.memory_space<vmem>> -> memref<8x128xi32, #tpu.memory_space<vmem>>
        %dma_start3A_722 = arith.constant 0 : i32
        %dma_start3A_723 = tpu.memref_slice %dma_start3A_721[%run_scoped3A_581, %dma_start3A_722] : memref<8x128xi32, #tpu.memory_space<vmem>> -> memref<1x128xi32, #tpu.memory_space<vmem>>
        %dma_start3A_724 = tpu.memref_squeeze %dma_start3A_723 : memref<1x128xi32, #tpu.memory_space<vmem>> -> memref<128xi32, #tpu.memory_space<vmem>>
        %dma_start3A_725 = arith.constant 0 : i32
        %dma_start3A_726 = arith.constant 0 : i32
        %dma_start3A_727 = tpu.memref_slice %arg10[%dma_start3A_725, %dma_start3A_726] : memref<10240x128xf32, #tpu.memory_space<vmem_shared>> -> memref<10240x128xf32, #tpu.memory_space<vmem_shared>>
        tpu.enqueue_indirect_dma source(%dma_start3A_717 : memref<128x128xf32, #tpu.memory_space<vmem>>) target(%dma_start3A_727 : memref<10240x128xf32, #tpu.memory_space<vmem_shared>>) offsets(%dma_start3A_724 : memref<128xi32, #tpu.memory_space<vmem>>) semaphore(%run_scoped3A_713 : memref<!tpu.dma_semaphore, #tpu.memory_space<semaphore_mem>>) {add = true}
        %dma_wait3A_728 = arith.constant 0 : i32
        %dma_wait3A_729 = arith.constant 0 : i32
        %dma_wait3A_730 = tpu.memref_slice %arg9[%run_scoped3A_579, %dma_wait3A_728, %dma_wait3A_729] : memref<2x128x128xf32, #tpu.memory_space<vmem>> -> memref<1x128x128xf32, #tpu.memory_space<vmem>>
        %dma_wait3A_731 = tpu.memref_squeeze %dma_wait3A_730 : memref<1x128x128xf32, #tpu.memory_space<vmem>> -> memref<128x128xf32, #tpu.memory_space<vmem>>
        %dma_wait3A_732 = arith.constant 0 : i32
        %dma_wait3A_733 = arith.constant 0 : i32
        %dma_wait3A_734 = tpu.memref_slice %arg8[%run_scoped3A_580, %dma_wait3A_732, %dma_wait3A_733] : memref<2x8x128xi32, #tpu.memory_space<vmem>> -> memref<1x8x128xi32, #tpu.memory_space<vmem>>
        %dma_wait3A_735 = tpu.memref_squeeze %dma_wait3A_734 : memref<1x8x128xi32, #tpu.memory_space<vmem>> -> memref<8x128xi32, #tpu.memory_space<vmem>>
        %dma_wait3A_736 = arith.constant 0 : i32
        %dma_wait3A_737 = tpu.memref_slice %dma_wait3A_735[%run_scoped3A_581, %dma_wait3A_736] : memref<8x128xi32, #tpu.memory_space<vmem>> -> memref<1x128xi32, #tpu.memory_space<vmem>>
        %dma_wait3A_738 = tpu.memref_squeeze %dma_wait3A_737 : memref<1x128xi32, #tpu.memory_space<vmem>> -> memref<128xi32, #tpu.memory_space<vmem>>
        %dma_wait3A_739 = arith.constant 0 : i32
        %dma_wait3A_740 = arith.constant 0 : i32
        %dma_wait3A_741 = tpu.memref_slice %arg10[%dma_wait3A_739, %dma_wait3A_740] : memref<10240x128xf32, #tpu.memory_space<vmem_shared>> -> memref<10240x128xf32, #tpu.memory_space<vmem_shared>>
        tpu.wait_indirect_dma semaphore(%run_scoped3A_713 : memref<!tpu.dma_semaphore, #tpu.memory_space<semaphore_mem>>) src(%dma_wait3A_731 : memref<128x128xf32, #tpu.memory_space<vmem>>) dst(%dma_wait3A_741 : memref<10240x128xf32, #tpu.memory_space<vmem_shared>>)
        tpu.yield
      }) : () -> ()
      %dma_start3A_582 = arith.constant 1 : i32
      %dma_start3A_583 = arith.constant 5 : i32
      %dma_start3A_584 = arith.constant 1 : i32
      %dma_start3A_585 = arith.constant 0 : i32
      %dma_start3A_586 = arith.constant 0 : i32
      %dma_start3A_587 = tpu.memref_slice %arg9[%dma_start3A_584, %dma_start3A_585, %dma_start3A_586] : memref<2x128x128xf32, #tpu.memory_space<vmem>> -> memref<1x128x128xf32, #tpu.memory_space<vmem>>
      %dma_start3A_588 = tpu.memref_squeeze %dma_start3A_587 : memref<1x128x128xf32, #tpu.memory_space<vmem>> -> memref<128x128xf32, #tpu.memory_space<vmem>>
      %dma_start3A_589 = arith.constant 0 : i32
      %dma_start3A_590 = arith.constant 0 : i32
      %dma_start3A_591 = tpu.memref_slice %arg7[%dma_start3A_582, %dma_start3A_589, %dma_start3A_590] : memref<2x8x128xi32, #tpu.memory_space<vmem>> -> memref<1x8x128xi32, #tpu.memory_space<vmem>>
      %dma_start3A_592 = tpu.memref_squeeze %dma_start3A_591 : memref<1x8x128xi32, #tpu.memory_space<vmem>> -> memref<8x128xi32, #tpu.memory_space<vmem>>
      %dma_start3A_593 = arith.constant 0 : i32
      %dma_start3A_594 = tpu.memref_slice %dma_start3A_592[%dma_start3A_583, %dma_start3A_593] : memref<8x128xi32, #tpu.memory_space<vmem>> -> memref<1x128xi32, #tpu.memory_space<vmem>>
      %dma_start3A_595 = tpu.memref_squeeze %dma_start3A_594 : memref<1x128xi32, #tpu.memory_space<vmem>> -> memref<128xi32, #tpu.memory_space<vmem>>
      %dma_start3A_596 = arith.constant 0 : i32
      %dma_start3A_597 = arith.constant 0 : i32
      %dma_start3A_598 = tpu.memref_slice %arg4[%dma_start3A_596, %dma_start3A_597] : memref<10240x128xf32, #tpu.memory_space<hbm>> -> memref<10240x128xf32, #tpu.memory_space<hbm>>
      tpu.enqueue_indirect_dma source(%dma_start3A_598 : memref<10240x128xf32, #tpu.memory_space<hbm>>) target(%dma_start3A_588 : memref<128x128xf32, #tpu.memory_space<vmem>>) offsets(%dma_start3A_595 : memref<128xi32, #tpu.memory_space<vmem>>) semaphore(%arg12 : memref<!tpu.dma_semaphore, #tpu.memory_space<semaphore_mem>>)
      %dma_wait3A_599 = arith.constant 1 : i32
      %dma_wait3A_600 = arith.constant 4 : i32
      %dma_wait3A_601 = arith.constant 0 : i32
      %dma_wait3A_602 = arith.constant 0 : i32
      %dma_wait3A_603 = arith.constant 0 : i32
      %dma_wait3A_604 = tpu.memref_slice %arg9[%dma_wait3A_601, %dma_wait3A_602, %dma_wait3A_603] : memref<2x128x128xf32, #tpu.memory_space<vmem>> -> memref<1x128x128xf32, #tpu.memory_space<vmem>>
      %dma_wait3A_605 = tpu.memref_squeeze %dma_wait3A_604 : memref<1x128x128xf32, #tpu.memory_space<vmem>> -> memref<128x128xf32, #tpu.memory_space<vmem>>
      %dma_wait3A_606 = arith.constant 0 : i32
      %dma_wait3A_607 = arith.constant 0 : i32
      %dma_wait3A_608 = tpu.memref_slice %arg7[%dma_wait3A_599, %dma_wait3A_606, %dma_wait3A_607] : memref<2x8x128xi32, #tpu.memory_space<vmem>> -> memref<1x8x128xi32, #tpu.memory_space<vmem>>
      %dma_wait3A_609 = tpu.memref_squeeze %dma_wait3A_608 : memref<1x8x128xi32, #tpu.memory_space<vmem>> -> memref<8x128xi32, #tpu.memory_space<vmem>>
      %dma_wait3A_610 = arith.constant 0 : i32
      %dma_wait3A_611 = tpu.memref_slice %dma_wait3A_609[%dma_wait3A_600, %dma_wait3A_610] : memref<8x128xi32, #tpu.memory_space<vmem>> -> memref<1x128xi32, #tpu.memory_space<vmem>>
      %dma_wait3A_612 = tpu.memref_squeeze %dma_wait3A_611 : memref<1x128xi32, #tpu.memory_space<vmem>> -> memref<128xi32, #tpu.memory_space<vmem>>
      %dma_wait3A_613 = arith.constant 0 : i32
      %dma_wait3A_614 = arith.constant 0 : i32
      %dma_wait3A_615 = tpu.memref_slice %arg4[%dma_wait3A_613, %dma_wait3A_614] : memref<10240x128xf32, #tpu.memory_space<hbm>> -> memref<10240x128xf32, #tpu.memory_space<hbm>>
      tpu.wait_indirect_dma semaphore(%arg11 : memref<!tpu.dma_semaphore, #tpu.memory_space<semaphore_mem>>) src(%dma_wait3A_615 : memref<10240x128xf32, #tpu.memory_space<hbm>>) dst(%dma_wait3A_605 : memref<128x128xf32, #tpu.memory_space<vmem>>)
      %run_scoped3A_616 = arith.constant 0 : i32
      %run_scoped3A_617 = arith.constant 1 : i32
      %run_scoped3A_618 = arith.constant 4 : i32
      "tpu.region"() ({
        %run_scoped3A_713 = tpu.sem_alloc : memref<!tpu.dma_semaphore, #tpu.memory_space<semaphore_mem>>
        %dma_start3A_714 = arith.constant 0 : i32
        %dma_start3A_715 = arith.constant 0 : i32
        %dma_start3A_716 = tpu.memref_slice %arg9[%run_scoped3A_616, %dma_start3A_714, %dma_start3A_715] : memref<2x128x128xf32, #tpu.memory_space<vmem>> -> memref<1x128x128xf32, #tpu.memory_space<vmem>>
        %dma_start3A_717 = tpu.memref_squeeze %dma_start3A_716 : memref<1x128x128xf32, #tpu.memory_space<vmem>> -> memref<128x128xf32, #tpu.memory_space<vmem>>
        %dma_start3A_718 = arith.constant 0 : i32
        %dma_start3A_719 = arith.constant 0 : i32
        %dma_start3A_720 = tpu.memref_slice %arg8[%run_scoped3A_617, %dma_start3A_718, %dma_start3A_719] : memref<2x8x128xi32, #tpu.memory_space<vmem>> -> memref<1x8x128xi32, #tpu.memory_space<vmem>>
        %dma_start3A_721 = tpu.memref_squeeze %dma_start3A_720 : memref<1x8x128xi32, #tpu.memory_space<vmem>> -> memref<8x128xi32, #tpu.memory_space<vmem>>
        %dma_start3A_722 = arith.constant 0 : i32
        %dma_start3A_723 = tpu.memref_slice %dma_start3A_721[%run_scoped3A_618, %dma_start3A_722] : memref<8x128xi32, #tpu.memory_space<vmem>> -> memref<1x128xi32, #tpu.memory_space<vmem>>
        %dma_start3A_724 = tpu.memref_squeeze %dma_start3A_723 : memref<1x128xi32, #tpu.memory_space<vmem>> -> memref<128xi32, #tpu.memory_space<vmem>>
        %dma_start3A_725 = arith.constant 0 : i32
        %dma_start3A_726 = arith.constant 0 : i32
        %dma_start3A_727 = tpu.memref_slice %arg10[%dma_start3A_725, %dma_start3A_726] : memref<10240x128xf32, #tpu.memory_space<vmem_shared>> -> memref<10240x128xf32, #tpu.memory_space<vmem_shared>>
        tpu.enqueue_indirect_dma source(%dma_start3A_717 : memref<128x128xf32, #tpu.memory_space<vmem>>) target(%dma_start3A_727 : memref<10240x128xf32, #tpu.memory_space<vmem_shared>>) offsets(%dma_start3A_724 : memref<128xi32, #tpu.memory_space<vmem>>) semaphore(%run_scoped3A_713 : memref<!tpu.dma_semaphore, #tpu.memory_space<semaphore_mem>>) {add = true}
        %dma_wait3A_728 = arith.constant 0 : i32
        %dma_wait3A_729 = arith.constant 0 : i32
        %dma_wait3A_730 = tpu.memref_slice %arg9[%run_scoped3A_616, %dma_wait3A_728, %dma_wait3A_729] : memref<2x128x128xf32, #tpu.memory_space<vmem>> -> memref<1x128x128xf32, #tpu.memory_space<vmem>>
        %dma_wait3A_731 = tpu.memref_squeeze %dma_wait3A_730 : memref<1x128x128xf32, #tpu.memory_space<vmem>> -> memref<128x128xf32, #tpu.memory_space<vmem>>
        %dma_wait3A_732 = arith.constant 0 : i32
        %dma_wait3A_733 = arith.constant 0 : i32
        %dma_wait3A_734 = tpu.memref_slice %arg8[%run_scoped3A_617, %dma_wait3A_732, %dma_wait3A_733] : memref<2x8x128xi32, #tpu.memory_space<vmem>> -> memref<1x8x128xi32, #tpu.memory_space<vmem>>
        %dma_wait3A_735 = tpu.memref_squeeze %dma_wait3A_734 : memref<1x8x128xi32, #tpu.memory_space<vmem>> -> memref<8x128xi32, #tpu.memory_space<vmem>>
        %dma_wait3A_736 = arith.constant 0 : i32
        %dma_wait3A_737 = tpu.memref_slice %dma_wait3A_735[%run_scoped3A_618, %dma_wait3A_736] : memref<8x128xi32, #tpu.memory_space<vmem>> -> memref<1x128xi32, #tpu.memory_space<vmem>>
        %dma_wait3A_738 = tpu.memref_squeeze %dma_wait3A_737 : memref<1x128xi32, #tpu.memory_space<vmem>> -> memref<128xi32, #tpu.memory_space<vmem>>
        %dma_wait3A_739 = arith.constant 0 : i32
        %dma_wait3A_740 = arith.constant 0 : i32
        %dma_wait3A_741 = tpu.memref_slice %arg10[%dma_wait3A_739, %dma_wait3A_740] : memref<10240x128xf32, #tpu.memory_space<vmem_shared>> -> memref<10240x128xf32, #tpu.memory_space<vmem_shared>>
        tpu.wait_indirect_dma semaphore(%run_scoped3A_713 : memref<!tpu.dma_semaphore, #tpu.memory_space<semaphore_mem>>) src(%dma_wait3A_731 : memref<128x128xf32, #tpu.memory_space<vmem>>) dst(%dma_wait3A_741 : memref<10240x128xf32, #tpu.memory_space<vmem_shared>>)
        tpu.yield
      }) : () -> ()
      %dma_start3A_619 = arith.constant 1 : i32
      %dma_start3A_620 = arith.constant 6 : i32
      %dma_start3A_621 = arith.constant 0 : i32
      %dma_start3A_622 = arith.constant 0 : i32
      %dma_start3A_623 = arith.constant 0 : i32
      %dma_start3A_624 = tpu.memref_slice %arg9[%dma_start3A_621, %dma_start3A_622, %dma_start3A_623] : memref<2x128x128xf32, #tpu.memory_space<vmem>> -> memref<1x128x128xf32, #tpu.memory_space<vmem>>
      %dma_start3A_625 = tpu.memref_squeeze %dma_start3A_624 : memref<1x128x128xf32, #tpu.memory_space<vmem>> -> memref<128x128xf32, #tpu.memory_space<vmem>>
      %dma_start3A_626 = arith.constant 0 : i32
      %dma_start3A_627 = arith.constant 0 : i32
      %dma_start3A_628 = tpu.memref_slice %arg7[%dma_start3A_619, %dma_start3A_626, %dma_start3A_627] : memref<2x8x128xi32, #tpu.memory_space<vmem>> -> memref<1x8x128xi32, #tpu.memory_space<vmem>>
      %dma_start3A_629 = tpu.memref_squeeze %dma_start3A_628 : memref<1x8x128xi32, #tpu.memory_space<vmem>> -> memref<8x128xi32, #tpu.memory_space<vmem>>
      %dma_start3A_630 = arith.constant 0 : i32
      %dma_start3A_631 = tpu.memref_slice %dma_start3A_629[%dma_start3A_620, %dma_start3A_630] : memref<8x128xi32, #tpu.memory_space<vmem>> -> memref<1x128xi32, #tpu.memory_space<vmem>>
      %dma_start3A_632 = tpu.memref_squeeze %dma_start3A_631 : memref<1x128xi32, #tpu.memory_space<vmem>> -> memref<128xi32, #tpu.memory_space<vmem>>
      %dma_start3A_633 = arith.constant 0 : i32
      %dma_start3A_634 = arith.constant 0 : i32
      %dma_start3A_635 = tpu.memref_slice %arg4[%dma_start3A_633, %dma_start3A_634] : memref<10240x128xf32, #tpu.memory_space<hbm>> -> memref<10240x128xf32, #tpu.memory_space<hbm>>
      tpu.enqueue_indirect_dma source(%dma_start3A_635 : memref<10240x128xf32, #tpu.memory_space<hbm>>) target(%dma_start3A_625 : memref<128x128xf32, #tpu.memory_space<vmem>>) offsets(%dma_start3A_632 : memref<128xi32, #tpu.memory_space<vmem>>) semaphore(%arg11 : memref<!tpu.dma_semaphore, #tpu.memory_space<semaphore_mem>>)
      %dma_wait3A_636 = arith.constant 1 : i32
      %dma_wait3A_637 = arith.constant 5 : i32
      %dma_wait3A_638 = arith.constant 1 : i32
      %dma_wait3A_639 = arith.constant 0 : i32
      %dma_wait3A_640 = arith.constant 0 : i32
      %dma_wait3A_641 = tpu.memref_slice %arg9[%dma_wait3A_638, %dma_wait3A_639, %dma_wait3A_640] : memref<2x128x128xf32, #tpu.memory_space<vmem>> -> memref<1x128x128xf32, #tpu.memory_space<vmem>>
      %dma_wait3A_642 = tpu.memref_squeeze %dma_wait3A_641 : memref<1x128x128xf32, #tpu.memory_space<vmem>> -> memref<128x128xf32, #tpu.memory_space<vmem>>
      %dma_wait3A_643 = arith.constant 0 : i32
      %dma_wait3A_644 = arith.constant 0 : i32
      %dma_wait3A_645 = tpu.memref_slice %arg7[%dma_wait3A_636, %dma_wait3A_643, %dma_wait3A_644] : memref<2x8x128xi32, #tpu.memory_space<vmem>> -> memref<1x8x128xi32, #tpu.memory_space<vmem>>
      %dma_wait3A_646 = tpu.memref_squeeze %dma_wait3A_645 : memref<1x8x128xi32, #tpu.memory_space<vmem>> -> memref<8x128xi32, #tpu.memory_space<vmem>>
      %dma_wait3A_647 = arith.constant 0 : i32
      %dma_wait3A_648 = tpu.memref_slice %dma_wait3A_646[%dma_wait3A_637, %dma_wait3A_647] : memref<8x128xi32, #tpu.memory_space<vmem>> -> memref<1x128xi32, #tpu.memory_space<vmem>>
      %dma_wait3A_649 = tpu.memref_squeeze %dma_wait3A_648 : memref<1x128xi32, #tpu.memory_space<vmem>> -> memref<128xi32, #tpu.memory_space<vmem>>
      %dma_wait3A_650 = arith.constant 0 : i32
      %dma_wait3A_651 = arith.constant 0 : i32
      %dma_wait3A_652 = tpu.memref_slice %arg4[%dma_wait3A_650, %dma_wait3A_651] : memref<10240x128xf32, #tpu.memory_space<hbm>> -> memref<10240x128xf32, #tpu.memory_space<hbm>>
      tpu.wait_indirect_dma semaphore(%arg12 : memref<!tpu.dma_semaphore, #tpu.memory_space<semaphore_mem>>) src(%dma_wait3A_652 : memref<10240x128xf32, #tpu.memory_space<hbm>>) dst(%dma_wait3A_642 : memref<128x128xf32, #tpu.memory_space<vmem>>)
      %run_scoped3A_653 = arith.constant 1 : i32
      %run_scoped3A_654 = arith.constant 1 : i32
      %run_scoped3A_655 = arith.constant 5 : i32
      "tpu.region"() ({
        %run_scoped3A_713 = tpu.sem_alloc : memref<!tpu.dma_semaphore, #tpu.memory_space<semaphore_mem>>
        %dma_start3A_714 = arith.constant 0 : i32
        %dma_start3A_715 = arith.constant 0 : i32
        %dma_start3A_716 = tpu.memref_slice %arg9[%run_scoped3A_653, %dma_start3A_714, %dma_start3A_715] : memref<2x128x128xf32, #tpu.memory_space<vmem>> -> memref<1x128x128xf32, #tpu.memory_space<vmem>>
        %dma_start3A_717 = tpu.memref_squeeze %dma_start3A_716 : memref<1x128x128xf32, #tpu.memory_space<vmem>> -> memref<128x128xf32, #tpu.memory_space<vmem>>
        %dma_start3A_718 = arith.constant 0 : i32
        %dma_start3A_719 = arith.constant 0 : i32
        %dma_start3A_720 = tpu.memref_slice %arg8[%run_scoped3A_654, %dma_start3A_718, %dma_start3A_719] : memref<2x8x128xi32, #tpu.memory_space<vmem>> -> memref<1x8x128xi32, #tpu.memory_space<vmem>>
        %dma_start3A_721 = tpu.memref_squeeze %dma_start3A_720 : memref<1x8x128xi32, #tpu.memory_space<vmem>> -> memref<8x128xi32, #tpu.memory_space<vmem>>
        %dma_start3A_722 = arith.constant 0 : i32
        %dma_start3A_723 = tpu.memref_slice %dma_start3A_721[%run_scoped3A_655, %dma_start3A_722] : memref<8x128xi32, #tpu.memory_space<vmem>> -> memref<1x128xi32, #tpu.memory_space<vmem>>
        %dma_start3A_724 = tpu.memref_squeeze %dma_start3A_723 : memref<1x128xi32, #tpu.memory_space<vmem>> -> memref<128xi32, #tpu.memory_space<vmem>>
        %dma_start3A_725 = arith.constant 0 : i32
        %dma_start3A_726 = arith.constant 0 : i32
        %dma_start3A_727 = tpu.memref_slice %arg10[%dma_start3A_725, %dma_start3A_726] : memref<10240x128xf32, #tpu.memory_space<vmem_shared>> -> memref<10240x128xf32, #tpu.memory_space<vmem_shared>>
        tpu.enqueue_indirect_dma source(%dma_start3A_717 : memref<128x128xf32, #tpu.memory_space<vmem>>) target(%dma_start3A_727 : memref<10240x128xf32, #tpu.memory_space<vmem_shared>>) offsets(%dma_start3A_724 : memref<128xi32, #tpu.memory_space<vmem>>) semaphore(%run_scoped3A_713 : memref<!tpu.dma_semaphore, #tpu.memory_space<semaphore_mem>>) {add = true}
        %dma_wait3A_728 = arith.constant 0 : i32
        %dma_wait3A_729 = arith.constant 0 : i32
        %dma_wait3A_730 = tpu.memref_slice %arg9[%run_scoped3A_653, %dma_wait3A_728, %dma_wait3A_729] : memref<2x128x128xf32, #tpu.memory_space<vmem>> -> memref<1x128x128xf32, #tpu.memory_space<vmem>>
        %dma_wait3A_731 = tpu.memref_squeeze %dma_wait3A_730 : memref<1x128x128xf32, #tpu.memory_space<vmem>> -> memref<128x128xf32, #tpu.memory_space<vmem>>
        %dma_wait3A_732 = arith.constant 0 : i32
        %dma_wait3A_733 = arith.constant 0 : i32
        %dma_wait3A_734 = tpu.memref_slice %arg8[%run_scoped3A_654, %dma_wait3A_732, %dma_wait3A_733] : memref<2x8x128xi32, #tpu.memory_space<vmem>> -> memref<1x8x128xi32, #tpu.memory_space<vmem>>
        %dma_wait3A_735 = tpu.memref_squeeze %dma_wait3A_734 : memref<1x8x128xi32, #tpu.memory_space<vmem>> -> memref<8x128xi32, #tpu.memory_space<vmem>>
        %dma_wait3A_736 = arith.constant 0 : i32
        %dma_wait3A_737 = tpu.memref_slice %dma_wait3A_735[%run_scoped3A_655, %dma_wait3A_736] : memref<8x128xi32, #tpu.memory_space<vmem>> -> memref<1x128xi32, #tpu.memory_space<vmem>>
        %dma_wait3A_738 = tpu.memref_squeeze %dma_wait3A_737 : memref<1x128xi32, #tpu.memory_space<vmem>> -> memref<128xi32, #tpu.memory_space<vmem>>
        %dma_wait3A_739 = arith.constant 0 : i32
        %dma_wait3A_740 = arith.constant 0 : i32
        %dma_wait3A_741 = tpu.memref_slice %arg10[%dma_wait3A_739, %dma_wait3A_740] : memref<10240x128xf32, #tpu.memory_space<vmem_shared>> -> memref<10240x128xf32, #tpu.memory_space<vmem_shared>>
        tpu.wait_indirect_dma semaphore(%run_scoped3A_713 : memref<!tpu.dma_semaphore, #tpu.memory_space<semaphore_mem>>) src(%dma_wait3A_731 : memref<128x128xf32, #tpu.memory_space<vmem>>) dst(%dma_wait3A_741 : memref<10240x128xf32, #tpu.memory_space<vmem_shared>>)
        tpu.yield
      }) : () -> ()
      %dma_start3A_656 = arith.constant 1 : i32
      %dma_start3A_657 = arith.constant 7 : i32
      %dma_start3A_658 = arith.constant 1 : i32
      %dma_start3A_659 = arith.constant 0 : i32
      %dma_start3A_660 = arith.constant 0 : i32
      %dma_start3A_661 = tpu.memref_slice %arg9[%dma_start3A_658, %dma_start3A_659, %dma_start3A_660] : memref<2x128x128xf32, #tpu.memory_space<vmem>> -> memref<1x128x128xf32, #tpu.memory_space<vmem>>
      %dma_start3A_662 = tpu.memref_squeeze %dma_start3A_661 : memref<1x128x128xf32, #tpu.memory_space<vmem>> -> memref<128x128xf32, #tpu.memory_space<vmem>>
      %dma_start3A_663 = arith.constant 0 : i32
      %dma_start3A_664 = arith.constant 0 : i32
      %dma_start3A_665 = tpu.memref_slice %arg7[%dma_start3A_656, %dma_start3A_663, %dma_start3A_664] : memref<2x8x128xi32, #tpu.memory_space<vmem>> -> memref<1x8x128xi32, #tpu.memory_space<vmem>>
      %dma_start3A_666 = tpu.memref_squeeze %dma_start3A_665 : memref<1x8x128xi32, #tpu.memory_space<vmem>> -> memref<8x128xi32, #tpu.memory_space<vmem>>
      %dma_start3A_667 = arith.constant 0 : i32
      %dma_start3A_668 = tpu.memref_slice %dma_start3A_666[%dma_start3A_657, %dma_start3A_667] : memref<8x128xi32, #tpu.memory_space<vmem>> -> memref<1x128xi32, #tpu.memory_space<vmem>>
      %dma_start3A_669 = tpu.memref_squeeze %dma_start3A_668 : memref<1x128xi32, #tpu.memory_space<vmem>> -> memref<128xi32, #tpu.memory_space<vmem>>
      %dma_start3A_670 = arith.constant 0 : i32
      %dma_start3A_671 = arith.constant 0 : i32
      %dma_start3A_672 = tpu.memref_slice %arg4[%dma_start3A_670, %dma_start3A_671] : memref<10240x128xf32, #tpu.memory_space<hbm>> -> memref<10240x128xf32, #tpu.memory_space<hbm>>
      tpu.enqueue_indirect_dma source(%dma_start3A_672 : memref<10240x128xf32, #tpu.memory_space<hbm>>) target(%dma_start3A_662 : memref<128x128xf32, #tpu.memory_space<vmem>>) offsets(%dma_start3A_669 : memref<128xi32, #tpu.memory_space<vmem>>) semaphore(%arg12 : memref<!tpu.dma_semaphore, #tpu.memory_space<semaphore_mem>>)
      %dma_wait3A_673 = arith.constant 1 : i32
      %dma_wait3A_674 = arith.constant 6 : i32
      %dma_wait3A_675 = arith.constant 0 : i32
      %dma_wait3A_676 = arith.constant 0 : i32
      %dma_wait3A_677 = arith.constant 0 : i32
      %dma_wait3A_678 = tpu.memref_slice %arg9[%dma_wait3A_675, %dma_wait3A_676, %dma_wait3A_677] : memref<2x128x128xf32, #tpu.memory_space<vmem>> -> memref<1x128x128xf32, #tpu.memory_space<vmem>>
      %dma_wait3A_679 = tpu.memref_squeeze %dma_wait3A_678 : memref<1x128x128xf32, #tpu.memory_space<vmem>> -> memref<128x128xf32, #tpu.memory_space<vmem>>
      %dma_wait3A_680 = arith.constant 0 : i32
      %dma_wait3A_681 = arith.constant 0 : i32
      %dma_wait3A_682 = tpu.memref_slice %arg7[%dma_wait3A_673, %dma_wait3A_680, %dma_wait3A_681] : memref<2x8x128xi32, #tpu.memory_space<vmem>> -> memref<1x8x128xi32, #tpu.memory_space<vmem>>
      %dma_wait3A_683 = tpu.memref_squeeze %dma_wait3A_682 : memref<1x8x128xi32, #tpu.memory_space<vmem>> -> memref<8x128xi32, #tpu.memory_space<vmem>>
      %dma_wait3A_684 = arith.constant 0 : i32
      %dma_wait3A_685 = tpu.memref_slice %dma_wait3A_683[%dma_wait3A_674, %dma_wait3A_684] : memref<8x128xi32, #tpu.memory_space<vmem>> -> memref<1x128xi32, #tpu.memory_space<vmem>>
      %dma_wait3A_686 = tpu.memref_squeeze %dma_wait3A_685 : memref<1x128xi32, #tpu.memory_space<vmem>> -> memref<128xi32, #tpu.memory_space<vmem>>
      %dma_wait3A_687 = arith.constant 0 : i32
      %dma_wait3A_688 = arith.constant 0 : i32
      %dma_wait3A_689 = tpu.memref_slice %arg4[%dma_wait3A_687, %dma_wait3A_688] : memref<10240x128xf32, #tpu.memory_space<hbm>> -> memref<10240x128xf32, #tpu.memory_space<hbm>>
      tpu.wait_indirect_dma semaphore(%arg11 : memref<!tpu.dma_semaphore, #tpu.memory_space<semaphore_mem>>) src(%dma_wait3A_689 : memref<10240x128xf32, #tpu.memory_space<hbm>>) dst(%dma_wait3A_679 : memref<128x128xf32, #tpu.memory_space<vmem>>)
      %run_scoped3A_690 = arith.constant 0 : i32
      %run_scoped3A_691 = arith.constant 1 : i32
      %run_scoped3A_692 = arith.constant 6 : i32
      "tpu.region"() ({
        %run_scoped3A_713 = tpu.sem_alloc : memref<!tpu.dma_semaphore, #tpu.memory_space<semaphore_mem>>
        %dma_start3A_714 = arith.constant 0 : i32
        %dma_start3A_715 = arith.constant 0 : i32
        %dma_start3A_716 = tpu.memref_slice %arg9[%run_scoped3A_690, %dma_start3A_714, %dma_start3A_715] : memref<2x128x128xf32, #tpu.memory_space<vmem>> -> memref<1x128x128xf32, #tpu.memory_space<vmem>>
        %dma_start3A_717 = tpu.memref_squeeze %dma_start3A_716 : memref<1x128x128xf32, #tpu.memory_space<vmem>> -> memref<128x128xf32, #tpu.memory_space<vmem>>
        %dma_start3A_718 = arith.constant 0 : i32
        %dma_start3A_719 = arith.constant 0 : i32
        %dma_start3A_720 = tpu.memref_slice %arg8[%run_scoped3A_691, %dma_start3A_718, %dma_start3A_719] : memref<2x8x128xi32, #tpu.memory_space<vmem>> -> memref<1x8x128xi32, #tpu.memory_space<vmem>>
        %dma_start3A_721 = tpu.memref_squeeze %dma_start3A_720 : memref<1x8x128xi32, #tpu.memory_space<vmem>> -> memref<8x128xi32, #tpu.memory_space<vmem>>
        %dma_start3A_722 = arith.constant 0 : i32
        %dma_start3A_723 = tpu.memref_slice %dma_start3A_721[%run_scoped3A_692, %dma_start3A_722] : memref<8x128xi32, #tpu.memory_space<vmem>> -> memref<1x128xi32, #tpu.memory_space<vmem>>
        %dma_start3A_724 = tpu.memref_squeeze %dma_start3A_723 : memref<1x128xi32, #tpu.memory_space<vmem>> -> memref<128xi32, #tpu.memory_space<vmem>>
        %dma_start3A_725 = arith.constant 0 : i32
        %dma_start3A_726 = arith.constant 0 : i32
        %dma_start3A_727 = tpu.memref_slice %arg10[%dma_start3A_725, %dma_start3A_726] : memref<10240x128xf32, #tpu.memory_space<vmem_shared>> -> memref<10240x128xf32, #tpu.memory_space<vmem_shared>>
        tpu.enqueue_indirect_dma source(%dma_start3A_717 : memref<128x128xf32, #tpu.memory_space<vmem>>) target(%dma_start3A_727 : memref<10240x128xf32, #tpu.memory_space<vmem_shared>>) offsets(%dma_start3A_724 : memref<128xi32, #tpu.memory_space<vmem>>) semaphore(%run_scoped3A_713 : memref<!tpu.dma_semaphore, #tpu.memory_space<semaphore_mem>>) {add = true}
        %dma_wait3A_728 = arith.constant 0 : i32
        %dma_wait3A_729 = arith.constant 0 : i32
        %dma_wait3A_730 = tpu.memref_slice %arg9[%run_scoped3A_690, %dma_wait3A_728, %dma_wait3A_729] : memref<2x128x128xf32, #tpu.memory_space<vmem>> -> memref<1x128x128xf32, #tpu.memory_space<vmem>>
        %dma_wait3A_731 = tpu.memref_squeeze %dma_wait3A_730 : memref<1x128x128xf32, #tpu.memory_space<vmem>> -> memref<128x128xf32, #tpu.memory_space<vmem>>
        %dma_wait3A_732 = arith.constant 0 : i32
        %dma_wait3A_733 = arith.constant 0 : i32
        %dma_wait3A_734 = tpu.memref_slice %arg8[%run_scoped3A_691, %dma_wait3A_732, %dma_wait3A_733] : memref<2x8x128xi32, #tpu.memory_space<vmem>> -> memref<1x8x128xi32, #tpu.memory_space<vmem>>
        %dma_wait3A_735 = tpu.memref_squeeze %dma_wait3A_734 : memref<1x8x128xi32, #tpu.memory_space<vmem>> -> memref<8x128xi32, #tpu.memory_space<vmem>>
        %dma_wait3A_736 = arith.constant 0 : i32
        %dma_wait3A_737 = tpu.memref_slice %dma_wait3A_735[%run_scoped3A_692, %dma_wait3A_736] : memref<8x128xi32, #tpu.memory_space<vmem>> -> memref<1x128xi32, #tpu.memory_space<vmem>>
        %dma_wait3A_738 = tpu.memref_squeeze %dma_wait3A_737 : memref<1x128xi32, #tpu.memory_space<vmem>> -> memref<128xi32, #tpu.memory_space<vmem>>
        %dma_wait3A_739 = arith.constant 0 : i32
        %dma_wait3A_740 = arith.constant 0 : i32
        %dma_wait3A_741 = tpu.memref_slice %arg10[%dma_wait3A_739, %dma_wait3A_740] : memref<10240x128xf32, #tpu.memory_space<vmem_shared>> -> memref<10240x128xf32, #tpu.memory_space<vmem_shared>>
        tpu.wait_indirect_dma semaphore(%run_scoped3A_713 : memref<!tpu.dma_semaphore, #tpu.memory_space<semaphore_mem>>) src(%dma_wait3A_731 : memref<128x128xf32, #tpu.memory_space<vmem>>) dst(%dma_wait3A_741 : memref<10240x128xf32, #tpu.memory_space<vmem_shared>>)
        tpu.yield
      }) : () -> ()
      %dma_wait3A_693 = arith.constant 1 : i32
      %dma_wait3A_694 = arith.constant 7 : i32
      %dma_wait3A_695 = arith.constant 1 : i32
      %dma_wait3A_696 = arith.constant 0 : i32
      %dma_wait3A_697 = arith.constant 0 : i32
      %dma_wait3A_698 = tpu.memref_slice %arg9[%dma_wait3A_695, %dma_wait3A_696, %dma_wait3A_697] : memref<2x128x128xf32, #tpu.memory_space<vmem>> -> memref<1x128x128xf32, #tpu.memory_space<vmem>>
      %dma_wait3A_699 = tpu.memref_squeeze %dma_wait3A_698 : memref<1x128x128xf32, #tpu.memory_space<vmem>> -> memref<128x128xf32, #tpu.memory_space<vmem>>
      %dma_wait3A_700 = arith.constant 0 : i32
      %dma_wait3A_701 = arith.constant 0 : i32
      %dma_wait3A_702 = tpu.memref_slice %arg7[%dma_wait3A_693, %dma_wait3A_700, %dma_wait3A_701] : memref<2x8x128xi32, #tpu.memory_space<vmem>> -> memref<1x8x128xi32, #tpu.memory_space<vmem>>
      %dma_wait3A_703 = tpu.memref_squeeze %dma_wait3A_702 : memref<1x8x128xi32, #tpu.memory_space<vmem>> -> memref<8x128xi32, #tpu.memory_space<vmem>>
      %dma_wait3A_704 = arith.constant 0 : i32
      %dma_wait3A_705 = tpu.memref_slice %dma_wait3A_703[%dma_wait3A_694, %dma_wait3A_704] : memref<8x128xi32, #tpu.memory_space<vmem>> -> memref<1x128xi32, #tpu.memory_space<vmem>>
      %dma_wait3A_706 = tpu.memref_squeeze %dma_wait3A_705 : memref<1x128xi32, #tpu.memory_space<vmem>> -> memref<128xi32, #tpu.memory_space<vmem>>
      %dma_wait3A_707 = arith.constant 0 : i32
      %dma_wait3A_708 = arith.constant 0 : i32
      %dma_wait3A_709 = tpu.memref_slice %arg4[%dma_wait3A_707, %dma_wait3A_708] : memref<10240x128xf32, #tpu.memory_space<hbm>> -> memref<10240x128xf32, #tpu.memory_space<hbm>>
      tpu.wait_indirect_dma semaphore(%arg12 : memref<!tpu.dma_semaphore, #tpu.memory_space<semaphore_mem>>) src(%dma_wait3A_709 : memref<10240x128xf32, #tpu.memory_space<hbm>>) dst(%dma_wait3A_699 : memref<128x128xf32, #tpu.memory_space<vmem>>)
      %run_scoped3A_710 = arith.constant 1 : i32
      %run_scoped3A_711 = arith.constant 1 : i32
      %run_scoped3A_712 = arith.constant 7 : i32
      "tpu.region"() ({
        %run_scoped3A_713 = tpu.sem_alloc : memref<!tpu.dma_semaphore, #tpu.memory_space<semaphore_mem>>
        %dma_start3A_714 = arith.constant 0 : i32
        %dma_start3A_715 = arith.constant 0 : i32
        %dma_start3A_716 = tpu.memref_slice %arg9[%run_scoped3A_710, %dma_start3A_714, %dma_start3A_715] : memref<2x128x128xf32, #tpu.memory_space<vmem>> -> memref<1x128x128xf32, #tpu.memory_space<vmem>>
        %dma_start3A_717 = tpu.memref_squeeze %dma_start3A_716 : memref<1x128x128xf32, #tpu.memory_space<vmem>> -> memref<128x128xf32, #tpu.memory_space<vmem>>
        %dma_start3A_718 = arith.constant 0 : i32
        %dma_start3A_719 = arith.constant 0 : i32
        %dma_start3A_720 = tpu.memref_slice %arg8[%run_scoped3A_711, %dma_start3A_718, %dma_start3A_719] : memref<2x8x128xi32, #tpu.memory_space<vmem>> -> memref<1x8x128xi32, #tpu.memory_space<vmem>>
        %dma_start3A_721 = tpu.memref_squeeze %dma_start3A_720 : memref<1x8x128xi32, #tpu.memory_space<vmem>> -> memref<8x128xi32, #tpu.memory_space<vmem>>
        %dma_start3A_722 = arith.constant 0 : i32
        %dma_start3A_723 = tpu.memref_slice %dma_start3A_721[%run_scoped3A_712, %dma_start3A_722] : memref<8x128xi32, #tpu.memory_space<vmem>> -> memref<1x128xi32, #tpu.memory_space<vmem>>
        %dma_start3A_724 = tpu.memref_squeeze %dma_start3A_723 : memref<1x128xi32, #tpu.memory_space<vmem>> -> memref<128xi32, #tpu.memory_space<vmem>>
        %dma_start3A_725 = arith.constant 0 : i32
        %dma_start3A_726 = arith.constant 0 : i32
        %dma_start3A_727 = tpu.memref_slice %arg10[%dma_start3A_725, %dma_start3A_726] : memref<10240x128xf32, #tpu.memory_space<vmem_shared>> -> memref<10240x128xf32, #tpu.memory_space<vmem_shared>>
        tpu.enqueue_indirect_dma source(%dma_start3A_717 : memref<128x128xf32, #tpu.memory_space<vmem>>) target(%dma_start3A_727 : memref<10240x128xf32, #tpu.memory_space<vmem_shared>>) offsets(%dma_start3A_724 : memref<128xi32, #tpu.memory_space<vmem>>) semaphore(%run_scoped3A_713 : memref<!tpu.dma_semaphore, #tpu.memory_space<semaphore_mem>>) {add = true}
        %dma_wait3A_728 = arith.constant 0 : i32
        %dma_wait3A_729 = arith.constant 0 : i32
        %dma_wait3A_730 = tpu.memref_slice %arg9[%run_scoped3A_710, %dma_wait3A_728, %dma_wait3A_729] : memref<2x128x128xf32, #tpu.memory_space<vmem>> -> memref<1x128x128xf32, #tpu.memory_space<vmem>>
        %dma_wait3A_731 = tpu.memref_squeeze %dma_wait3A_730 : memref<1x128x128xf32, #tpu.memory_space<vmem>> -> memref<128x128xf32, #tpu.memory_space<vmem>>
        %dma_wait3A_732 = arith.constant 0 : i32
        %dma_wait3A_733 = arith.constant 0 : i32
        %dma_wait3A_734 = tpu.memref_slice %arg8[%run_scoped3A_711, %dma_wait3A_732, %dma_wait3A_733] : memref<2x8x128xi32, #tpu.memory_space<vmem>> -> memref<1x8x128xi32, #tpu.memory_space<vmem>>
        %dma_wait3A_735 = tpu.memref_squeeze %dma_wait3A_734 : memref<1x8x128xi32, #tpu.memory_space<vmem>> -> memref<8x128xi32, #tpu.memory_space<vmem>>
        %dma_wait3A_736 = arith.constant 0 : i32
        %dma_wait3A_737 = tpu.memref_slice %dma_wait3A_735[%run_scoped3A_712, %dma_wait3A_736] : memref<8x128xi32, #tpu.memory_space<vmem>> -> memref<1x128xi32, #tpu.memory_space<vmem>>
        %dma_wait3A_738 = tpu.memref_squeeze %dma_wait3A_737 : memref<1x128xi32, #tpu.memory_space<vmem>> -> memref<128xi32, #tpu.memory_space<vmem>>
        %dma_wait3A_739 = arith.constant 0 : i32
        %dma_wait3A_740 = arith.constant 0 : i32
        %dma_wait3A_741 = tpu.memref_slice %arg10[%dma_wait3A_739, %dma_wait3A_740] : memref<10240x128xf32, #tpu.memory_space<vmem_shared>> -> memref<10240x128xf32, #tpu.memory_space<vmem_shared>>
        tpu.wait_indirect_dma semaphore(%run_scoped3A_713 : memref<!tpu.dma_semaphore, #tpu.memory_space<semaphore_mem>>) src(%dma_wait3A_731 : memref<128x128xf32, #tpu.memory_space<vmem>>) dst(%dma_wait3A_741 : memref<10240x128xf32, #tpu.memory_space<vmem_shared>>)
        tpu.yield
      }) : () -> ()
    }
    %scan3A_38 = arith.constant 5 : i32
    %barrier3A_39 = arith.constant 0 : index
    tpu.barrier barrier_id(%barrier3A_39)
    %mul3A_40 = arith.constant 10240 : i32
    %mul3A_41 = arith.muli %arg0, %mul3A_40 : i32
    %add3A_42 = arith.addi %mul3A_41, %mul3A_4 : i32
    "tpu.region"() ({
      %run_scoped3A = tpu.sem_alloc : memref<!tpu.dma_semaphore, #tpu.memory_space<semaphore_mem>>
      %dma_start3A_43 = arith.constant 0 : i32
      %dma_start3A_44 = tpu.memref_slice %arg6[%add3A_42, %dma_start3A_43] : memref<20480x128xf32, #tpu.memory_space<hbm>> -> memref<640x128xf32, #tpu.memory_space<hbm>>
      %dma_start3A_45 = arith.constant 0 : i32
      %dma_start3A_46 = tpu.memref_slice %arg10[%mul3A_4, %dma_start3A_45] : memref<10240x128xf32, #tpu.memory_space<vmem_shared>> -> memref<640x128xf32, #tpu.memory_space<vmem_shared>>
      tpu.enqueue_dma source(%dma_start3A_46 : memref<640x128xf32, #tpu.memory_space<vmem_shared>>) target(%dma_start3A_44 : memref<640x128xf32, #tpu.memory_space<hbm>>) target_semaphore(%run_scoped3A : memref<!tpu.dma_semaphore, #tpu.memory_space<semaphore_mem>>)
      %dma_wait3A = arith.constant 0 : i32
      %dma_wait3A_47 = tpu.memref_slice %arg6[%add3A_42, %dma_wait3A] : memref<20480x128xf32, #tpu.memory_space<hbm>> -> memref<640x128xf32, #tpu.memory_space<hbm>>
      %dma_wait3A_48 = arith.constant 0 : i32
      %dma_wait3A_49 = tpu.memref_slice %arg10[%mul3A_4, %dma_wait3A_48] : memref<10240x128xf32, #tpu.memory_space<vmem_shared>> -> memref<640x128xf32, #tpu.memory_space<vmem_shared>>
      tpu.wait_dma2 semaphore(%run_scoped3A : memref<!tpu.dma_semaphore, #tpu.memory_space<semaphore_mem>>) src(%dma_wait3A_49 : memref<640x128xf32, #tpu.memory_space<vmem_shared>>) dst(%dma_wait3A_47 : memref<640x128xf32, #tpu.memory_space<hbm>>)
      tpu.yield
    }) : () -> ()
    return
  }
}

#map = affine_map<(d0, d1) -> (0)>
#map1 = affine_map<(d0, d1) -> (0, 0)>
module attributes {stable_mosaic.version = 14 : i64} {
  func.func @_sc_deg(%arg0: i32, %arg1: i32, %arg2: memref<327680xi32, #tpu.memory_space<hbm>>, %arg3: memref<10240xf32, #tpu.memory_space<hbm>>, %arg4: memref<32x10240xf32, #tpu.memory_space<hbm>>, %arg5: memref<10240xi32, #tpu.memory_space<vmem>>, %arg6: memref<10240xf32, #tpu.memory_space<vmem>>) attributes {dimension_semantics = [#tpu.dimension_semantics<core_parallel>, #tpu.dimension_semantics<subcore_parallel>], iteration_bounds = array<i64: 2, 16>, scalar_prefetch = 0 : i64, scratch_operands = 2 : i64, tpu.core_type = #tpu.core_type<sc_vector_subcore>, window_params = [{transform_indices = #map}, {transform_indices = #map}, {transform_indices = #map1}]} {
    %mul3A = arith.constant 16 : i32
    %mul3A_0 = arith.muli %arg0, %mul3A : i32
    %add3A = arith.addi %mul3A_0, %arg1 : i32
    %mul3A_1 = arith.constant 10240 : i32
    %mul3A_2 = arith.muli %add3A, %mul3A_1 : i32
    "tpu.region"() ({
      %run_scoped3A = tpu.sem_alloc : memref<!tpu.dma_semaphore, #tpu.memory_space<semaphore_mem>>
      %dma_start3A = tpu.memref_slice %arg2[%mul3A_2] : memref<327680xi32, #tpu.memory_space<hbm>> -> memref<10240xi32, #tpu.memory_space<hbm>>
      %dma_start3A_9 = tpu.memref_slice %arg2[%mul3A_2] : memref<327680xi32, #tpu.memory_space<hbm>> -> memref<10240xi32, #tpu.memory_space<hbm>>
      tpu.enqueue_dma source(%dma_start3A_9 : memref<10240xi32, #tpu.memory_space<hbm>>) target(%arg5 : memref<10240xi32, #tpu.memory_space<vmem>>) target_semaphore(%run_scoped3A : memref<!tpu.dma_semaphore, #tpu.memory_space<semaphore_mem>>)
      %dma_wait3A = tpu.memref_slice %arg2[%mul3A_2] : memref<327680xi32, #tpu.memory_space<hbm>> -> memref<10240xi32, #tpu.memory_space<hbm>>
      %dma_wait3A_10 = tpu.memref_slice %arg2[%mul3A_2] : memref<327680xi32, #tpu.memory_space<hbm>> -> memref<10240xi32, #tpu.memory_space<hbm>>
      tpu.wait_dma2 semaphore(%run_scoped3A : memref<!tpu.dma_semaphore, #tpu.memory_space<semaphore_mem>>) src(%dma_wait3A_10 : memref<10240xi32, #tpu.memory_space<hbm>>) dst(%arg5 : memref<10240xi32, #tpu.memory_space<vmem>>)
      tpu.yield
    }) : () -> ()
    "tpu.region"() ({
      %run_scoped3A = tpu.sem_alloc : memref<!tpu.dma_semaphore, #tpu.memory_space<semaphore_mem>>
      tpu.enqueue_dma source(%arg3 : memref<10240xf32, #tpu.memory_space<hbm>>) target(%arg6 : memref<10240xf32, #tpu.memory_space<vmem>>) target_semaphore(%run_scoped3A : memref<!tpu.dma_semaphore, #tpu.memory_space<semaphore_mem>>)
      tpu.wait_dma2 semaphore(%run_scoped3A : memref<!tpu.dma_semaphore, #tpu.memory_space<semaphore_mem>>) src(%arg3 : memref<10240xf32, #tpu.memory_space<hbm>>) dst(%arg6 : memref<10240xf32, #tpu.memory_space<vmem>>)
      tpu.yield
    }) : () -> ()
    %broadcast_in_dim3A = arith.constant 1.000000e+00 : f32
    %broadcast_in_dim3A_3 = vector.broadcast %broadcast_in_dim3A : f32 to vector<16xf32>
    %scan3A = arith.constant 0 : i32
    %scan3A_4 = arith.constant 0 : i32
    %scan3A_5 = arith.constant 640 : i32
    %scan3A_6 = arith.addi %scan3A_4, %scan3A_5 : i32
    %scan3A_7 = arith.constant 1 : i32
    scf.for %scan3A_9 = %scan3A_4 to %scan3A_6 step %scan3A_7  : i32 {
      %mul3A_10 = arith.constant 16 : i32
      %mul3A_11 = arith.muli %scan3A_9, %mul3A_10 : i32
      %get3A = arith.index_cast %mul3A_11 : i32 to index
      %get3A_12 = tpu.vector_load %arg5[%get3A] {strides = array<i32>} : memref<10240xi32, #tpu.memory_space<vmem>>, vector<16xi32>,
      tpu.vector_store_idx %arg6[%get3A_12], %broadcast_in_dim3A_3 {add = true} : memref<10240xf32, #tpu.memory_space<vmem>>[vector<16xi32>], vector<16xf32>,
    }
    %scan3A_8 = arith.constant 640 : i32
    "tpu.region"() ({
      %run_scoped3A = tpu.sem_alloc : memref<!tpu.dma_semaphore, #tpu.memory_space<semaphore_mem>>
      %dma_start3A = arith.constant 0 : i32
      %dma_start3A_9 = tpu.memref_slice %arg4[%add3A, %dma_start3A] : memref<32x10240xf32, #tpu.memory_space<hbm>> -> memref<1x10240xf32, #tpu.memory_space<hbm>>
      %dma_start3A_10 = tpu.memref_squeeze %dma_start3A_9 : memref<1x10240xf32, #tpu.memory_space<hbm>> -> memref<10240xf32, #tpu.memory_space<hbm>>
      %dma_start3A_11 = arith.constant 0 : i32
      %dma_start3A_12 = tpu.memref_slice %arg4[%add3A, %dma_start3A_11] : memref<32x10240xf32, #tpu.memory_space<hbm>> -> memref<1x10240xf32, #tpu.memory_space<hbm>>
      %dma_start3A_13 = tpu.memref_squeeze %dma_start3A_12 : memref<1x10240xf32, #tpu.memory_space<hbm>> -> memref<10240xf32, #tpu.memory_space<hbm>>
      tpu.enqueue_dma source(%arg6 : memref<10240xf32, #tpu.memory_space<vmem>>) target(%dma_start3A_13 : memref<10240xf32, #tpu.memory_space<hbm>>) target_semaphore(%run_scoped3A : memref<!tpu.dma_semaphore, #tpu.memory_space<semaphore_mem>>)
      %dma_wait3A = arith.constant 0 : i32
      %dma_wait3A_14 = tpu.memref_slice %arg4[%add3A, %dma_wait3A] : memref<32x10240xf32, #tpu.memory_space<hbm>> -> memref<1x10240xf32, #tpu.memory_space<hbm>>
      %dma_wait3A_15 = tpu.memref_squeeze %dma_wait3A_14 : memref<1x10240xf32, #tpu.memory_space<hbm>> -> memref<10240xf32, #tpu.memory_space<hbm>>
      %dma_wait3A_16 = arith.constant 0 : i32
      %dma_wait3A_17 = tpu.memref_slice %arg4[%add3A, %dma_wait3A_16] : memref<32x10240xf32, #tpu.memory_space<hbm>> -> memref<1x10240xf32, #tpu.memory_space<hbm>>
      %dma_wait3A_18 = tpu.memref_squeeze %dma_wait3A_17 : memref<1x10240xf32, #tpu.memory_space<hbm>> -> memref<10240xf32, #tpu.memory_space<hbm>>
      tpu.wait_dma2 semaphore(%run_scoped3A : memref<!tpu.dma_semaphore, #tpu.memory_space<semaphore_mem>>) src(%arg6 : memref<10240xf32, #tpu.memory_space<vmem>>) dst(%dma_wait3A_18 : memref<10240xf32, #tpu.memory_space<hbm>>)
      tpu.yield
    }) : () -> ()
    return
  }
}

#map = affine_map<(d0, d1) -> (0)>
#map1 = affine_map<(d0, d1) -> (0, 0)>
module attributes {stable_mosaic.version = 14 : i64} {
  func.func @_sc_u(%arg0: i32, %arg1: i32, %arg2: memref<327680xi32, #tpu.memory_space<hbm>>, %arg3: memref<327680xi32, #tpu.memory_space<hbm>>, %arg4: memref<10240xf32, #tpu.memory_space<hbm>>, %arg5: memref<10240xf32, #tpu.memory_space<hbm>>, %arg6: memref<32x10240xf32, #tpu.memory_space<hbm>>, %arg7: memref<10240xi32, #tpu.memory_space<vmem>>, %arg8: memref<10240xi32, #tpu.memory_space<vmem>>, %arg9: memref<10240xf32, #tpu.memory_space<vmem>>, %arg10: memref<10240xf32, #tpu.memory_space<vmem>>) attributes {dimension_semantics = [#tpu.dimension_semantics<core_parallel>, #tpu.dimension_semantics<subcore_parallel>], iteration_bounds = array<i64: 2, 16>, scalar_prefetch = 0 : i64, scratch_operands = 4 : i64, tpu.core_type = #tpu.core_type<sc_vector_subcore>, window_params = [{transform_indices = #map}, {transform_indices = #map}, {transform_indices = #map}, {transform_indices = #map}, {transform_indices = #map1}]} {
    %mul3A = arith.constant 16 : i32
    %mul3A_0 = arith.muli %arg0, %mul3A : i32
    %add3A = arith.addi %mul3A_0, %arg1 : i32
    %mul3A_1 = arith.constant 10240 : i32
    %mul3A_2 = arith.muli %add3A, %mul3A_1 : i32
    "tpu.region"() ({
      %run_scoped3A = tpu.sem_alloc : memref<!tpu.dma_semaphore, #tpu.memory_space<semaphore_mem>>
      %dma_start3A = tpu.memref_slice %arg2[%mul3A_2] : memref<327680xi32, #tpu.memory_space<hbm>> -> memref<10240xi32, #tpu.memory_space<hbm>>
      %dma_start3A_10 = tpu.memref_slice %arg2[%mul3A_2] : memref<327680xi32, #tpu.memory_space<hbm>> -> memref<10240xi32, #tpu.memory_space<hbm>>
      tpu.enqueue_dma source(%dma_start3A_10 : memref<10240xi32, #tpu.memory_space<hbm>>) target(%arg7 : memref<10240xi32, #tpu.memory_space<vmem>>) target_semaphore(%run_scoped3A : memref<!tpu.dma_semaphore, #tpu.memory_space<semaphore_mem>>)
      %dma_wait3A = tpu.memref_slice %arg2[%mul3A_2] : memref<327680xi32, #tpu.memory_space<hbm>> -> memref<10240xi32, #tpu.memory_space<hbm>>
      %dma_wait3A_11 = tpu.memref_slice %arg2[%mul3A_2] : memref<327680xi32, #tpu.memory_space<hbm>> -> memref<10240xi32, #tpu.memory_space<hbm>>
      tpu.wait_dma2 semaphore(%run_scoped3A : memref<!tpu.dma_semaphore, #tpu.memory_space<semaphore_mem>>) src(%dma_wait3A_11 : memref<10240xi32, #tpu.memory_space<hbm>>) dst(%arg7 : memref<10240xi32, #tpu.memory_space<vmem>>)
      tpu.yield
    }) : () -> ()
    %mul3A_3 = arith.constant 10240 : i32
    %mul3A_4 = arith.muli %add3A, %mul3A_3 : i32
    "tpu.region"() ({
      %run_scoped3A = tpu.sem_alloc : memref<!tpu.dma_semaphore, #tpu.memory_space<semaphore_mem>>
      %dma_start3A = tpu.memref_slice %arg3[%mul3A_4] : memref<327680xi32, #tpu.memory_space<hbm>> -> memref<10240xi32, #tpu.memory_space<hbm>>
      %dma_start3A_10 = tpu.memref_slice %arg3[%mul3A_4] : memref<327680xi32, #tpu.memory_space<hbm>> -> memref<10240xi32, #tpu.memory_space<hbm>>
      tpu.enqueue_dma source(%dma_start3A_10 : memref<10240xi32, #tpu.memory_space<hbm>>) target(%arg8 : memref<10240xi32, #tpu.memory_space<vmem>>) target_semaphore(%run_scoped3A : memref<!tpu.dma_semaphore, #tpu.memory_space<semaphore_mem>>)
      %dma_wait3A = tpu.memref_slice %arg3[%mul3A_4] : memref<327680xi32, #tpu.memory_space<hbm>> -> memref<10240xi32, #tpu.memory_space<hbm>>
      %dma_wait3A_11 = tpu.memref_slice %arg3[%mul3A_4] : memref<327680xi32, #tpu.memory_space<hbm>> -> memref<10240xi32, #tpu.memory_space<hbm>>
      tpu.wait_dma2 semaphore(%run_scoped3A : memref<!tpu.dma_semaphore, #tpu.memory_space<semaphore_mem>>) src(%dma_wait3A_11 : memref<10240xi32, #tpu.memory_space<hbm>>) dst(%arg8 : memref<10240xi32, #tpu.memory_space<vmem>>)
      tpu.yield
    }) : () -> ()
    "tpu.region"() ({
      %run_scoped3A = tpu.sem_alloc : memref<!tpu.dma_semaphore, #tpu.memory_space<semaphore_mem>>
      tpu.enqueue_dma source(%arg4 : memref<10240xf32, #tpu.memory_space<hbm>>) target(%arg9 : memref<10240xf32, #tpu.memory_space<vmem>>) target_semaphore(%run_scoped3A : memref<!tpu.dma_semaphore, #tpu.memory_space<semaphore_mem>>)
      tpu.wait_dma2 semaphore(%run_scoped3A : memref<!tpu.dma_semaphore, #tpu.memory_space<semaphore_mem>>) src(%arg4 : memref<10240xf32, #tpu.memory_space<hbm>>) dst(%arg9 : memref<10240xf32, #tpu.memory_space<vmem>>)
      tpu.yield
    }) : () -> ()
    "tpu.region"() ({
      %run_scoped3A = tpu.sem_alloc : memref<!tpu.dma_semaphore, #tpu.memory_space<semaphore_mem>>
      tpu.enqueue_dma source(%arg5 : memref<10240xf32, #tpu.memory_space<hbm>>) target(%arg10 : memref<10240xf32, #tpu.memory_space<vmem>>) target_semaphore(%run_scoped3A : memref<!tpu.dma_semaphore, #tpu.memory_space<semaphore_mem>>)
      tpu.wait_dma2 semaphore(%run_scoped3A : memref<!tpu.dma_semaphore, #tpu.memory_space<semaphore_mem>>) src(%arg5 : memref<10240xf32, #tpu.memory_space<hbm>>) dst(%arg10 : memref<10240xf32, #tpu.memory_space<vmem>>)
      tpu.yield
    }) : () -> ()
    %scan3A = arith.constant 0 : i32
    %scan3A_5 = arith.constant 0 : i32
    %scan3A_6 = arith.constant 640 : i32
    %scan3A_7 = arith.addi %scan3A_5, %scan3A_6 : i32
    %scan3A_8 = arith.constant 1 : i32
    scf.for %scan3A_10 = %scan3A_5 to %scan3A_7 step %scan3A_8  : i32 {
      %mul3A_11 = arith.constant 16 : i32
      %mul3A_12 = arith.muli %scan3A_10, %mul3A_11 : i32
      %get3A = arith.index_cast %mul3A_12 : i32 to index
      %get3A_13 = tpu.vector_load %arg8[%get3A] {strides = array<i32>} : memref<10240xi32, #tpu.memory_space<vmem>>, vector<16xi32>,
      %gather3A = tpu.vector_load_idx %arg9[%get3A_13] : memref<10240xf32, #tpu.memory_space<vmem>>[vector<16xi32>], vector<16xf32>,
      %mul3A_14 = arith.constant 16 : i32
      %mul3A_15 = arith.muli %scan3A_10, %mul3A_14 : i32
      %get3A_16 = arith.index_cast %mul3A_15 : i32 to index
      %get3A_17 = tpu.vector_load %arg7[%get3A_16] {strides = array<i32>} : memref<10240xi32, #tpu.memory_space<vmem>>, vector<16xi32>,
      tpu.vector_store_idx %arg10[%get3A_17], %gather3A {add = true} : memref<10240xf32, #tpu.memory_space<vmem>>[vector<16xi32>], vector<16xf32>,
    }
    %scan3A_9 = arith.constant 640 : i32
    "tpu.region"() ({
      %run_scoped3A = tpu.sem_alloc : memref<!tpu.dma_semaphore, #tpu.memory_space<semaphore_mem>>
      %dma_start3A = arith.constant 0 : i32
      %dma_start3A_10 = tpu.memref_slice %arg6[%add3A, %dma_start3A] : memref<32x10240xf32, #tpu.memory_space<hbm>> -> memref<1x10240xf32, #tpu.memory_space<hbm>>
      %dma_start3A_11 = tpu.memref_squeeze %dma_start3A_10 : memref<1x10240xf32, #tpu.memory_space<hbm>> -> memref<10240xf32, #tpu.memory_space<hbm>>
      %dma_start3A_12 = arith.constant 0 : i32
      %dma_start3A_13 = tpu.memref_slice %arg6[%add3A, %dma_start3A_12] : memref<32x10240xf32, #tpu.memory_space<hbm>> -> memref<1x10240xf32, #tpu.memory_space<hbm>>
      %dma_start3A_14 = tpu.memref_squeeze %dma_start3A_13 : memref<1x10240xf32, #tpu.memory_space<hbm>> -> memref<10240xf32, #tpu.memory_space<hbm>>
      tpu.enqueue_dma source(%arg10 : memref<10240xf32, #tpu.memory_space<vmem>>) target(%dma_start3A_14 : memref<10240xf32, #tpu.memory_space<hbm>>) target_semaphore(%run_scoped3A : memref<!tpu.dma_semaphore, #tpu.memory_space<semaphore_mem>>)
      %dma_wait3A = arith.constant 0 : i32
      %dma_wait3A_15 = tpu.memref_slice %arg6[%add3A, %dma_wait3A] : memref<32x10240xf32, #tpu.memory_space<hbm>> -> memref<1x10240xf32, #tpu.memory_space<hbm>>
      %dma_wait3A_16 = tpu.memref_squeeze %dma_wait3A_15 : memref<1x10240xf32, #tpu.memory_space<hbm>> -> memref<10240xf32, #tpu.memory_space<hbm>>
      %dma_wait3A_17 = arith.constant 0 : i32
      %dma_wait3A_18 = tpu.memref_slice %arg6[%add3A, %dma_wait3A_17] : memref<32x10240xf32, #tpu.memory_space<hbm>> -> memref<1x10240xf32, #tpu.memory_space<hbm>>
      %dma_wait3A_19 = tpu.memref_squeeze %dma_wait3A_18 : memref<1x10240xf32, #tpu.memory_space<hbm>> -> memref<10240xf32, #tpu.memory_space<hbm>>
      tpu.wait_dma2 semaphore(%run_scoped3A : memref<!tpu.dma_semaphore, #tpu.memory_space<semaphore_mem>>) src(%arg10 : memref<10240xf32, #tpu.memory_space<vmem>>) dst(%dma_wait3A_19 : memref<10240xf32, #tpu.memory_space<hbm>>)
      tpu.yield
    }) : () -> ()
    return
  }
}

module attributes {stable_mosaic.version = 14 : i64} {
  func.func @_tc1_body(%arg0: i32, %arg1: memref<32x1024xf32, #tpu.memory_space<vmem>>, %arg2: memref<1024x128xf32, #tpu.memory_space<vmem>>, %arg3: memref<1024x128xf32, #tpu.memory_space<vmem>>, %arg4: memref<1024x16xf32, #tpu.memory_space<vmem>>) attributes {dimension_semantics = [#tpu.dimension_semantics<arbitrary>], iteration_bounds = array<i64: 10>, scalar_prefetch = 0 : i64, scratch_operands = 0 : i64, tpu.core_type = #tpu.core_type<tc>, window_params = [{transform_indices = @transform_0, window_bounds = array<i64: 32, 1024>}, {transform_indices = @transform_1, window_bounds = array<i64: 1024, 128>}, {transform_indices = @transform_2, window_bounds = array<i64: 1024, 128>}, {transform_indices = @transform_3, window_bounds = array<i64: 1024, 16>}]} {
    %get3A = arith.constant 0 : index
    %get3A_0 = arith.constant 0 : index
    %get3A_1 = vector.load %arg1[%get3A, %get3A_0] : memref<32x1024xf32, #tpu.memory_space<vmem>>, vector<32x1024xf32>
    %reduce_sum3A = arith.constant dense<0.000000e+00> : vector<1024xf32>
    %reduce_sum3A_2 = vector.multi_reduction <add>, %get3A_1, %reduce_sum3A [0] : vector<32x1024xf32> to vector<1024xf32>
    %add3A = arith.constant 1.000000e+00 : f32
    %add3A_3 = vector.broadcast %add3A : f32 to vector<1024xf32>
    %add3A_4 = arith.addf %reduce_sum3A_2, %add3A_3 : vector<1024xf32>
    %rsqrt3A = math.rsqrt %add3A_4 : vector<1024xf32>
    %broadcast_in_dim3A = vector.shape_cast %rsqrt3A : vector<1024xf32> to vector<1024x1xf32>
    %broadcast_in_dim3A_5 = vector.shape_cast %broadcast_in_dim3A : vector<1024x1xf32> to vector<1024x1xf32>
    %broadcast_in_dim3A_6 = vector.broadcast %broadcast_in_dim3A_5 : vector<1024x1xf32> to vector<1024x16xf32>
    %swap3A = arith.constant 0 : index
    %swap3A_7 = arith.constant 0 : index
    %swap3A_8 = vector.load %arg4[%swap3A, %swap3A_7] : memref<1024x16xf32, #tpu.memory_space<vmem>>, vector<1024x16xf32>
    tpu.vector_store %arg4[%swap3A, %swap3A_7], %broadcast_in_dim3A_6 {strides = array<i32>} : memref<1024x16xf32, #tpu.memory_space<vmem>>, vector<1024x16xf32>,
    %get3A_9 = arith.constant 0 : index
    %get3A_10 = arith.constant 0 : index
    %get3A_11 = vector.load %arg2[%get3A_9, %get3A_10] : memref<1024x128xf32, #tpu.memory_space<vmem>>, vector<1024x128xf32>
    %broadcast_in_dim3A_12 = vector.shape_cast %rsqrt3A : vector<1024xf32> to vector<1024x1xf32>
    %mul3A = vector.broadcast %broadcast_in_dim3A_12 : vector<1024x1xf32> to vector<1024x128xf32>
    %mul3A_13 = arith.mulf %get3A_11, %mul3A : vector<1024x128xf32>
    %swap3A_14 = arith.constant 0 : index
    %swap3A_15 = arith.constant 0 : index
    %swap3A_16 = vector.load %arg3[%swap3A_14, %swap3A_15] : memref<1024x128xf32, #tpu.memory_space<vmem>>, vector<1024x128xf32>
    tpu.vector_store %arg3[%swap3A_14, %swap3A_15], %mul3A_13 {strides = array<i32>} : memref<1024x128xf32, #tpu.memory_space<vmem>>, vector<1024x128xf32>,
    return
  }
  func.func @transform_0(%arg0: i32) -> (i32, i32) {
    %c0_i32 = arith.constant 0 : i32
    %c0_i32_0 = arith.constant 0 : i32
    return %c0_i32, %arg0 : i32, i32
  }
  func.func @transform_1(%arg0: i32) -> (i32, i32) {
    %c0_i32 = arith.constant 0 : i32
    %c0_i32_0 = arith.constant 0 : i32
    return %arg0, %c0_i32 : i32, i32
  }
  func.func @transform_2(%arg0: i32) -> (i32, i32) {
    %c0_i32 = arith.constant 0 : i32
    %c0_i32_0 = arith.constant 0 : i32
    return %arg0, %c0_i32 : i32, i32
  }
  func.func @transform_3(%arg0: i32) -> (i32, i32) {
    %c0_i32 = arith.constant 0 : i32
    %c0_i32_0 = arith.constant 0 : i32
    return %arg0, %c0_i32 : i32, i32
  }
}

module attributes {stable_mosaic.version = 14 : i64} {
  func.func @_tc2_body(%arg0: i32, %arg1: memref<2x512x128xf32, #tpu.memory_space<vmem>>, %arg2: memref<512x128xf32, #tpu.memory_space<vmem>>, %arg3: memref<512x16xf32, #tpu.memory_space<vmem>>, %arg4: memref<32x512xf32, #tpu.memory_space<vmem>>, %arg5: memref<128x256xf32, #tpu.memory_space<vmem>>, %arg6: memref<1x256xf32, #tpu.memory_space<vmem>>, %arg7: memref<256x128xf32, #tpu.memory_space<vmem>>, %arg8: memref<1x128xf32, #tpu.memory_space<vmem>>, %arg9: memref<1x128xf32, #tpu.memory_space<vmem>>, %arg10: memref<1x256xf32, #tpu.memory_space<vmem>>) attributes {dimension_semantics = [#tpu.dimension_semantics<arbitrary>], iteration_bounds = array<i64: 20>, scalar_prefetch = 0 : i64, scratch_operands = 1 : i64, tpu.core_type = #tpu.core_type<tc>, window_params = [{transform_indices = @transform_0, window_bounds = array<i64: 2, 512, 128>}, {transform_indices = @transform_1, window_bounds = array<i64: 512, 128>}, {transform_indices = @transform_2, window_bounds = array<i64: 512, 16>}, {transform_indices = @transform_3, window_bounds = array<i64: 32, 512>}, {pipeline_mode = #tpu.pipeline_mode<synchronous>, transform_indices = @transform_4, window_bounds = array<i64: 128, 256>}, {pipeline_mode = #tpu.pipeline_mode<synchronous>, transform_indices = @transform_5, window_bounds = array<i64: 1, 256>}, {pipeline_mode = #tpu.pipeline_mode<synchronous>, transform_indices = @transform_6, window_bounds = array<i64: 256, 128>}, {pipeline_mode = #tpu.pipeline_mode<synchronous>, transform_indices = @transform_7, window_bounds = array<i64: 1, 128>}, {pipeline_mode = #tpu.pipeline_mode<synchronous>, transform_indices = @transform_8, window_bounds = array<i64: 1, 128>}]} {
    %eq3A = arith.constant 0 : i32
    %eq3A_0 = arith.cmpi eq, %arg0, %eq3A : i32
    %convert_element_type3A = arith.extui %eq3A_0 : i1 to i32
    %cond3A = arith.constant 0 : i32
    %cond3A_1 = arith.cmpi ne, %convert_element_type3A, %cond3A : i32
    scf.if %cond3A_1 {
      %broadcast_in_dim3A_60 = arith.constant 0.000000e+00 : f32
      %broadcast_in_dim3A_61 = vector.broadcast %broadcast_in_dim3A_60 : f32 to vector<1x256xf32>
      %swap3A_62 = arith.constant 0 : index
      %swap3A_63 = arith.constant 0 : index
      %swap3A_64 = vector.load %arg10[%swap3A_62, %swap3A_63] : memref<1x256xf32, #tpu.memory_space<vmem>>, vector<1x256xf32>
      tpu.vector_store %arg10[%swap3A_62, %swap3A_63], %broadcast_in_dim3A_61 {strides = array<i32>} : memref<1x256xf32, #tpu.memory_space<vmem>>, vector<1x256xf32>,
    } else {
    }
    %get3A = arith.constant 0 : index
    %get3A_2 = arith.constant 0 : index
    %get3A_3 = arith.constant 0 : index
    %get3A_4 = vector.load %arg1[%get3A, %get3A_2, %get3A_3] : memref<2x512x128xf32, #tpu.memory_space<vmem>>, vector<1x512x128xf32>
    %get3A_5 = vector.shape_cast %get3A_4 : vector<1x512x128xf32> to vector<512x128xf32>
    %get3A_6 = arith.constant 1 : index
    %get3A_7 = arith.constant 0 : index
    %get3A_8 = arith.constant 0 : index
    %get3A_9 = vector.load %arg1[%get3A_6, %get3A_7, %get3A_8] : memref<2x512x128xf32, #tpu.memory_space<vmem>>, vector<1x512x128xf32>
    %get3A_10 = vector.shape_cast %get3A_9 : vector<1x512x128xf32> to vector<512x128xf32>
    %add3A = arith.addf %get3A_5, %get3A_10 : vector<512x128xf32>
    %get3A_11 = arith.constant 0 : index
    %get3A_12 = arith.constant 0 : index
    %get3A_13 = vector.load %arg3[%get3A_11, %get3A_12] : memref<512x16xf32, #tpu.memory_space<vmem>>, vector<512x16xf32>
    %slice3A = vector.extract_strided_slice %get3A_13 {offsets = [0, 0], sizes = [512, 1], strides = [1, 1]} : vector<512x16xf32> to vector<512x1xf32>
    %get3A_14 = arith.constant 0 : index
    %get3A_15 = arith.constant 0 : index
    %get3A_16 = vector.load %arg2[%get3A_14, %get3A_15] : memref<512x128xf32, #tpu.memory_space<vmem>>, vector<512x128xf32>
    %add3A_17 = arith.addf %add3A, %get3A_16 : vector<512x128xf32>
    %mul3A = vector.broadcast %slice3A : vector<512x1xf32> to vector<512x128xf32>
    %mul3A_18 = arith.mulf %mul3A, %add3A_17 : vector<512x128xf32>
    %get3A_19 = arith.constant 0 : index
    %get3A_20 = arith.constant 0 : index
    %get3A_21 = vector.load %arg5[%get3A_19, %get3A_20] : memref<128x256xf32, #tpu.memory_space<vmem>>, vector<128x256xf32>
    %dot_general3A = arith.constant dense<0.000000e+00> : vector<512x256xf32>
    %dot_general3A_22 = tpu.matmul %mul3A_18, %get3A_21, %dot_general3A {dimension_numbers = #tpu.dot_dimension_numbers<[1], [0], [0], [1], [0, 0, 1, 1], [], []>, transpose_lhs_hint = false} : vector<512x128xf32>, vector<128x256xf32>, vector<512x256xf32> -> vector<512x256xf32>
    %get3A_23 = arith.constant 0 : index
    %get3A_24 = arith.constant 0 : index
    %get3A_25 = vector.load %arg6[%get3A_23, %get3A_24] : memref<1x256xf32, #tpu.memory_space<vmem>>, vector<1x256xf32>
    %add3A_26 = vector.broadcast %get3A_25 : vector<1x256xf32> to vector<512x256xf32>
    %add3A_27 = arith.addf %dot_general3A_22, %add3A_26 : vector<512x256xf32>
    %max3A = arith.constant 0.000000e+00 : f32
    %max3A_28 = vector.broadcast %max3A : f32 to vector<512x256xf32>
    %max3A_29 = arith.maximumf %add3A_27, %max3A_28 : vector<512x256xf32>
    %get3A_30 = arith.constant 0 : index
    %get3A_31 = arith.constant 0 : index
    %get3A_32 = vector.load %arg4[%get3A_30, %get3A_31] : memref<32x512xf32, #tpu.memory_space<vmem>>, vector<32x512xf32>
    %reduce_sum3A = arith.constant dense<0.000000e+00> : vector<512xf32>
    %reduce_sum3A_33 = vector.multi_reduction <add>, %get3A_32, %reduce_sum3A [0] : vector<32x512xf32> to vector<512xf32>
    %broadcast_in_dim3A = vector.shape_cast %reduce_sum3A_33 : vector<512xf32> to vector<512x1xf32>
    %mul3A_34 = arith.constant 512 : i32
    %mul3A_35 = arith.muli %arg0, %mul3A_34 : i32
    %iota3A = tpu.iota {dimensions = array<i32: 0>} : vector<512x1xi32>
    %add3A_36 = vector.broadcast %mul3A_35 : i32 to vector<512x1xi32>
    %add3A_37 = arith.addi %add3A_36, %iota3A : vector<512x1xi32>
    %lt3A = arith.constant 10000 : i32
    %lt3A_38 = vector.broadcast %lt3A : i32 to vector<512x1xi32>
    %lt3A_39 = arith.cmpi slt, %add3A_37, %lt3A_38 : vector<512x1xi32>
    %mul3A_40 = arith.mulf %slice3A, %broadcast_in_dim3A : vector<512x1xf32>
    %mul3A_41 = arith.mulf %slice3A, %slice3A : vector<512x1xf32>
    %add3A_42 = arith.addf %mul3A_40, %mul3A_41 : vector<512x1xf32>
    %jit3A = arith.constant 0.000000e+00 : f32
    %broadcast_in_dim3A_43 = vector.broadcast %jit3A : f32 to vector<512x1xf32>
    %select_n3A = arith.select %lt3A_39, %add3A_42, %broadcast_in_dim3A_43 : vector<512x1xi1>, vector<512x1xf32>
    %get3A_44 = arith.constant 0 : index
    %get3A_45 = arith.constant 0 : index
    %get3A_46 = vector.load %arg10[%get3A_44, %get3A_45] : memref<1x256xf32, #tpu.memory_space<vmem>>, vector<1x256xf32>
    %mul3A_47 = vector.broadcast %select_n3A : vector<512x1xf32> to vector<512x256xf32>
    %mul3A_48 = arith.mulf %mul3A_47, %max3A_29 : vector<512x256xf32>
    %reduce_sum3A_49 = arith.constant dense<0.000000e+00> : vector<256xf32>
    %reduce_sum3A_50 = vector.multi_reduction <add>, %mul3A_48, %reduce_sum3A_49 [0] : vector<512x256xf32> to vector<256xf32>
    %broadcast_in_dim3A_51 = vector.shape_cast %reduce_sum3A_50 : vector<256xf32> to vector<1x256xf32>
    %add3A_52 = arith.addf %get3A_46, %broadcast_in_dim3A_51 : vector<1x256xf32>
    %swap3A = arith.constant 0 : index
    %swap3A_53 = arith.constant 0 : index
    %swap3A_54 = vector.load %arg10[%swap3A, %swap3A_53] : memref<1x256xf32, #tpu.memory_space<vmem>>, vector<1x256xf32>
    tpu.vector_store %arg10[%swap3A, %swap3A_53], %add3A_52 {strides = array<i32>} : memref<1x256xf32, #tpu.memory_space<vmem>>, vector<1x256xf32>,
    %eq3A_55 = arith.constant 19 : i32
    %eq3A_56 = arith.cmpi eq, %arg0, %eq3A_55 : i32
    %convert_element_type3A_57 = arith.extui %eq3A_56 : i1 to i32
    %cond3A_58 = arith.constant 0 : i32
    %cond3A_59 = arith.cmpi ne, %convert_element_type3A_57, %cond3A_58 : i32
    scf.if %cond3A_59 {
      %get3A_60 = arith.constant 0 : index
      %get3A_61 = arith.constant 0 : index
      %get3A_62 = vector.load %arg10[%get3A_60, %get3A_61] : memref<1x256xf32, #tpu.memory_space<vmem>>, vector<1x256xf32>
      %get3A_63 = arith.constant 0 : index
      %get3A_64 = arith.constant 0 : index
      %get3A_65 = vector.load %arg7[%get3A_63, %get3A_64] : memref<256x128xf32, #tpu.memory_space<vmem>>, vector<256x128xf32>
      %dot_general3A_66 = arith.constant dense<0.000000e+00> : vector<1x128xf32>
      %dot_general3A_67 = tpu.matmul %get3A_62, %get3A_65, %dot_general3A_66 {dimension_numbers = #tpu.dot_dimension_numbers<[1], [0], [0], [1], [0, 0, 1, 1], [], []>, transpose_lhs_hint = false} : vector<1x256xf32>, vector<256x128xf32>, vector<1x128xf32> -> vector<1x128xf32>
      %mul3A_68 = arith.constant 9.99999974E-5 : f32
      %mul3A_69 = vector.broadcast %mul3A_68 : f32 to vector<1x128xf32>
      %mul3A_70 = arith.mulf %dot_general3A_67, %mul3A_69 : vector<1x128xf32>
      %get3A_71 = arith.constant 0 : index
      %get3A_72 = arith.constant 0 : index
      %get3A_73 = vector.load %arg8[%get3A_71, %get3A_72] : memref<1x128xf32, #tpu.memory_space<vmem>>, vector<1x128xf32>
      %add3A_74 = arith.addf %mul3A_70, %get3A_73 : vector<1x128xf32>
      %swap3A_75 = arith.constant 0 : index
      %swap3A_76 = arith.constant 0 : index
      %swap3A_77 = vector.load %arg9[%swap3A_75, %swap3A_76] : memref<1x128xf32, #tpu.memory_space<vmem>>, vector<1x128xf32>
      tpu.vector_store %arg9[%swap3A_75, %swap3A_76], %add3A_74 {strides = array<i32>} : memref<1x128xf32, #tpu.memory_space<vmem>>, vector<1x128xf32>,
    } else {
    }
    return
  }
  func.func @transform_0(%arg0: i32) -> (i32, i32, i32) {
    %c0_i32 = arith.constant 0 : i32
    %c0_i32_0 = arith.constant 0 : i32
    %c0_i32_1 = arith.constant 0 : i32
    return %c0_i32, %arg0, %c0_i32_0 : i32, i32, i32
  }
  func.func @transform_1(%arg0: i32) -> (i32, i32) {
    %c0_i32 = arith.constant 0 : i32
    %c0_i32_0 = arith.constant 0 : i32
    return %arg0, %c0_i32 : i32, i32
  }
  func.func @transform_2(%arg0: i32) -> (i32, i32) {
    %c0_i32 = arith.constant 0 : i32
    %c0_i32_0 = arith.constant 0 : i32
    return %arg0, %c0_i32 : i32, i32
  }
  func.func @transform_3(%arg0: i32) -> (i32, i32) {
    %c0_i32 = arith.constant 0 : i32
    %c0_i32_0 = arith.constant 0 : i32
    return %c0_i32, %arg0 : i32, i32
  }
  func.func @transform_4(%arg0: i32) -> (i32, i32) {
    %c0_i32 = arith.constant 0 : i32
    %c0_i32_0 = arith.constant 0 : i32
    %c0_i32_1 = arith.constant 0 : i32
    return %c0_i32, %c0_i32_0 : i32, i32
  }
  func.func @transform_5(%arg0: i32) -> (i32, i32) {
    %c0_i32 = arith.constant 0 : i32
    %c0_i32_0 = arith.constant 0 : i32
    %c0_i32_1 = arith.constant 0 : i32
    return %c0_i32, %c0_i32_0 : i32, i32
  }
  func.func @transform_6(%arg0: i32) -> (i32, i32) {
    %c0_i32 = arith.constant 0 : i32
    %c0_i32_0 = arith.constant 0 : i32
    %c0_i32_1 = arith.constant 0 : i32
    return %c0_i32, %c0_i32_0 : i32, i32
  }
  func.func @transform_7(%arg0: i32) -> (i32, i32) {
    %c0_i32 = arith.constant 0 : i32
    %c0_i32_0 = arith.constant 0 : i32
    %c0_i32_1 = arith.constant 0 : i32
    return %c0_i32, %c0_i32_0 : i32, i32
  }
  func.func @transform_8(%arg0: i32) -> (i32, i32) {
    %c0_i32 = arith.constant 0 : i32
    %c0_i32_0 = arith.constant 0 : i32
    %c0_i32_1 = arith.constant 0 : i32
    return %c0_i32, %c0_i32_0 : i32, i32
  }
}

</mosaic_0001>

<sc_bundles>
// kernel: kernel.10.cloned.1.call-start
scs
__scs_entry_jumppad:
0x0: {  	(pc) =	sbr.rel $0x88, $3  }
0x1: {  	(tag) =	ssettag $0x0;
	lr =	simm.s32 $0x1  }
0x2: {  	[smem:$0x3F9B] =	sst lr;
	_ =	strace $0xD0000000  }
0x3: {  	_ = 	snop  }
0x4: {  	_ = 	snop  }
0x5: {  	_ = 	snop  }
0x6: {  	_ = 	snop  }
0x7: {  	_ = 	snop  }
__scs_overlays_trampoline_lowered:
0x8: {  	[smem:$0x3FAA] =	sst s0  }
0x9: {  	[smem:$0x3FAB] =	sst s1  }
0xa: {  	[smem:$0x3FAC] =	sst s2  }
0xb: {  	[smem:$0x3FAD] =	sst s3  }
0xc: {  	[smem:$0x3FAE] =	sst s4  }
0xd: {  	[smem:$0x3FAF] =	sst s5  }
0xe: {  	[smem:$0x3FB0] =	sst s6  }
0xf: {  	[smem:$0x3FB1] =	sst s7  }
0x10: {  	[smem:$0x3FB2] =	sst s8  }
0x11: {  	[smem:$0x3FB3] =	sst s9;
	s0 =	simm.s32 @!p0 $0x0  }
0x12: {  	s1 =	sld [smem:$0x3F99];
	s0 =	simm.s32 @p0 $0x1  }
0x13: {  	[smem:$0x3FB4] =	sst s0;
	s0 =	simm.s32 @!p1 $0x0  }
0x14: {  	s2 =	sld [smem:$0x3F98];
	s0 =	simm.s32 @p1 $0x1  }
0x15: {  	[smem:$0x3FB5] =	sst s0;
	s0 =	simm.s32 @!p2 $0x0  }
0x16: {  	s3 =	sld [smem:$0x3FDB];
	s0 =	simm.s32 @p2 $0x1  }
0x17: {  	s4 =	simm.s32 $0x1BF5;
	[smem:$0x3FB7] =	sst s0  }
0x18: {  	s0 =	sld [smem:$0x3F9A];
	_ =	swait.ge [sflag:s4], $0x0  }
0x19: {  	s7 =	sld [smem:$0x3F9B]  }
0x1a: {  	s8 =	sadd.s32 $0xFFFFE003, lr  }
0x1b: {  	s9 =	sadd.s32 $0xFFFFFEF7, lr;
	s5 =	simm.s32 $0xFFFFFFFF;
	p2 =	slt.u32 s8, $0xFFFFF086  }
0x1c: {  	p1 =	slt.u32 s9, $0xF7A;
	s5 =	simm.s32 @!p2 $0x0  }
0x1d: {  	s5 =	simm.s32 @p1 $0x1;
	p0 =	seq.s32 s7, s2  }
0x1e: {  	s7 =	smul.u32 @!p0 $0xF7A, s2;
	p2 =	seq.s32 @!p0 s5, $0x0  }
0x1f: {  	s9 =	smul.u32 $0xF7A, s1;
	s8 =	simm.s32 @!p0 $0x1BF5;
	p2 =	por !p2, p0  }
0x20: {  	[sflag:s8] =	ssyncset.s32 @!p0 $0xFFFFF086;
	s6 =	sadd.s32 @!p0 s3, s7;
	s7 =	simm.s32 @!p0 $0x108  }
0x21: {  	s3 =	sadd.s32 s3, s9;
	s6 =	sadd.s32 @!p0 $0x88, s6;
	s7 =	simm.s32 @p2 $0x1082  }
0x22: {  	[simem:s7], [sflag:s8] =	dma.local @!p0 [hbm:s6], $0xF7A  }
0x23: {  	s9 =	sor.u32 $0xD0000000, s2;
	s6 =	simm.s32 $0x108;
	_ =	swait.ge @!p0 [sflag:s8], $0x0  }
0x24: {  	s3 =	sadd.s32 $0x88, s3;
	s6 =	simm.s32 @!p1 $0x1082;
	[sflag:s4] =	ssyncset.s32 $0xFFFFF086  }
0x25: {  	[simem:s6], [sflag:s4] =	dma.local [hbm:s3], $0xF7A  }
0x26: {  	[smem:$0x3F9B] =	sst s1;
	(tag) =	ssettag s2;
	_ =	strace s9  }
0x27: {  	s1 =	sld [smem:$0x3FAB]  }
0x28: {  	s2 =	sld [smem:$0x3FAC]  }
0x29: {  	s4 =	sld [smem:$0x3FAE]  }
0x2a: {  	p0 =	seq.s32 s5, $0x0;
	s5 =	sld [smem:$0x3FAF]  }
0x2b: {  	s6 =	sld [smem:$0x3FB0]  }
0x2c: {  	s7 =	sld [smem:$0x3FB1]  }
0x2d: {  	s3 =	simm.s32 $0x108;
	s8 =	sld [smem:$0x3FB2]  }
0x2e: {  	s3 =	simm.s32 @!p0 $0x1082;
	s9 =	sld [smem:$0x3FB3]  }
0x2f: {  	lr =	sadd.s32 s0, s3;
	s0 =	sld [smem:$0x3FAA]  }
0x30: {  	s3 =	sld [smem:$0x3FAD]  }
0x31: {  	[smem:$0x3FB6] =	sst s10  }
0x32: {  	s10 =	sld [smem:$0x3FB4];
	_ =	sdelay $0x3  }
0x33: {  	p0 =	seq.s32 s10, $0x1;
	s10 =	sld [smem:$0x3FB6];
	_ =	sdelay $0x3  }
0x34: {  	[smem:$0x3FB6] =	sst s10  }
0x35: {  	s10 =	sld [smem:$0x3FB5];
	_ =	sdelay $0x3  }
0x36: {  	p1 =	seq.s32 s10, $0x1;
	s10 =	sld [smem:$0x3FB6];
	_ =	sdelay $0x3  }
0x37: {  	[smem:$0x3FB6] =	sst s10  }
0x38: {  	s10 =	sld [smem:$0x3FB7]  }
0x39: {  	_ = 	snop;
	(pc) =	sbr.ind lr, $3  }
0x3a: {  	_ = 	snop  }
0x3b: {  	_ = 	snop  }
0x3c: {  	p2 =	seq.s32 s10, $0x1;
	s10 =	sld [smem:$0x3FB6]  }
0x3d: {  	_ =	shalt  }
0x3e: {  	_ =	shalt  }
0x3f: {  	_ =	shalt  }
0x40: {  	_ =	shalt  }
0x41: {  	_ =	shalt  }
0x42: {  	_ =	shalt  }
0x43: {  	_ =	shalt  }
0x44: {  	_ =	shalt  }
0x45: {  	_ =	shalt  }
0x46: {  	_ =	shalt  }
0x47: {  	_ =	shalt  }
0x48: {  	_ =	shalt  }
0x49: {  	_ =	shalt  }
0x4a: {  	_ =	shalt  }
0x4b: {  	_ =	shalt  }
0x4c: {  	_ =	shalt  }
0x4d: {  	_ =	shalt  }
0x4e: {  	_ =	shalt  }
0x4f: {  	_ =	shalt  }
0x50: {  	_ =	shalt  }
0x51: {  	_ =	shalt  }
0x52: {  	_ =	shalt  }
0x53: {  	_ =	shalt  }
0x54: {  	_ =	shalt  }
0x55: {  	_ =	shalt  }
0x56: {  	_ =	shalt  }
0x57: {  	_ =	shalt  }
0x58: {  	_ =	shalt  }
0x59: {  	_ =	shalt  }
0x5a: {  	_ =	shalt  }
0x5b: {  	_ =	shalt  }
0x5c: {  	_ =	shalt  }
0x5d: {  	_ =	shalt  }
0x5e: {  	_ =	shalt  }
0x5f: {  	_ =	shalt  }
0x60: {  	_ =	shalt  }
0x61: {  	_ =	shalt  }
0x62: {  	_ =	shalt  }
0x63: {  	_ =	shalt  }
0x64: {  	_ =	shalt  }
0x65: {  	_ =	shalt  }
0x66: {  	_ =	shalt  }
0x67: {  	_ =	shalt  }
0x68: {  	_ =	shalt  }
0x69: {  	_ =	shalt  }
0x6a: {  	_ =	shalt  }
0x6b: {  	_ =	shalt  }
0x6c: {  	_ =	shalt  }
0x6d: {  	_ =	shalt  }
0x6e: {  	_ =	shalt  }
0x6f: {  	_ =	shalt  }
0x70: {  	_ =	shalt  }
0x71: {  	_ =	shalt  }
0x72: {  	_ =	shalt  }
0x73: {  	_ =	shalt  }
0x74: {  	_ =	shalt  }
0x75: {  	_ =	shalt  }
0x76: {  	_ =	shalt  }
0x77: {  	_ =	shalt  }
0x78: {  	_ =	shalt  }
0x79: {  	_ =	shalt  }
0x7a: {  	_ =	shalt  }
0x7b: {  	_ =	shalt  }
0x7c: {  	_ =	shalt  }
0x7d: {  	_ =	shalt  }
0x7e: {  	_ =	shalt  }
0x7f: {  	_ =	shalt  }
0x80: {  	_ =	shalt  }
0x81: {  	_ =	shalt  }
0x82: {  	_ =	shalt  }
0x83: {  	_ =	shalt  }
0x84: {  	_ =	shalt  }
0x85: {  	_ =	shalt  }
0x86: {  	_ =	shalt  }
0x87: {  	_ =	shalt  }
.Lfunc_end0:
.L_simem_size_0:
called_computation.1_lowered:
.L_overlay_start_0:
0x88: {  	s2 =	sld [smem:$0x3FD9]  }
0x89: {  	s3 =	sld [smem:$0x3FFE];
	_ =	sdelay $0x1  }
0x8a: {  	s1 =	srdreg.scid  }
0x8b: {  	s0 =	sand.u32 $0x1, s1  }
0x8c: {  	s17 =	sshll.u32 s0, $0xA;
	s2 =	sadd.s32 s3, s2  }
0x8d: {  	s2 =	sadd.s32 s2, s17  }
0x8e: {  	[smem:$0x3FC2] =	sst s2  }
0x8f: {  	_ = 	snop  }
0x90: {  	(tm) =	ssettm $0x1  }
0x91: {  	s18 =	sld [smem:$0x3FFB];
	_ =	sdelay $0x3  }
0x92: {  	_ =	strace s18  }
0x93: {  	s2 =	sld [smem:$0x3FFC];
	_ =	sdelay $0x3  }
0x94: {  	_ =	strace s2  }
0x95: {  	s2 =	sld [smem:$0x3FFD];
	_ =	sdelay $0x3  }
0x96: {  	_ =	strace s2  }
0x97: {  	_ =	strace $0x8FFFFFFF  }
0x98: {  	s19 =	sld [smem:$0x3FDB];
	_ =	sdelay $0x1  }
0x99: {  	s20 =	simm.s32 $_scs_section_size  }
0x9a: {  	s4 =	simm.s32 $_size__tile_overlayer_lowered;
	s5 =	simm.s32 $_tile_overlayer_lowered  }
0x9b: {  	s6 =	simm.s32 $0x1BFF;
	s21 =	sshll.u32 s5, $0x1;
	s3 =	sadd.s32 s20, s19  }
0x9c: {  	s22 =	simm.s32 $0x0;
	s4 =	sshll.u32 s4, $0x1;
	s5 =	sadd.s32 s21, s3  }
0x9d: {  	[timem:s22], [sflag:s6] =	dma.local [hbm:s5], s4  }
0x9e: {  	_ =	swait.ge [sflag:s6], s4  }
0x9f: {  	s4 =	ssub.s32 $0x0, s4;
	[sflag:s6] =	ssyncset.done $0x0  }
0xa0: {  	[sflag:s6] =	ssyncadd.s32 s4;
	_ =	sdelay $0x1  }
0xa1: {  	s23 =	simm.s32 $0x1B8B  }
0xa2: {  	_ =	swait.ge [sflag:s23], $0x1  }
0xa3: {  	[sflag:s23] =	ssyncset.done $0x0  }
0xa4: {  	[sflag:s23] =	ssyncadd.s32 $0xFFFFFFFF  }
0xa5: {  	s4 =	sld [smem:$0x0]  }
0xa6: {  	s5 =	sand.u32 $0xFFFFFFFE, s1  }
0xa7: {  	p0 =	sne.s32 s1, s5  }
0xa8: {  	s5 =	sshll.u32 @p0 s5, $0xE  }
0xa9: {  	s5 =	sadd.s32 @p0 $0x11B8D, s5;
	s6 =	sshll.u32 @p0 s4, $0x11  }
0xaa: {  	s5 =	sor.u32 @p0 s6, s5  }
0xab: {  	[sflag:s5] =	ssyncadd.remote.s32 @p0 $0x1;
	_ =	sdelay $0x1  }
0xac: {  	s5 =	simm.s32 @p0 $0x1B8D  }
0xad: {  	_ =	swait.eq @p0 [sflag:s5], $0x1  }
0xae: {  	[sflag:s5] =	ssyncadd.s32 @p0 $0xFFFFFFFF  }
0xaf: {  	s6 =	sshll.u32 @!p0 s1, $0xE  }
0xb0: {  	s6 =	sor.u32 @!p0 $0x4000, s6;
	s5 =	simm.s32 @!p0 $0x1B8D  }
0xb1: {  	s4 =	sshll.u32 @!p0 s4, $0x11;
	s6 =	sadd.s32 @!p0 $0x11B8D, s6;
	_ =	swait.eq @!p0 [sflag:s5], $0x1  }
0xb2: {  	s4 =	sor.u32 @!p0 s4, s6;
	[sflag:s5] =	ssyncadd.s32 @!p0 $0xFFFFFFFF  }
0xb3: {  	s25 =	simm.s32 $0x1B8E;
	s24 =	sld [smem:$0x3FFE];
	[sflag:s4] =	ssyncadd.remote.s32 @!p0 $0x1  }
0xb4: {  	s26 =	simm.s32 $execute0_lowered;
	[smem:$0x3FD2] =	sst s25  }
0xb5: {  	s5 =	sshll.u32 s26, $0x1;
	_ =	strace $0x8000004C;
	[dreg:$0x1] =	wrdreg $0xFFFFFFFF  }
0xb6: {  	s28 =	simm.s32 $_size_execute0_lowered;
	s3 =	sadd.s32 s3, s5;
	[dreg:$0x0] =	wrdreg $0x0  }
0xb7: {  	s5 =	sshll.u32 s28, $0x1;
	[dreg:$0x2] =	wrdreg s3  }
0xb8: {  	[dreg:$0x3] =	wrdreg s5  }
0xb9: {  	[dreg:$0x4] =	wrdreg $0xC0  }
0xba: {  	_ =	task [dreg:s22], $0x5FFFF  }
0xbb: {  	[dreg:$0x1] =	wrdreg $0xFFFFFFFF  }
0xbc: {  	[dreg:$0x0] =	wrdreg $0x60  }
0xbd: {  	[dreg:$0x2] =	wrdreg s24  }
0xbe: {  	[dreg:$0x3] =	wrdreg $0x90000  }
0xbf: {  	[dreg:$0x4] =	wrdreg $0x9  }
0xc0: {  	_ =	task.clear_ibuf [dreg:s22], $0x5FFFF;
	_ =	strace $0x9000004C  }
0xc1: {  	s29 =	simm.s32 $0x9;
	_ =	strace $0x8000004E  }
0xc2: {  	_ =	swait.ge [sflag:s29], $0x1  }
0xc3: {  	[sflag:s29] =	ssyncadd.s32 $0xFFFFFFFF  }
0xc4: {  	_ =	strace $0x9000004E  }
0xc5: {  	_ =	sfence  }
0xc6: {  	s30 =	sld [smem:$0x0];
	_ =	sdelay $0x2  }
0xc7: {  	s31 =	sshll.u32 s1, $0xD;
	s1 =	sshrl.u32 s1, $0x2  }
0xc8: {  	s4 =	sand.u32 $0x4000, s31;
	s1 =	sadd.s32 s1, s30  }
0xc9: {  	s0 =	sor.u32 s4, s0;
	s1 =	sshll.u32 s1, $0x11  }
0xca: {  	s0 =	sor.u32 s1, s0  }
0xcb: {  	s0 =	sadd.s32 $0x8F2B, s0  }
0xcc: {  	[sflag:s0] =	ssyncadd.remote.s32 $0x1  }
0xcd: {  	_ =	sfence.sel $0xFFFF  }
0xce: {  	[dreg:$0x0] =	wrdreg $0xFFFFFFFF;
	(pc) =	sbr.abs _section_cstart, $3  }
0xcf: {  	[dreg:$0x1] =	wrdreg $0xFFFFFFFF  }
0xd0: {  	_ =	task.clear_ibuf [dreg:s22], $0x2FFFF;
	_ =	strace $0x9FFFFFFF  }
0xd1: {  	(tm) =	ssettm $0x7FFFFFFF  }
tec
execute0_lowered:
.L_overlay_start_1:
0x0: {  	(tag) =	ssettag $0x1  }
0x1: {  	s0 =	rddreg [dreg:$0x0]  }
0x2: {  	s1 =	rddreg [dreg:$0x1];
	s2 =	simm.s32 $0x0  }
0x3: {  	s3 =	srdreg.scid;
	s15 =	stileid.u32;
	s19 =	simm.s32 $0x100  }
0x4: {  	s20 =	simm.s32 $0x880;
	s22 =	simm.s32 $0x180;
	s24 =	simm.s32 $0x900  }
0x5: {  	s25 =	simm.s32 $0x200;
	s26 =	simm.s32 $0x980;
	[smem:$0x7FF] =	sst s2  }
0x6: {  	s30 =	simm.s32 $0x280;
	_ =	strace $0x8000004D;
	[dreg:$0x3] =	wrdreg s19  }
0x7: {  	s31 =	simm.s32 $0xA00;
	s28 =	simm.s32 $0xF80;
	[dreg:$0x4] =	wrdreg s20  }
0x8: {  	s29 =	simm.s32 $0x0;
	s11 =	sadd.s32 $0x16200, s0;
	[dreg:$0x5] =	wrdreg s22  }
0x9: {  	s3 =	sand.u32 $0x1, s3;
	s12 =	sadd.s32 $0x20200, s0;
	[dreg:$0x6] =	wrdreg s24  }
0xa: {  	s5 =	smul.u32 $0x2800, s15;
	s4 =	sadd.s32 $0x2A800, s0;
	[dreg:$0x7] =	wrdreg s25  }
0xb: {  	s10 =	smul.u32 $0x50000, s15;
	s23 =	sshll.u32 s15, $0x6;
	[dreg:$0x8] =	wrdreg s26  }
0xc: {  	s6 =	sshll.u32 s3, $0x4;
	s7 =	smul.u32 $0x28000, s3;
	[dreg:$0x9] =	wrdreg s30  }
0xd: {  	s9 =	ssub.s32 $0x2, s3;
	[dreg:$0xa] =	wrdreg s31;
	s19 =	simm.s32 $0x500  }
0xe: {  	s3 =	smul.u32 $0x5000, s3;
	s20 =	simm.s32 $0xC80;
	[dreg:$0x11] =	wrdreg s19  }
0xf: {  	s22 =	simm.s32 $0xD00;
	s24 =	simm.s32 $0xD80;
	[dreg:$0x12] =	wrdreg s20  }
0x10: {  	s25 =	simm.s32 $0x680;
	s26 =	simm.s32 $0xE00;
	[dreg:$0x14] =	wrdreg s22  }
0x11: {  	s30 =	simm.s32 $0x700;
	s31 =	simm.s32 $0xE80;
	[dreg:$0x16] =	wrdreg s24  }
0x12: {  	s6 =	sor.u32 s15, s6;
	s8 =	sadd.s32 s5, s0;
	[dreg:$0x17] =	wrdreg s25  }
0x13: {  	s14 =	sshrl.u32 s9, $0x1;
	s18 =	sshrl.u32 s10, $0x2;
	[dreg:$0x18] =	wrdreg s26  }
0x14: {  	s19 =	simm.s32 $0x80;
	s20 =	simm.s32 $0x1000;
	[dreg:$0x19] =	wrdreg s30  }
0x15: {  	s22 =	simm.s32 $0x1;
	s24 =	simm.s32 $0x4;
	[dreg:$0x1a] =	wrdreg s31  }
0x16: {  	s25 =	simm.s32 $0x780;
	s26 =	simm.s32 $0xF00;
	s6 =	smul.u32 $0x500, s6  }
0x17: {  	s5 =	sadd.s32 s5, s7;
	s13 =	ssub.s32 s9, s14;
	s14 =	sadd.s32 s18, s1  }
0x18: {  	s21 =	sadd.s32 $0x5CE00, s8;
	s8 =	sor.u32 $0x1C05, s23;
	s7 =	simm.s32 $0xA80  }
0x19: {  	s18 =	simm.s32 $0x480;
	s23 =	simm.s32 $0x600;
	s0 =	sadd.s32 s5, s0  }
0x1a: {  	[dreg:$0x1d] =	wrdreg s21;
	s10 =	smax.u32 s13, $0x1;
	s5 =	smul.u32 $0x500, s15  }
0x1b: {  	[dreg:$0xc] =	wrdreg s7;
	s15 =	simm.s32 $0x380;
	s13 =	simm.s32 $0x800  }
0x1c: {  	s14 =	sshrl.u32 s14, $0x3;
	[dreg:$0x10] =	wrdreg s18;
	s21 =	simm.s32 $0x580  }
0x1d: {  	s18 =	simm.s32 $0x3;
	[dreg:$0x15] =	wrdreg s23;
	s23 =	simm.s32 $0x2  }
0x1e: {  	s16 =	sadd.s32 s11, s6;
	s17 =	sadd.s32 s12, s6;
	[dreg:$0xd] =	wrdreg s15  }
0x1f: {  	s9 =	sadd.s32 $0x84E00, s0;
	s6 =	simm.s32 $0x300;
	[dreg:$0x13] =	wrdreg s21  }
0x20: {  	s11 =	sadd.s32 s3, s11;
	s3 =	sadd.s32 s3, s12;
	[dreg:$0x1b] =	wrdreg s16  }
0x21: {  	s15 =	simm.s32 $0x5;
	s21 =	simm.s32 $0x5000;
	[dreg:$0x1c] =	wrdreg s17  }
0x22: {  	[dreg:$0xb] =	wrdreg s6;
	s11 =	sadd.s32 s5, s11;
	s16 =	simm.s32 $0xB00  }
0x23: {  	s12 =	sadd.s32 s5, s3;
	s17 =	simm.s32 $0xB80;
	[dreg:$0xe] =	wrdreg s16  }
0x24: {  	[dreg:$0xf] =	wrdreg s17;
	s16 =	simm.s32 $0x400;
	s17 =	simm.s32 $0xC00  }
.LBB2_1:
0x25: {  	s0 =	rddreg [dreg:$0x1b]  }
0x26: {  	s3 =	rddreg [dreg:$0x1c]  }
0x27: {  	[tilespmem:s2], [sflag:$0x3] =	stream.linear.gather [hbm4b:s0+s2], $0x400, $0x38;
	[tilespmem:$0x1D000] =	vst v63  }
0x28: {  	s5 =	rddreg [dreg:$0x1d]  }
0x29: {  	[tilespmem:s13], [sflag:$0x3] =	stream.linear.gather [hbm4b:s3+s2], $0x400, $0x38;
	[tilespmem:$0x1D000] =	vst v63  }
0x2a: {  	[spmem:s14], [sflag:s8] =	dma.local [hbm:s5], $0x2800  }
0x2b: {  	_ =	swait.ge [sflag:s15], $0x2800  }
0x2c: {  	[sflag:s15] =	ssyncset.done $0x0  }
0x2d: {  	s6 =	sadd.s32 $0x0, s11;
	[sflag:s15] =	ssyncadd.s32 $0xFFFFD800  }
0x2e: {  	s0 =	sadd.s32 $0x80, s6;
	s3 =	sadd.s32 $0x0, s12;
	[bflag:$0x0] =	sbarrier.arrive $0xFFFF  }
0x2f: {  	[tilespmem:s16], [sflag:$0x4] =	stream.linear.gather [hbm4b:s0+s2], $0x400, $0x38;
	[tilespmem:$0x1D000] =	vst v63  }
0x30: {  	s7 =	sadd.s32 $0x80, s3  }
0x31: {  	[tilespmem:s17], [sflag:$0x4] =	stream.linear.gather [hbm4b:s7+s2], $0x400, $0x38;
	[tilespmem:$0x1D000] =	vst v63  }
0x32: {  	_ =	swait.ge [sflag:s18], $0x400  }
0x33: {  	[sflag:s18] =	ssyncset.done $0x0  }
0x34: {  	[sflag:s18] =	ssyncadd.s32 $0xFFFFFC00  }
0x35: {  	_ =	swait.ge [sflag:s18], $0x400  }
0x36: {  	[sflag:s18] =	ssyncset.done $0x0  }
0x37: {  	[sflag:s18] =	ssyncadd.s32 $0xFFFFFC00  }
0x38: {  	[tilespmem:s20], [sflag:$0x1] =	stream.indirect.gather [hbm4b:s4+s19], $0x80, s2, s19, $0xb8;
	[tilespmem:$0x1D000] =	vst v63  }
0x39: {  	_ = 	snop  }
0x3a: {  	[tilespmem:s21], [sflag:$0x2] =	stream.indirect.gather [hbm4b:s4+s19], $0x80, s19, s19, $0xb8;
	[tilespmem:$0x1D000] =	vst v63  }
0x3b: {  	_ =	swait.ge [sflag:s22], $0x4000  }
0x3c: {  	[sflag:s22] =	ssyncset.done $0x0  }
0x3d: {  	[sflag:s22] =	ssyncadd.s32 $0xFFFFC000  }
0x3e: {  	[spmem:s1] =	stream.indirect.scatter.add.f32 [tilespmem:s20], [sflag:$0x5], $0x80, s13, s19, $0xb8;
	[tilespmem:$0x1D000] =	vst v63  }
0x3f: {  	_ =	swait.ge [sflag:s15], $0x4000  }
0x40: {  	[sflag:s15] =	ssyncset.done $0x0  }
0x41: {  	s3 =	rddreg [dreg:$0x3];
	[sflag:s15] =	ssyncadd.s32 $0xFFFFC000  }
0x42: {  	[tilespmem:s20], [sflag:$0x1] =	stream.indirect.gather [hbm4b:s4+s19], $0x80, s3, s19, $0xb8;
	[tilespmem:$0x1D000] =	vst v63  }
0x43: {  	_ =	swait.ge [sflag:s23], $0x4000  }
0x44: {  	[sflag:s23] =	ssyncset.done $0x0  }
0x45: {  	s5 =	rddreg [dreg:$0x4];
	[sflag:s23] =	ssyncadd.s32 $0xFFFFC000  }
0x46: {  	[spmem:s1] =	stream.indirect.scatter.add.f32 [tilespmem:s21], [sflag:$0x5], $0x80, s5, s19, $0xb8;
	[tilespmem:$0x1D000] =	vst v63  }
0x47: {  	_ =	swait.ge [sflag:s15], $0x4000  }
0x48: {  	[sflag:s15] =	ssyncset.done $0x0  }
0x49: {  	s6 =	rddreg [dreg:$0x5];
	[sflag:s15] =	ssyncadd.s32 $0xFFFFC000  }
0x4a: {  	[tilespmem:s21], [sflag:$0x2] =	stream.indirect.gather [hbm4b:s4+s19], $0x80, s6, s19, $0xb8;
	[tilespmem:$0x1D000] =	vst v63  }
0x4b: {  	_ =	swait.ge [sflag:s22], $0x4000  }
0x4c: {  	[sflag:s22] =	ssyncset.done $0x0  }
0x4d: {  	s7 =	rddreg [dreg:$0x6];
	[sflag:s22] =	ssyncadd.s32 $0xFFFFC000  }
0x4e: {  	[spmem:s1] =	stream.indirect.scatter.add.f32 [tilespmem:s20], [sflag:$0x5], $0x80, s7, s19, $0xb8;
	[tilespmem:$0x1D000] =	vst v63  }
0x4f: {  	_ =	swait.ge [sflag:s15], $0x4000  }
0x50: {  	[sflag:s15] =	ssyncset.done $0x0  }
0x51: {  	s3 =	rddreg [dreg:$0x7];
	[sflag:s15] =	ssyncadd.s32 $0xFFFFC000  }
0x52: {  	[tilespmem:s20], [sflag:$0x1] =	stream.indirect.gather [hbm4b:s4+s19], $0x80, s3, s19, $0xb8;
	[tilespmem:$0x1D000] =	vst v63  }
0x53: {  	_ =	swait.ge [sflag:s23], $0x4000  }
0x54: {  	[sflag:s23] =	ssyncset.done $0x0  }
0x55: {  	s5 =	rddreg [dreg:$0x8];
	[sflag:s23] =	ssyncadd.s32 $0xFFFFC000  }
0x56: {  	[spmem:s1] =	stream.indirect.scatter.add.f32 [tilespmem:s21], [sflag:$0x5], $0x80, s5, s19, $0xb8;
	[tilespmem:$0x1D000] =	vst v63  }
0x57: {  	_ =	swait.ge [sflag:s15], $0x4000  }
0x58: {  	[sflag:s15] =	ssyncset.done $0x0  }
0x59: {  	s6 =	rddreg [dreg:$0x9];
	[sflag:s15] =	ssyncadd.s32 $0xFFFFC000  }
0x5a: {  	[tilespmem:s21], [sflag:$0x2] =	stream.indirect.gather [hbm4b:s4+s19], $0x80, s6, s19, $0xb8;
	[tilespmem:$0x1D000] =	vst v63  }
0x5b: {  	_ =	swait.ge [sflag:s22], $0x4000  }
0x5c: {  	[sflag:s22] =	ssyncset.done $0x0  }
0x5d: {  	s7 =	rddreg [dreg:$0xa];
	[sflag:s22] =	ssyncadd.s32 $0xFFFFC000  }
0x5e: {  	[spmem:s1] =	stream.indirect.scatter.add.f32 [tilespmem:s20], [sflag:$0x5], $0x80, s7, s19, $0xb8;
	[tilespmem:$0x1D000] =	vst v63  }
0x5f: {  	_ =	swait.ge [sflag:s15], $0x4000  }
0x60: {  	[sflag:s15] =	ssyncset.done $0x0  }
0x61: {  	s3 =	rddreg [dreg:$0xb];
	[sflag:s15] =	ssyncadd.s32 $0xFFFFC000  }
0x62: {  	[tilespmem:s20], [sflag:$0x1] =	stream.indirect.gather [hbm4b:s4+s19], $0x80, s3, s19, $0xb8;
	[tilespmem:$0x1D000] =	vst v63  }
0x63: {  	_ =	swait.ge [sflag:s23], $0x4000  }
0x64: {  	[sflag:s23] =	ssyncset.done $0x0  }
0x65: {  	s5 =	rddreg [dreg:$0xc];
	[sflag:s23] =	ssyncadd.s32 $0xFFFFC000  }
0x66: {  	[spmem:s1] =	stream.indirect.scatter.add.f32 [tilespmem:s21], [sflag:$0x5], $0x80, s5, s19, $0xb8;
	[tilespmem:$0x1D000] =	vst v63  }
0x67: {  	_ =	swait.ge [sflag:s15], $0x4000  }
0x68: {  	[sflag:s15] =	ssyncset.done $0x0  }
0x69: {  	s6 =	rddreg [dreg:$0xd];
	[sflag:s15] =	ssyncadd.s32 $0xFFFFC000  }
0x6a: {  	[tilespmem:s21], [sflag:$0x2] =	stream.indirect.gather [hbm4b:s4+s19], $0x80, s6, s19, $0xb8;
	[tilespmem:$0x1D000] =	vst v63  }
0x6b: {  	_ =	swait.ge [sflag:s22], $0x4000  }
0x6c: {  	[sflag:s22] =	ssyncset.done $0x0  }
0x6d: {  	s7 =	rddreg [dreg:$0xe];
	[sflag:s22] =	ssyncadd.s32 $0xFFFFC000  }
0x6e: {  	[spmem:s1] =	stream.indirect.scatter.add.f32 [tilespmem:s20], [sflag:$0x5], $0x80, s7, s19, $0xb8;
	[tilespmem:$0x1D000] =	vst v63  }
0x6f: {  	_ =	swait.ge [sflag:s15], $0x4000  }
0x70: {  	[sflag:s15] =	ssyncset.done $0x0  }
0x71: {  	[sflag:s15] =	ssyncadd.s32 $0xFFFFC000  }
0x72: {  	_ =	swait.ge [sflag:s23], $0x4000  }
0x73: {  	[sflag:s23] =	ssyncset.done $0x0  }
0x74: {  	s3 =	rddreg [dreg:$0xf];
	[sflag:s23] =	ssyncadd.s32 $0xFFFFC000  }
0x75: {  	[spmem:s1] =	stream.indirect.scatter.add.f32 [tilespmem:s21], [sflag:$0x5], $0x80, s3, s19, $0xb8;
	[tilespmem:$0x1D000] =	vst v63  }
0x76: {  	p0 =	por $0x0, $0x0;
	_ =	swait.ge [sflag:s15], $0x4000  }
0x77: {  	s30 =	simm.s32 @!p0 $0x0;
	s0 =	sadd.s32 @!p0 $0x0, s11;
	[sflag:s15] =	ssyncset.done $0x0  }
0x78: {  	s0 =	sadd.s32 @!p0 $0x100, s0;
	s3 =	sadd.s32 @!p0 $0x0, s12;
	[sflag:s15] =	ssyncadd.s32 $0xFFFFC000  }
0x79: {  	[tilespmem:s30], [sflag:$0x3] =	stream.linear.gather @!p0 [hbm4b:s0+s30], $0x400, $0x38;
	[tilespmem:$0x1D000] =	vst v63  }
0x7a: {  	s0 =	sadd.s32 @!p0 $0x100, s3;
	s3 =	simm.s32 @!p0 $0x800  }
0x7b: {  	[tilespmem:s3], [sflag:$0x3] =	stream.linear.gather @!p0 [hbm4b:s0+s30], $0x400, $0x38;
	[tilespmem:$0x1D000] =	vst v63  }
0x7c: {  	_ =	swait.ge [sflag:s24], $0x400  }
0x7d: {  	[sflag:s24] =	ssyncset.done $0x0  }
0x7e: {  	[sflag:s24] =	ssyncadd.s32 $0xFFFFFC00  }
0x7f: {  	_ =	swait.ge [sflag:s24], $0x400  }
0x80: {  	[sflag:s24] =	ssyncset.done $0x0  }
0x81: {  	[sflag:s24] =	ssyncadd.s32 $0xFFFFFC00  }
0x82: {  	[tilespmem:s20], [sflag:$0x1] =	stream.indirect.gather [hbm4b:s4+s19], $0x80, s16, s19, $0xb8;
	[tilespmem:$0x1D000] =	vst v63  }
0x83: {  	s5 =	rddreg [dreg:$0x10]  }
0x84: {  	[tilespmem:s21], [sflag:$0x2] =	stream.indirect.gather [hbm4b:s4+s19], $0x80, s5, s19, $0xb8;
	[tilespmem:$0x1D000] =	vst v63  }
0x85: {  	_ =	swait.ge [sflag:s22], $0x4000  }
0x86: {  	[sflag:s22] =	ssyncset.done $0x0  }
0x87: {  	[sflag:s22] =	ssyncadd.s32 $0xFFFFC000  }
0x88: {  	[spmem:s1] =	stream.indirect.scatter.add.f32 [tilespmem:s20], [sflag:$0x5], $0x80, s17, s19, $0xb8;
	[tilespmem:$0x1D000] =	vst v63  }
0x89: {  	_ =	swait.ge [sflag:s15], $0x4000  }
0x8a: {  	[sflag:s15] =	ssyncset.done $0x0  }
0x8b: {  	s6 =	rddreg [dreg:$0x11];
	[sflag:s15] =	ssyncadd.s32 $0xFFFFC000  }
0x8c: {  	[tilespmem:s20], [sflag:$0x1] =	stream.indirect.gather [hbm4b:s4+s19], $0x80, s6, s19, $0xb8;
	[tilespmem:$0x1D000] =	vst v63  }
0x8d: {  	_ =	swait.ge [sflag:s23], $0x4000  }
0x8e: {  	[sflag:s23] =	ssyncset.done $0x0  }
0x8f: {  	s7 =	rddreg [dreg:$0x12];
	[sflag:s23] =	ssyncadd.s32 $0xFFFFC000  }
0x90: {  	[spmem:s1] =	stream.indirect.scatter.add.f32 [tilespmem:s21], [sflag:$0x5], $0x80, s7, s19, $0xb8;
	[tilespmem:$0x1D000] =	vst v63  }
0x91: {  	_ =	swait.ge [sflag:s15], $0x4000  }
0x92: {  	[sflag:s15] =	ssyncset.done $0x0  }
0x93: {  	s3 =	rddreg [dreg:$0x13];
	[sflag:s15] =	ssyncadd.s32 $0xFFFFC000  }
0x94: {  	[tilespmem:s21], [sflag:$0x2] =	stream.indirect.gather [hbm4b:s4+s19], $0x80, s3, s19, $0xb8;
	[tilespmem:$0x1D000] =	vst v63  }
0x95: {  	_ =	swait.ge [sflag:s22], $0x4000  }
0x96: {  	[sflag:s22] =	ssyncset.done $0x0  }
0x97: {  	s5 =	rddreg [dreg:$0x14];
	[sflag:s22] =	ssyncadd.s32 $0xFFFFC000  }
0x98: {  	[spmem:s1] =	stream.indirect.scatter.add.f32 [tilespmem:s20], [sflag:$0x5], $0x80, s5, s19, $0xb8;
	[tilespmem:$0x1D000] =	vst v63  }
0x99: {  	_ =	swait.ge [sflag:s15], $0x4000  }
0x9a: {  	[sflag:s15] =	ssyncset.done $0x0  }
0x9b: {  	s6 =	rddreg [dreg:$0x15];
	[sflag:s15] =	ssyncadd.s32 $0xFFFFC000  }
0x9c: {  	[tilespmem:s20], [sflag:$0x1] =	stream.indirect.gather [hbm4b:s4+s19], $0x80, s6, s19, $0xb8;
	[tilespmem:$0x1D000] =	vst v63  }
0x9d: {  	_ =	swait.ge [sflag:s23], $0x4000  }
0x9e: {  	[sflag:s23] =	ssyncset.done $0x0  }
0x9f: {  	s7 =	rddreg [dreg:$0x16];
	[sflag:s23] =	ssyncadd.s32 $0xFFFFC000  }
0xa0: {  	[spmem:s1] =	stream.indirect.scatter.add.f32 [tilespmem:s21], [sflag:$0x5], $0x80, s7, s19, $0xb8;
	[tilespmem:$0x1D000] =	vst v63  }
0xa1: {  	_ =	swait.ge [sflag:s15], $0x4000  }
0xa2: {  	[sflag:s15] =	ssyncset.done $0x0  }
0xa3: {  	s3 =	rddreg [dreg:$0x17];
	[sflag:s15] =	ssyncadd.s32 $0xFFFFC000  }
0xa4: {  	[tilespmem:s21], [sflag:$0x2] =	stream.indirect.gather [hbm4b:s4+s19], $0x80, s3, s19, $0xb8;
	[tilespmem:$0x1D000] =	vst v63  }
0xa5: {  	_ =	swait.ge [sflag:s22], $0x4000  }
0xa6: {  	[sflag:s22] =	ssyncset.done $0x0  }
0xa7: {  	s5 =	rddreg [dreg:$0x18];
	[sflag:s22] =	ssyncadd.s32 $0xFFFFC000  }
0xa8: {  	[spmem:s1] =	stream.indirect.scatter.add.f32 [tilespmem:s20], [sflag:$0x5], $0x80, s5, s19, $0xb8;
	[tilespmem:$0x1D000] =	vst v63  }
0xa9: {  	_ =	swait.ge [sflag:s15], $0x4000  }
0xaa: {  	[sflag:s15] =	ssyncset.done $0x0  }
0xab: {  	s6 =	rddreg [dreg:$0x19];
	[sflag:s15] =	ssyncadd.s32 $0xFFFFC000  }
0xac: {  	[tilespmem:s20], [sflag:$0x1] =	stream.indirect.gather [hbm4b:s4+s19], $0x80, s6, s19, $0xb8;
	[tilespmem:$0x1D000] =	vst v63  }
0xad: {  	_ =	swait.ge [sflag:s23], $0x4000  }
0xae: {  	[sflag:s23] =	ssyncset.done $0x0  }
0xaf: {  	s7 =	rddreg [dreg:$0x1a];
	[sflag:s23] =	ssyncadd.s32 $0xFFFFC000  }
0xb0: {  	[spmem:s1] =	stream.indirect.scatter.add.f32 [tilespmem:s21], [sflag:$0x5], $0x80, s7, s19, $0xb8;
	[tilespmem:$0x1D000] =	vst v63  }
0xb1: {  	_ =	swait.ge [sflag:s15], $0x4000  }
0xb2: {  	[sflag:s15] =	ssyncset.done $0x0  }
0xb3: {  	[sflag:s15] =	ssyncadd.s32 $0xFFFFC000  }
0xb4: {  	[tilespmem:s21], [sflag:$0x2] =	stream.indirect.gather [hbm4b:s4+s19], $0x80, s25, s19, $0xb8;
	[tilespmem:$0x1D000] =	vst v63  }
0xb5: {  	_ =	swait.ge [sflag:s22], $0x4000  }
0xb6: {  	[sflag:s22] =	ssyncset.done $0x0  }
0xb7: {  	[sflag:s22] =	ssyncadd.s32 $0xFFFFC000  }
0xb8: {  	[spmem:s1] =	stream.indirect.scatter.add.f32 [tilespmem:s20], [sflag:$0x5], $0x80, s26, s19, $0xb8;
	[tilespmem:$0x1D000] =	vst v63  }
0xb9: {  	_ =	swait.ge [sflag:s15], $0x4000  }
0xba: {  	[sflag:s15] =	ssyncset.done $0x0  }
0xbb: {  	[sflag:s15] =	ssyncadd.s32 $0xFFFFC000  }
0xbc: {  	_ =	swait.ge [sflag:s23], $0x4000  }
0xbd: {  	[sflag:s23] =	ssyncset.done $0x0  }
0xbe: {  	[sflag:s23] =	ssyncadd.s32 $0xFFFFC000  }
0xbf: {  	[spmem:s1] =	stream.indirect.scatter.add.f32 [tilespmem:s21], [sflag:$0x5], $0x80, s28, s19, $0xb8;
	[tilespmem:$0x1D000] =	vst v63  }
0xc0: {  	s31 =	simm.s32 $0x100;
	s0 =	simm.s32 $0x200;
	_ =	swait.ge [sflag:s15], $0x4000  }
0xc1: {  	s30 =	simm.s32 $0x1;
	s3 =	sadd.s32 $0x100, s11;
	[sflag:s15] =	ssyncset.done $0x0  }
.LBB2_2:
0xc2: {  	s3 =	sadd.s32 $0x80, s3;
	s5 =	sadd.s32 s31, s12;
	[sflag:s15] =	ssyncadd.s32 $0xFFFFC000  }
0xc3: {  	[tilespmem:s16], [sflag:$0x4] =	stream.linear.gather [hbm4b:s3+s2], $0x400, $0x38;
	[tilespmem:$0x1D000] =	vst v63  }
0xc4: {  	s5 =	sadd.s32 $0x80, s5  }
0xc5: {  	[tilespmem:s17], [sflag:$0x4] =	stream.linear.gather [hbm4b:s5+s2], $0x400, $0x38;
	[tilespmem:$0x1D000] =	vst v63  }
0xc6: {  	_ =	swait.ge [sflag:s18], $0x400  }
0xc7: {  	[sflag:s18] =	ssyncset.done $0x0  }
0xc8: {  	[sflag:s18] =	ssyncadd.s32 $0xFFFFFC00  }
0xc9: {  	_ =	swait.ge [sflag:s18], $0x400  }
0xca: {  	[sflag:s18] =	ssyncset.done $0x0  }
0xcb: {  	[sflag:s18] =	ssyncadd.s32 $0xFFFFFC00  }
0xcc: {  	[tilespmem:s20], [sflag:$0x1] =	stream.indirect.gather [hbm4b:s4+s19], $0x80, s2, s19, $0xb8;
	[tilespmem:$0x1D000] =	vst v63  }
0xcd: {  	_ = 	snop  }
0xce: {  	[tilespmem:s21], [sflag:$0x2] =	stream.indirect.gather [hbm4b:s4+s19], $0x80, s19, s19, $0xb8;
	[tilespmem:$0x1D000] =	vst v63  }
0xcf: {  	_ =	swait.ge [sflag:s22], $0x4000  }
0xd0: {  	[sflag:s22] =	ssyncset.done $0x0  }
0xd1: {  	[sflag:s22] =	ssyncadd.s32 $0xFFFFC000  }
0xd2: {  	[spmem:s1] =	stream.indirect.scatter.add.f32 [tilespmem:s20], [sflag:$0x5], $0x80, s13, s19, $0xb8;
	[tilespmem:$0x1D000] =	vst v63  }
0xd3: {  	_ =	swait.ge [sflag:s15], $0x4000  }
0xd4: {  	[sflag:s15] =	ssyncset.done $0x0  }
0xd5: {  	s7 =	rddreg [dreg:$0x3];
	[sflag:s15] =	ssyncadd.s32 $0xFFFFC000  }
0xd6: {  	[tilespmem:s20], [sflag:$0x1] =	stream.indirect.gather [hbm4b:s4+s19], $0x80, s7, s19, $0xb8;
	[tilespmem:$0x1D000] =	vst v63  }
0xd7: {  	_ =	swait.ge [sflag:s23], $0x4000  }
0xd8: {  	[sflag:s23] =	ssyncset.done $0x0  }
0xd9: {  	s6 =	rddreg [dreg:$0x4];
	[sflag:s23] =	ssyncadd.s32 $0xFFFFC000  }
0xda: {  	[spmem:s1] =	stream.indirect.scatter.add.f32 [tilespmem:s21], [sflag:$0x5], $0x80, s6, s19, $0xb8;
	[tilespmem:$0x1D000] =	vst v63  }
0xdb: {  	_ =	swait.ge [sflag:s15], $0x4000  }
0xdc: {  	[sflag:s15] =	ssyncset.done $0x0  }
0xdd: {  	s7 =	rddreg [dreg:$0x5];
	[sflag:s15] =	ssyncadd.s32 $0xFFFFC000  }
0xde: {  	[tilespmem:s21], [sflag:$0x2] =	stream.indirect.gather [hbm4b:s4+s19], $0x80, s7, s19, $0xb8;
	[tilespmem:$0x1D000] =	vst v63  }
0xdf: {  	_ =	swait.ge [sflag:s22], $0x4000  }
0xe0: {  	[sflag:s22] =	ssyncset.done $0x0  }
0xe1: {  	s6 =	rddreg [dreg:$0x6];
	[sflag:s22] =	ssyncadd.s32 $0xFFFFC000  }
0xe2: {  	[spmem:s1] =	stream.indirect.scatter.add.f32 [tilespmem:s20], [sflag:$0x5], $0x80, s6, s19, $0xb8;
	[tilespmem:$0x1D000] =	vst v63  }
0xe3: {  	_ =	swait.ge [sflag:s15], $0x4000  }
0xe4: {  	[sflag:s15] =	ssyncset.done $0x0  }
0xe5: {  	s7 =	rddreg [dreg:$0x7];
	[sflag:s15] =	ssyncadd.s32 $0xFFFFC000  }
0xe6: {  	[tilespmem:s20], [sflag:$0x1] =	stream.indirect.gather [hbm4b:s4+s19], $0x80, s7, s19, $0xb8;
	[tilespmem:$0x1D000] =	vst v63  }
0xe7: {  	_ =	swait.ge [sflag:s23], $0x4000  }
0xe8: {  	[sflag:s23] =	ssyncset.done $0x0  }
0xe9: {  	s6 =	rddreg [dreg:$0x8];
	[sflag:s23] =	ssyncadd.s32 $0xFFFFC000  }
0xea: {  	[spmem:s1] =	stream.indirect.scatter.add.f32 [tilespmem:s21], [sflag:$0x5], $0x80, s6, s19, $0xb8;
	[tilespmem:$0x1D000] =	vst v63  }
0xeb: {  	_ =	swait.ge [sflag:s15], $0x4000  }
0xec: {  	[sflag:s15] =	ssyncset.done $0x0  }
0xed: {  	s7 =	rddreg [dreg:$0x9];
	[sflag:s15] =	ssyncadd.s32 $0xFFFFC000  }
0xee: {  	[tilespmem:s21], [sflag:$0x2] =	stream.indirect.gather [hbm4b:s4+s19], $0x80, s7, s19, $0xb8;
	[tilespmem:$0x1D000] =	vst v63  }
0xef: {  	_ =	swait.ge [sflag:s22], $0x4000  }
0xf0: {  	[sflag:s22] =	ssyncset.done $0x0  }
0xf1: {  	s6 =	rddreg [dreg:$0xa];
	[sflag:s22] =	ssyncadd.s32 $0xFFFFC000  }
0xf2: {  	[spmem:s1] =	stream.indirect.scatter.add.f32 [tilespmem:s20], [sflag:$0x5], $0x80, s6, s19, $0xb8;
	[tilespmem:$0x1D000] =	vst v63  }
0xf3: {  	_ =	swait.ge [sflag:s15], $0x4000  }
0xf4: {  	[sflag:s15] =	ssyncset.done $0x0  }
0xf5: {  	s7 =	rddreg [dreg:$0xb];
	[sflag:s15] =	ssyncadd.s32 $0xFFFFC000  }
0xf6: {  	[tilespmem:s20], [sflag:$0x1] =	stream.indirect.gather [hbm4b:s4+s19], $0x80, s7, s19, $0xb8;
	[tilespmem:$0x1D000] =	vst v63  }
0xf7: {  	_ =	swait.ge [sflag:s23], $0x4000  }
0xf8: {  	[sflag:s23] =	ssyncset.done $0x0  }
0xf9: {  	s6 =	rddreg [dreg:$0xc];
	[sflag:s23] =	ssyncadd.s32 $0xFFFFC000  }
0xfa: {  	[spmem:s1] =	stream.indirect.scatter.add.f32 [tilespmem:s21], [sflag:$0x5], $0x80, s6, s19, $0xb8;
	[tilespmem:$0x1D000] =	vst v63  }
0xfb: {  	_ =	swait.ge [sflag:s15], $0x4000  }
0xfc: {  	[sflag:s15] =	ssyncset.done $0x0  }
0xfd: {  	s7 =	rddreg [dreg:$0xd];
	[sflag:s15] =	ssyncadd.s32 $0xFFFFC000  }
0xfe: {  	[tilespmem:s21], [sflag:$0x2] =	stream.indirect.gather [hbm4b:s4+s19], $0x80, s7, s19, $0xb8;
	[tilespmem:$0x1D000] =	vst v63  }
0xff: {  	_ =	swait.ge [sflag:s22], $0x4000  }
0x100: {  	[sflag:s22] =	ssyncset.done $0x0  }
0x101: {  	s6 =	rddreg [dreg:$0xe];
	[sflag:s22] =	ssyncadd.s32 $0xFFFFC000  }
0x102: {  	[spmem:s1] =	stream.indirect.scatter.add.f32 [tilespmem:s20], [sflag:$0x5], $0x80, s6, s19, $0xb8;
	[tilespmem:$0x1D000] =	vst v63  }
0x103: {  	_ =	swait.ge [sflag:s15], $0x4000  }
0x104: {  	[sflag:s15] =	ssyncset.done $0x0  }
0x105: {  	[sflag:s15] =	ssyncadd.s32 $0xFFFFC000  }
0x106: {  	_ =	swait.ge [sflag:s23], $0x4000  }
0x107: {  	[sflag:s23] =	ssyncset.done $0x0  }
0x108: {  	s7 =	rddreg [dreg:$0xf];
	[sflag:s23] =	ssyncadd.s32 $0xFFFFC000  }
0x109: {  	[spmem:s1] =	stream.indirect.scatter.add.f32 [tilespmem:s21], [sflag:$0x5], $0x80, s7, s19, $0xb8;
	[tilespmem:$0x1D000] =	vst v63  }
0x10a: {  	p1 =	sgt.u32 s30, $0x3;
	_ =	swait.ge [sflag:s15], $0x4000  }
0x10b: {  	s5 =	sadd.s32 @!p1 s31, s11;
	s31 =	sadd.s32 @!p1 s31, s12;
	[sflag:s15] =	ssyncset.done $0x0  }
0x10c: {  	s5 =	sadd.s32 @!p1 $0x100, s5;
	s6 =	simm.s32 @!p1 $0x0;
	[sflag:s15] =	ssyncadd.s32 $0xFFFFC000  }
0x10d: {  	[tilespmem:s6], [sflag:$0x3] =	stream.linear.gather @!p1 [hbm4b:s5+s6], $0x400, $0x38;
	[tilespmem:$0x1D000] =	vst v63  }
0x10e: {  	s7 =	simm.s32 @!p1 $0x800;
	s5 =	sadd.s32 @!p1 $0x100, s31  }
0x10f: {  	[tilespmem:s7], [sflag:$0x3] =	stream.linear.gather @!p1 [hbm4b:s5+s6], $0x400, $0x38;
	[tilespmem:$0x1D000] =	vst v63  }
0x110: {  	_ =	swait.ge [sflag:s24], $0x400  }
0x111: {  	[sflag:s24] =	ssyncset.done $0x0  }
0x112: {  	[sflag:s24] =	ssyncadd.s32 $0xFFFFFC00  }
0x113: {  	_ =	swait.ge [sflag:s24], $0x400  }
0x114: {  	[sflag:s24] =	ssyncset.done $0x0  }
0x115: {  	[sflag:s24] =	ssyncadd.s32 $0xFFFFFC00  }
0x116: {  	[tilespmem:s20], [sflag:$0x1] =	stream.indirect.gather [hbm4b:s4+s19], $0x80, s16, s19, $0xb8;
	[tilespmem:$0x1D000] =	vst v63  }
0x117: {  	s6 =	rddreg [dreg:$0x10]  }
0x118: {  	[tilespmem:s21], [sflag:$0x2] =	stream.indirect.gather [hbm4b:s4+s19], $0x80, s6, s19, $0xb8;
	[tilespmem:$0x1D000] =	vst v63  }
0x119: {  	_ =	swait.ge [sflag:s22], $0x4000  }
0x11a: {  	[sflag:s22] =	ssyncset.done $0x0  }
0x11b: {  	[sflag:s22] =	ssyncadd.s32 $0xFFFFC000  }
0x11c: {  	[spmem:s1] =	stream.indirect.scatter.add.f32 [tilespmem:s20], [sflag:$0x5], $0x80, s17, s19, $0xb8;
	[tilespmem:$0x1D000] =	vst v63  }
0x11d: {  	_ =	swait.ge [sflag:s15], $0x4000  }
0x11e: {  	[sflag:s15] =	ssyncset.done $0x0  }
0x11f: {  	s7 =	rddreg [dreg:$0x11];
	[sflag:s15] =	ssyncadd.s32 $0xFFFFC000  }
0x120: {  	[tilespmem:s20], [sflag:$0x1] =	stream.indirect.gather [hbm4b:s4+s19], $0x80, s7, s19, $0xb8;
	[tilespmem:$0x1D000] =	vst v63  }
0x121: {  	_ =	swait.ge [sflag:s23], $0x4000  }
0x122: {  	[sflag:s23] =	ssyncset.done $0x0  }
0x123: {  	s5 =	rddreg [dreg:$0x12];
	[sflag:s23] =	ssyncadd.s32 $0xFFFFC000  }
0x124: {  	[spmem:s1] =	stream.indirect.scatter.add.f32 [tilespmem:s21], [sflag:$0x5], $0x80, s5, s19, $0xb8;
	[tilespmem:$0x1D000] =	vst v63  }
0x125: {  	_ =	swait.ge [sflag:s15], $0x4000  }
0x126: {  	[sflag:s15] =	ssyncset.done $0x0  }
0x127: {  	s6 =	rddreg [dreg:$0x13];
	[sflag:s15] =	ssyncadd.s32 $0xFFFFC000  }
0x128: {  	[tilespmem:s21], [sflag:$0x2] =	stream.indirect.gather [hbm4b:s4+s19], $0x80, s6, s19, $0xb8;
	[tilespmem:$0x1D000] =	vst v63  }
0x129: {  	_ =	swait.ge [sflag:s22], $0x4000  }
0x12a: {  	[sflag:s22] =	ssyncset.done $0x0  }
0x12b: {  	s7 =	rddreg [dreg:$0x14];
	[sflag:s22] =	ssyncadd.s32 $0xFFFFC000  }
0x12c: {  	[spmem:s1] =	stream.indirect.scatter.add.f32 [tilespmem:s20], [sflag:$0x5], $0x80, s7, s19, $0xb8;
	[tilespmem:$0x1D000] =	vst v63  }
0x12d: {  	_ =	swait.ge [sflag:s15], $0x4000  }
0x12e: {  	[sflag:s15] =	ssyncset.done $0x0  }
0x12f: {  	s5 =	rddreg [dreg:$0x15];
	[sflag:s15] =	ssyncadd.s32 $0xFFFFC000  }
0x130: {  	[tilespmem:s20], [sflag:$0x1] =	stream.indirect.gather [hbm4b:s4+s19], $0x80, s5, s19, $0xb8;
	[tilespmem:$0x1D000] =	vst v63  }
0x131: {  	_ =	swait.ge [sflag:s23], $0x4000  }
0x132: {  	[sflag:s23] =	ssyncset.done $0x0  }
0x133: {  	s6 =	rddreg [dreg:$0x16];
	[sflag:s23] =	ssyncadd.s32 $0xFFFFC000  }
0x134: {  	[spmem:s1] =	stream.indirect.scatter.add.f32 [tilespmem:s21], [sflag:$0x5], $0x80, s6, s19, $0xb8;
	[tilespmem:$0x1D000] =	vst v63  }
0x135: {  	_ =	swait.ge [sflag:s15], $0x4000  }
0x136: {  	[sflag:s15] =	ssyncset.done $0x0  }
0x137: {  	s7 =	rddreg [dreg:$0x17];
	[sflag:s15] =	ssyncadd.s32 $0xFFFFC000  }
0x138: {  	[tilespmem:s21], [sflag:$0x2] =	stream.indirect.gather [hbm4b:s4+s19], $0x80, s7, s19, $0xb8;
	[tilespmem:$0x1D000] =	vst v63  }
0x139: {  	_ =	swait.ge [sflag:s22], $0x4000  }
0x13a: {  	[sflag:s22] =	ssyncset.done $0x0  }
0x13b: {  	s5 =	rddreg [dreg:$0x18];
	[sflag:s22] =	ssyncadd.s32 $0xFFFFC000  }
0x13c: {  	[spmem:s1] =	stream.indirect.scatter.add.f32 [tilespmem:s20], [sflag:$0x5], $0x80, s5, s19, $0xb8;
	[tilespmem:$0x1D000] =	vst v63  }
0x13d: {  	_ =	swait.ge [sflag:s15], $0x4000  }
0x13e: {  	[sflag:s15] =	ssyncset.done $0x0  }
0x13f: {  	s6 =	rddreg [dreg:$0x19];
	[sflag:s15] =	ssyncadd.s32 $0xFFFFC000  }
0x140: {  	[tilespmem:s20], [sflag:$0x1] =	stream.indirect.gather [hbm4b:s4+s19], $0x80, s6, s19, $0xb8;
	[tilespmem:$0x1D000] =	vst v63  }
0x141: {  	_ =	swait.ge [sflag:s23], $0x4000  }
0x142: {  	[sflag:s23] =	ssyncset.done $0x0  }
0x143: {  	s7 =	rddreg [dreg:$0x1a];
	[sflag:s23] =	ssyncadd.s32 $0xFFFFC000  }
0x144: {  	[spmem:s1] =	stream.indirect.scatter.add.f32 [tilespmem:s21], [sflag:$0x5], $0x80, s7, s19, $0xb8;
	[tilespmem:$0x1D000] =	vst v63  }
0x145: {  	_ =	swait.ge [sflag:s15], $0x4000  }
0x146: {  	[sflag:s15] =	ssyncset.done $0x0  }
0x147: {  	[sflag:s15] =	ssyncadd.s32 $0xFFFFC000  }
0x148: {  	[tilespmem:s21], [sflag:$0x2] =	stream.indirect.gather [hbm4b:s4+s19], $0x80, s25, s19, $0xb8;
	[tilespmem:$0x1D000] =	vst v63  }
0x149: {  	_ =	swait.ge [sflag:s22], $0x4000  }
0x14a: {  	[sflag:s22] =	ssyncset.done $0x0  }
0x14b: {  	[sflag:s22] =	ssyncadd.s32 $0xFFFFC000  }
0x14c: {  	[spmem:s1] =	stream.indirect.scatter.add.f32 [tilespmem:s20], [sflag:$0x5], $0x80, s26, s19, $0xb8;
	[tilespmem:$0x1D000] =	vst v63  }
0x14d: {  	_ =	swait.ge [sflag:s15], $0x4000  }
0x14e: {  	[sflag:s15] =	ssyncset.done $0x0  }
0x14f: {  	s3 =	smov.u32 s0;
	s0 =	sadd.s32 $0x100, s0;
	[sflag:s15] =	ssyncadd.s32 $0xFFFFC000  }
0x150: {  	p0 =	sne.s32 s0, $0x500;
	_ =	swait.ge [sflag:s23], $0x4000  }
.Ltmp0:
0x151: {  	[sflag:s23] =	ssyncset.done $0x0;
	(pc) =	sbr.rel @p0 .LBB2_2-.Ltmp0, $4  }
0x152: {  	[sflag:s23] =	ssyncadd.s32 $0xFFFFC000  }
0x153: {  	[spmem:s1] =	stream.indirect.scatter.add.f32 [tilespmem:s21], [sflag:$0x5], $0x80, s28, s19, $0xb8;
	[tilespmem:$0x1D000] =	vst v63  }
0x154: {  	s31 =	smov.u32 s3;
	_ =	swait.ge [sflag:s15], $0x4000  }
0x155: {  	s30 =	sadd.s32 $0x1, s30;
	s3 =	sadd.s32 s31, s11;
	[sflag:s15] =	ssyncset.done $0x0  }
0x156: {  	s0 =	sadd.s32 $0x80, s3;
	[sflag:s15] =	ssyncadd.s32 $0xFFFFC000;
	s7 =	sadd.s32 s31, s12  }
0x157: {  	[tilespmem:s16], [sflag:$0x4] =	stream.linear.gather [hbm4b:s0+s2], $0x400, $0x38;
	[tilespmem:$0x1D000] =	vst v63  }
0x158: {  	s0 =	sadd.s32 $0x80, s7  }
0x159: {  	[tilespmem:s17], [sflag:$0x4] =	stream.linear.gather [hbm4b:s0+s2], $0x400, $0x38;
	[tilespmem:$0x1D000] =	vst v63  }
0x15a: {  	_ =	swait.ge [sflag:s18], $0x400  }
0x15b: {  	[sflag:s18] =	ssyncset.done $0x0  }
0x15c: {  	[sflag:s18] =	ssyncadd.s32 $0xFFFFFC00  }
0x15d: {  	_ =	swait.ge [sflag:s18], $0x400  }
0x15e: {  	[sflag:s18] =	ssyncset.done $0x0  }
0x15f: {  	[sflag:s18] =	ssyncadd.s32 $0xFFFFFC00  }
0x160: {  	[tilespmem:s20], [sflag:$0x1] =	stream.indirect.gather [hbm4b:s4+s19], $0x80, s2, s19, $0xb8;
	[tilespmem:$0x1D000] =	vst v63  }
0x161: {  	_ = 	snop  }
0x162: {  	[tilespmem:s21], [sflag:$0x2] =	stream.indirect.gather [hbm4b:s4+s19], $0x80, s19, s19, $0xb8;
	[tilespmem:$0x1D000] =	vst v63  }
0x163: {  	_ =	swait.ge [sflag:s22], $0x4000  }
0x164: {  	[sflag:s22] =	ssyncset.done $0x0  }
0x165: {  	[sflag:s22] =	ssyncadd.s32 $0xFFFFC000  }
0x166: {  	[spmem:s1] =	stream.indirect.scatter.add.f32 [tilespmem:s20], [sflag:$0x5], $0x80, s13, s19, $0xb8;
	[tilespmem:$0x1D000] =	vst v63  }
0x167: {  	_ =	swait.ge [sflag:s15], $0x4000  }
0x168: {  	[sflag:s15] =	ssyncset.done $0x0  }
0x169: {  	s3 =	rddreg [dreg:$0x3];
	[sflag:s15] =	ssyncadd.s32 $0xFFFFC000  }
0x16a: {  	[tilespmem:s20], [sflag:$0x1] =	stream.indirect.gather [hbm4b:s4+s19], $0x80, s3, s19, $0xb8;
	[tilespmem:$0x1D000] =	vst v63  }
0x16b: {  	_ =	swait.ge [sflag:s23], $0x4000  }
0x16c: {  	[sflag:s23] =	ssyncset.done $0x0  }
0x16d: {  	s5 =	rddreg [dreg:$0x4];
	[sflag:s23] =	ssyncadd.s32 $0xFFFFC000  }
0x16e: {  	[spmem:s1] =	stream.indirect.scatter.add.f32 [tilespmem:s21], [sflag:$0x5], $0x80, s5, s19, $0xb8;
	[tilespmem:$0x1D000] =	vst v63  }
0x16f: {  	_ =	swait.ge [sflag:s15], $0x4000  }
0x170: {  	[sflag:s15] =	ssyncset.done $0x0  }
0x171: {  	s6 =	rddreg [dreg:$0x5];
	[sflag:s15] =	ssyncadd.s32 $0xFFFFC000  }
0x172: {  	[tilespmem:s21], [sflag:$0x2] =	stream.indirect.gather [hbm4b:s4+s19], $0x80, s6, s19, $0xb8;
	[tilespmem:$0x1D000] =	vst v63  }
0x173: {  	_ =	swait.ge [sflag:s22], $0x4000  }
0x174: {  	[sflag:s22] =	ssyncset.done $0x0  }
0x175: {  	s7 =	rddreg [dreg:$0x6];
	[sflag:s22] =	ssyncadd.s32 $0xFFFFC000  }
0x176: {  	[spmem:s1] =	stream.indirect.scatter.add.f32 [tilespmem:s20], [sflag:$0x5], $0x80, s7, s19, $0xb8;
	[tilespmem:$0x1D000] =	vst v63  }
0x177: {  	_ =	swait.ge [sflag:s15], $0x4000  }
0x178: {  	[sflag:s15] =	ssyncset.done $0x0  }
0x179: {  	s3 =	rddreg [dreg:$0x7];
	[sflag:s15] =	ssyncadd.s32 $0xFFFFC000  }
0x17a: {  	[tilespmem:s20], [sflag:$0x1] =	stream.indirect.gather [hbm4b:s4+s19], $0x80, s3, s19, $0xb8;
	[tilespmem:$0x1D000] =	vst v63  }
0x17b: {  	_ =	swait.ge [sflag:s23], $0x4000  }
0x17c: {  	[sflag:s23] =	ssyncset.done $0x0  }
0x17d: {  	s5 =	rddreg [dreg:$0x8];
	[sflag:s23] =	ssyncadd.s32 $0xFFFFC000  }
0x17e: {  	[spmem:s1] =	stream.indirect.scatter.add.f32 [tilespmem:s21], [sflag:$0x5], $0x80, s5, s19, $0xb8;
	[tilespmem:$0x1D000] =	vst v63  }
0x17f: {  	_ =	swait.ge [sflag:s15], $0x4000  }
0x180: {  	[sflag:s15] =	ssyncset.done $0x0  }
0x181: {  	s6 =	rddreg [dreg:$0x9];
	[sflag:s15] =	ssyncadd.s32 $0xFFFFC000  }
0x182: {  	[tilespmem:s21], [sflag:$0x2] =	stream.indirect.gather [hbm4b:s4+s19], $0x80, s6, s19, $0xb8;
	[tilespmem:$0x1D000] =	vst v63  }
0x183: {  	_ =	swait.ge [sflag:s22], $0x4000  }
0x184: {  	[sflag:s22] =	ssyncset.done $0x0  }
0x185: {  	s7 =	rddreg [dreg:$0xa];
	[sflag:s22] =	ssyncadd.s32 $0xFFFFC000  }
0x186: {  	[spmem:s1] =	stream.indirect.scatter.add.f32 [tilespmem:s20], [sflag:$0x5], $0x80, s7, s19, $0xb8;
	[tilespmem:$0x1D000] =	vst v63  }
0x187: {  	_ =	swait.ge [sflag:s15], $0x4000  }
0x188: {  	[sflag:s15] =	ssyncset.done $0x0  }
0x189: {  	s3 =	rddreg [dreg:$0xb];
	[sflag:s15] =	ssyncadd.s32 $0xFFFFC000  }
0x18a: {  	[tilespmem:s20], [sflag:$0x1] =	stream.indirect.gather [hbm4b:s4+s19], $0x80, s3, s19, $0xb8;
	[tilespmem:$0x1D000] =	vst v63  }
0x18b: {  	_ =	swait.ge [sflag:s23], $0x4000  }
0x18c: {  	[sflag:s23] =	ssyncset.done $0x0  }
0x18d: {  	s5 =	rddreg [dreg:$0xc];
	[sflag:s23] =	ssyncadd.s32 $0xFFFFC000  }
0x18e: {  	[spmem:s1] =	stream.indirect.scatter.add.f32 [tilespmem:s21], [sflag:$0x5], $0x80, s5, s19, $0xb8;
	[tilespmem:$0x1D000] =	vst v63  }
0x18f: {  	_ =	swait.ge [sflag:s15], $0x4000  }
0x190: {  	[sflag:s15] =	ssyncset.done $0x0  }
0x191: {  	s6 =	rddreg [dreg:$0xd];
	[sflag:s15] =	ssyncadd.s32 $0xFFFFC000  }
0x192: {  	[tilespmem:s21], [sflag:$0x2] =	stream.indirect.gather [hbm4b:s4+s19], $0x80, s6, s19, $0xb8;
	[tilespmem:$0x1D000] =	vst v63  }
0x193: {  	_ =	swait.ge [sflag:s22], $0x4000  }
0x194: {  	[sflag:s22] =	ssyncset.done $0x0  }
0x195: {  	s7 =	rddreg [dreg:$0xe];
	[sflag:s22] =	ssyncadd.s32 $0xFFFFC000  }
0x196: {  	[spmem:s1] =	stream.indirect.scatter.add.f32 [tilespmem:s20], [sflag:$0x5], $0x80, s7, s19, $0xb8;
	[tilespmem:$0x1D000] =	vst v63  }
0x197: {  	_ =	swait.ge [sflag:s15], $0x4000  }
0x198: {  	[sflag:s15] =	ssyncset.done $0x0  }
0x199: {  	[sflag:s15] =	ssyncadd.s32 $0xFFFFC000  }
0x19a: {  	_ =	swait.ge [sflag:s23], $0x4000  }
0x19b: {  	[sflag:s23] =	ssyncset.done $0x0  }
0x19c: {  	p0 =	sgt.u32 s30, $0x3;
	s3 =	rddreg [dreg:$0xf];
	[sflag:s23] =	ssyncadd.s32 $0xFFFFC000  }
0x19d: {  	[spmem:s1] =	stream.indirect.scatter.add.f32 [tilespmem:s21], [sflag:$0x5], $0x80, s3, s19, $0xb8;
	[tilespmem:$0x1D000] =	vst v63  }
0x19e: {  	s0 =	sadd.s32 @!p0 s31, s11;
	_ =	swait.ge [sflag:s15], $0x4000  }
0x19f: {  	s0 =	sadd.s32 @!p0 $0x100, s0;
	[sflag:s15] =	ssyncset.done $0x0  }
0x1a0: {  	s5 =	simm.s32 @!p0 $0x0;
	s3 =	sadd.s32 @!p0 s31, s12;
	[sflag:s15] =	ssyncadd.s32 $0xFFFFC000  }
0x1a1: {  	[tilespmem:s5], [sflag:$0x3] =	stream.linear.gather @!p0 [hbm4b:s0+s5], $0x400, $0x38;
	[tilespmem:$0x1D000] =	vst v63  }
0x1a2: {  	s0 =	sadd.s32 @!p0 $0x100, s3;
	s3 =	simm.s32 @!p0 $0x800  }
0x1a3: {  	[tilespmem:s3], [sflag:$0x3] =	stream.linear.gather @!p0 [hbm4b:s0+s5], $0x400, $0x38;
	[tilespmem:$0x1D000] =	vst v63  }
0x1a4: {  	_ =	swait.ge [sflag:s24], $0x400  }
0x1a5: {  	[sflag:s24] =	ssyncset.done $0x0  }
0x1a6: {  	[sflag:s24] =	ssyncadd.s32 $0xFFFFFC00  }
0x1a7: {  	_ =	swait.ge [sflag:s24], $0x400  }
0x1a8: {  	[sflag:s24] =	ssyncset.done $0x0  }
0x1a9: {  	[sflag:s24] =	ssyncadd.s32 $0xFFFFFC00  }
0x1aa: {  	[tilespmem:s20], [sflag:$0x1] =	stream.indirect.gather [hbm4b:s4+s19], $0x80, s16, s19, $0xb8;
	[tilespmem:$0x1D000] =	vst v63  }
0x1ab: {  	s5 =	rddreg [dreg:$0x10]  }
0x1ac: {  	[tilespmem:s21], [sflag:$0x2] =	stream.indirect.gather [hbm4b:s4+s19], $0x80, s5, s19, $0xb8;
	[tilespmem:$0x1D000] =	vst v63  }
0x1ad: {  	_ =	swait.ge [sflag:s22], $0x4000  }
0x1ae: {  	[sflag:s22] =	ssyncset.done $0x0  }
0x1af: {  	[sflag:s22] =	ssyncadd.s32 $0xFFFFC000  }
0x1b0: {  	[spmem:s1] =	stream.indirect.scatter.add.f32 [tilespmem:s20], [sflag:$0x5], $0x80, s17, s19, $0xb8;
	[tilespmem:$0x1D000] =	vst v63  }
0x1b1: {  	_ =	swait.ge [sflag:s15], $0x4000  }
0x1b2: {  	[sflag:s15] =	ssyncset.done $0x0  }
0x1b3: {  	s6 =	rddreg [dreg:$0x11];
	[sflag:s15] =	ssyncadd.s32 $0xFFFFC000  }
0x1b4: {  	[tilespmem:s20], [sflag:$0x1] =	stream.indirect.gather [hbm4b:s4+s19], $0x80, s6, s19, $0xb8;
	[tilespmem:$0x1D000] =	vst v63  }
0x1b5: {  	_ =	swait.ge [sflag:s23], $0x4000  }
0x1b6: {  	[sflag:s23] =	ssyncset.done $0x0  }
0x1b7: {  	s7 =	rddreg [dreg:$0x12];
	[sflag:s23] =	ssyncadd.s32 $0xFFFFC000  }
0x1b8: {  	[spmem:s1] =	stream.indirect.scatter.add.f32 [tilespmem:s21], [sflag:$0x5], $0x80, s7, s19, $0xb8;
	[tilespmem:$0x1D000] =	vst v63  }
0x1b9: {  	_ =	swait.ge [sflag:s15], $0x4000  }
0x1ba: {  	[sflag:s15] =	ssyncset.done $0x0  }
0x1bb: {  	s30 =	rddreg [dreg:$0x13];
	[sflag:s15] =	ssyncadd.s32 $0xFFFFC000  }
0x1bc: {  	[tilespmem:s21], [sflag:$0x2] =	stream.indirect.gather [hbm4b:s4+s19], $0x80, s30, s19, $0xb8;
	[tilespmem:$0x1D000] =	vst v63  }
0x1bd: {  	_ =	swait.ge [sflag:s22], $0x4000  }
0x1be: {  	[sflag:s22] =	ssyncset.done $0x0  }
0x1bf: {  	s31 =	rddreg [dreg:$0x14];
	[sflag:s22] =	ssyncadd.s32 $0xFFFFC000  }
0x1c0: {  	[spmem:s1] =	stream.indirect.scatter.add.f32 [tilespmem:s20], [sflag:$0x5], $0x80, s31, s19, $0xb8;
	[tilespmem:$0x1D000] =	vst v63  }
0x1c1: {  	_ =	swait.ge [sflag:s15], $0x4000  }
0x1c2: {  	[sflag:s15] =	ssyncset.done $0x0  }
0x1c3: {  	s3 =	rddreg [dreg:$0x15];
	[sflag:s15] =	ssyncadd.s32 $0xFFFFC000  }
0x1c4: {  	[tilespmem:s20], [sflag:$0x1] =	stream.indirect.gather [hbm4b:s4+s19], $0x80, s3, s19, $0xb8;
	[tilespmem:$0x1D000] =	vst v63  }
0x1c5: {  	_ =	swait.ge [sflag:s23], $0x4000  }
0x1c6: {  	[sflag:s23] =	ssyncset.done $0x0  }
0x1c7: {  	s5 =	rddreg [dreg:$0x16];
	[sflag:s23] =	ssyncadd.s32 $0xFFFFC000  }
0x1c8: {  	[spmem:s1] =	stream.indirect.scatter.add.f32 [tilespmem:s21], [sflag:$0x5], $0x80, s5, s19, $0xb8;
	[tilespmem:$0x1D000] =	vst v63  }
0x1c9: {  	_ =	swait.ge [sflag:s15], $0x4000  }
0x1ca: {  	[sflag:s15] =	ssyncset.done $0x0  }
0x1cb: {  	s6 =	rddreg [dreg:$0x17];
	[sflag:s15] =	ssyncadd.s32 $0xFFFFC000  }
0x1cc: {  	[tilespmem:s21], [sflag:$0x2] =	stream.indirect.gather [hbm4b:s4+s19], $0x80, s6, s19, $0xb8;
	[tilespmem:$0x1D000] =	vst v63  }
0x1cd: {  	_ =	swait.ge [sflag:s22], $0x4000  }
0x1ce: {  	[sflag:s22] =	ssyncset.done $0x0  }
0x1cf: {  	s7 =	rddreg [dreg:$0x18];
	[sflag:s22] =	ssyncadd.s32 $0xFFFFC000  }
0x1d0: {  	[spmem:s1] =	stream.indirect.scatter.add.f32 [tilespmem:s20], [sflag:$0x5], $0x80, s7, s19, $0xb8;
	[tilespmem:$0x1D000] =	vst v63  }
0x1d1: {  	_ =	swait.ge [sflag:s15], $0x4000  }
0x1d2: {  	[sflag:s15] =	ssyncset.done $0x0  }
0x1d3: {  	s30 =	rddreg [dreg:$0x19];
	[sflag:s15] =	ssyncadd.s32 $0xFFFFC000  }
0x1d4: {  	[tilespmem:s20], [sflag:$0x1] =	stream.indirect.gather [hbm4b:s4+s19], $0x80, s30, s19, $0xb8;
	[tilespmem:$0x1D000] =	vst v63  }
0x1d5: {  	_ =	swait.ge [sflag:s23], $0x4000  }
0x1d6: {  	[sflag:s23] =	ssyncset.done $0x0  }
0x1d7: {  	s31 =	rddreg [dreg:$0x1a];
	[sflag:s23] =	ssyncadd.s32 $0xFFFFC000  }
0x1d8: {  	[spmem:s1] =	stream.indirect.scatter.add.f32 [tilespmem:s21], [sflag:$0x5], $0x80, s31, s19, $0xb8;
	[tilespmem:$0x1D000] =	vst v63  }
0x1d9: {  	_ =	swait.ge [sflag:s15], $0x4000  }
0x1da: {  	[sflag:s15] =	ssyncset.done $0x0  }
0x1db: {  	[sflag:s15] =	ssyncadd.s32 $0xFFFFC000  }
0x1dc: {  	[tilespmem:s21], [sflag:$0x2] =	stream.indirect.gather [hbm4b:s4+s19], $0x80, s25, s19, $0xb8;
	[tilespmem:$0x1D000] =	vst v63  }
0x1dd: {  	_ =	swait.ge [sflag:s22], $0x4000  }
0x1de: {  	[sflag:s22] =	ssyncset.done $0x0  }
0x1df: {  	[sflag:s22] =	ssyncadd.s32 $0xFFFFC000  }
0x1e0: {  	[spmem:s1] =	stream.indirect.scatter.add.f32 [tilespmem:s20], [sflag:$0x5], $0x80, s26, s19, $0xb8;
	[tilespmem:$0x1D000] =	vst v63  }
0x1e1: {  	_ =	swait.ge [sflag:s15], $0x4000  }
0x1e2: {  	[sflag:s15] =	ssyncset.done $0x0  }
0x1e3: {  	[sflag:s15] =	ssyncadd.s32 $0xFFFFC000  }
0x1e4: {  	_ =	swait.ge [sflag:s23], $0x4000  }
0x1e5: {  	[sflag:s23] =	ssyncset.done $0x0  }
0x1e6: {  	[sflag:s23] =	ssyncadd.s32 $0xFFFFC000  }
0x1e7: {  	[spmem:s1] =	stream.indirect.scatter.add.f32 [tilespmem:s21], [sflag:$0x5], $0x80, s28, s19, $0xb8;
	[tilespmem:$0x1D000] =	vst v63  }
0x1e8: {  	_ =	swait.ge [sflag:s15], $0x4000  }
0x1e9: {  	s29 =	sadd.s32 $0x1, s29;
	[sflag:s15] =	ssyncset.done $0x0  }
0x1ea: {  	p0 =	sne.s32 s29, s10;
	[sflag:s15] =	ssyncadd.s32 $0xFFFFC000  }
.Ltmp1:
0x1eb: {  	[bflag:$0x0] =	sbarrier.arrive $0xFFFF;
	(pc) =	sbr.rel @p0 .LBB2_1-.Ltmp1, $4  }
0x1ec: {  	[hbm:s9], [sflag:s8] =	dma.local [spmem:s14], $0x2800  }
0x1ed: {  	_ =	swait.ge [sflag:s15], $0x2800  }
0x1ee: {  	[sflag:s15] =	ssyncset.done $0x0  }
0x1ef: {  	[sflag:s15] =	ssyncadd.s32 $0xFFFFD800  }
0x1f0: {  	_ =	sfence.sel $0x180000  }
0x1f1: {  	[bflag:$0x0] =	sbarrier.arrive $0xFFFF  }
0x1f2: {  	_ =	strace $0x9000004D  }
0x1f3: {  	s0 =	stileid.u32;
	[bflag:$0x2] =	sbarrier.arrive $0xFFFF  }
0x1f4: {  	p0 =	sne.s32 s0, $0x0;
	s0 =	rddreg [dreg:$0x2]  }
0x1f5: {  	s0 =	sadd.s32 @!p0 $0x100000, s0  }
0x1f6: {  	[sflag:s0] =	ssyncadd.tile.s32 @!p0 $0x1;
	_ =	shalt  }
.Lfunc_end2:
_tile_overlayer_lowered:
.L_overlay_start_2:
0x1f7: {  	(tag) =	ssettag $0x2  }
0x1f8: {  	s0 =	rddreg [dreg:$0x0];
	s2 =	stileid.u32  }
0x1f9: {  	s1 =	rddreg [dreg:$0x1];
	p0 =	sne.s32 s2, $0x0  }
0x1fa: {  	s3 =	rddreg [dreg:$0x2];
	[bflag:$0x3] =	sbarrier.arrive $0xFFFF;
	s2 =	simm.s32 @!p0 $0x1C05  }
0x1fb: {  	[timem:s3], [sflag:s2] =	dma.local @!p0 [hbm:s0], s1  }
0x1fc: {  	s0 =	simm.s32 @!p0 $0x5  }
0x1fd: {  	_ =	swait.ge @!p0 [sflag:s0], s1  }
0x1fe: {  	s1 =	ssub.s32 @!p0 $0x0, s1;
	[sflag:s0] =	ssyncset.done @!p0 $0x0  }
0x1ff: {  	[sflag:s0] =	ssyncadd.s32 @!p0 s1  }
0x200: {  	[bflag:$0x3] =	sbarrier.arrive $0xFFFF  }
0x201: {  	_ =	shalt  }

// kernel: kernel.13.cloned.1.call-start
scs
__scs_entry_jumppad:
0x0: {  	(pc) =	sbr.rel $0x88, $3  }
0x1: {  	(tag) =	ssettag $0x0;
	lr =	simm.s32 $0x1  }
0x2: {  	[smem:$0x3F9B] =	sst lr;
	_ =	strace $0xD0000000  }
0x3: {  	_ = 	snop  }
0x4: {  	_ = 	snop  }
0x5: {  	_ = 	snop  }
0x6: {  	_ = 	snop  }
0x7: {  	_ = 	snop  }
__scs_overlays_trampoline_lowered:
0x8: {  	[smem:$0x3FAA] =	sst s0  }
0x9: {  	[smem:$0x3FAB] =	sst s1  }
0xa: {  	[smem:$0x3FAC] =	sst s2  }
0xb: {  	[smem:$0x3FAD] =	sst s3  }
0xc: {  	[smem:$0x3FAE] =	sst s4  }
0xd: {  	[smem:$0x3FAF] =	sst s5  }
0xe: {  	[smem:$0x3FB0] =	sst s6  }
0xf: {  	[smem:$0x3FB1] =	sst s7  }
0x10: {  	[smem:$0x3FB2] =	sst s8  }
0x11: {  	[smem:$0x3FB3] =	sst s9;
	s0 =	simm.s32 @!p0 $0x0  }
0x12: {  	s1 =	sld [smem:$0x3F99];
	s0 =	simm.s32 @p0 $0x1  }
0x13: {  	[smem:$0x3FB4] =	sst s0;
	s0 =	simm.s32 @!p1 $0x0  }
0x14: {  	s2 =	sld [smem:$0x3F98];
	s0 =	simm.s32 @p1 $0x1  }
0x15: {  	[smem:$0x3FB5] =	sst s0;
	s0 =	simm.s32 @!p2 $0x0  }
0x16: {  	s3 =	sld [smem:$0x3FDB];
	s0 =	simm.s32 @p2 $0x1  }
0x17: {  	s4 =	simm.s32 $0x1BF5;
	[smem:$0x3FB7] =	sst s0  }
0x18: {  	s0 =	sld [smem:$0x3F9A];
	_ =	swait.ge [sflag:s4], $0x0  }
0x19: {  	s7 =	sld [smem:$0x3F9B]  }
0x1a: {  	s8 =	sadd.s32 $0xFFFFE003, lr  }
0x1b: {  	s9 =	sadd.s32 $0xFFFFFEF7, lr;
	s5 =	simm.s32 $0xFFFFFFFF;
	p2 =	slt.u32 s8, $0xFFFFF086  }
0x1c: {  	p1 =	slt.u32 s9, $0xF7A;
	s5 =	simm.s32 @!p2 $0x0  }
0x1d: {  	s5 =	simm.s32 @p1 $0x1;
	p0 =	seq.s32 s7, s2  }
0x1e: {  	s7 =	smul.u32 @!p0 $0xF7A, s2;
	p2 =	seq.s32 @!p0 s5, $0x0  }
0x1f: {  	s9 =	smul.u32 $0xF7A, s1;
	s8 =	simm.s32 @!p0 $0x1BF5;
	p2 =	por !p2, p0  }
0x20: {  	[sflag:s8] =	ssyncset.s32 @!p0 $0xFFFFF086;
	s6 =	sadd.s32 @!p0 s3, s7;
	s7 =	simm.s32 @!p0 $0x108  }
0x21: {  	s3 =	sadd.s32 s3, s9;
	s6 =	sadd.s32 @!p0 $0x88, s6;
	s7 =	simm.s32 @p2 $0x1082  }
0x22: {  	[simem:s7], [sflag:s8] =	dma.local @!p0 [hbm:s6], $0xF7A  }
0x23: {  	s9 =	sor.u32 $0xD0000000, s2;
	s6 =	simm.s32 $0x108;
	_ =	swait.ge @!p0 [sflag:s8], $0x0  }
0x24: {  	s3 =	sadd.s32 $0x88, s3;
	s6 =	simm.s32 @!p1 $0x1082;
	[sflag:s4] =	ssyncset.s32 $0xFFFFF086  }
0x25: {  	[simem:s6], [sflag:s4] =	dma.local [hbm:s3], $0xF7A  }
0x26: {  	[smem:$0x3F9B] =	sst s1;
	(tag) =	ssettag s2;
	_ =	strace s9  }
0x27: {  	s1 =	sld [smem:$0x3FAB]  }
0x28: {  	s2 =	sld [smem:$0x3FAC]  }
0x29: {  	s4 =	sld [smem:$0x3FAE]  }
0x2a: {  	p0 =	seq.s32 s5, $0x0;
	s5 =	sld [smem:$0x3FAF]  }
0x2b: {  	s6 =	sld [smem:$0x3FB0]  }
0x2c: {  	s7 =	sld [smem:$0x3FB1]  }
0x2d: {  	s3 =	simm.s32 $0x108;
	s8 =	sld [smem:$0x3FB2]  }
0x2e: {  	s3 =	simm.s32 @!p0 $0x1082;
	s9 =	sld [smem:$0x3FB3]  }
0x2f: {  	lr =	sadd.s32 s0, s3;
	s0 =	sld [smem:$0x3FAA]  }
0x30: {  	s3 =	sld [smem:$0x3FAD]  }
0x31: {  	[smem:$0x3FB6] =	sst s10  }
0x32: {  	s10 =	sld [smem:$0x3FB4];
	_ =	sdelay $0x3  }
0x33: {  	p0 =	seq.s32 s10, $0x1;
	s10 =	sld [smem:$0x3FB6];
	_ =	sdelay $0x3  }
0x34: {  	[smem:$0x3FB6] =	sst s10  }
0x35: {  	s10 =	sld [smem:$0x3FB5];
	_ =	sdelay $0x3  }
0x36: {  	p1 =	seq.s32 s10, $0x1;
	s10 =	sld [smem:$0x3FB6];
	_ =	sdelay $0x3  }
0x37: {  	[smem:$0x3FB6] =	sst s10  }
0x38: {  	s10 =	sld [smem:$0x3FB7]  }
0x39: {  	_ = 	snop;
	(pc) =	sbr.ind lr, $3  }
0x3a: {  	_ = 	snop  }
0x3b: {  	_ = 	snop  }
0x3c: {  	p2 =	seq.s32 s10, $0x1;
	s10 =	sld [smem:$0x3FB6]  }
0x3d: {  	_ =	shalt  }
0x3e: {  	_ =	shalt  }
0x3f: {  	_ =	shalt  }
0x40: {  	_ =	shalt  }
0x41: {  	_ =	shalt  }
0x42: {  	_ =	shalt  }
0x43: {  	_ =	shalt  }
0x44: {  	_ =	shalt  }
0x45: {  	_ =	shalt  }
0x46: {  	_ =	shalt  }
0x47: {  	_ =	shalt  }
0x48: {  	_ =	shalt  }
0x49: {  	_ =	shalt  }
0x4a: {  	_ =	shalt  }
0x4b: {  	_ =	shalt  }
0x4c: {  	_ =	shalt  }
0x4d: {  	_ =	shalt  }
0x4e: {  	_ =	shalt  }
0x4f: {  	_ =	shalt  }
0x50: {  	_ =	shalt  }
0x51: {  	_ =	shalt  }
0x52: {  	_ =	shalt  }
0x53: {  	_ =	shalt  }
0x54: {  	_ =	shalt  }
0x55: {  	_ =	shalt  }
0x56: {  	_ =	shalt  }
0x57: {  	_ =	shalt  }
0x58: {  	_ =	shalt  }
0x59: {  	_ =	shalt  }
0x5a: {  	_ =	shalt  }
0x5b: {  	_ =	shalt  }
0x5c: {  	_ =	shalt  }
0x5d: {  	_ =	shalt  }
0x5e: {  	_ =	shalt  }
0x5f: {  	_ =	shalt  }
0x60: {  	_ =	shalt  }
0x61: {  	_ =	shalt  }
0x62: {  	_ =	shalt  }
0x63: {  	_ =	shalt  }
0x64: {  	_ =	shalt  }
0x65: {  	_ =	shalt  }
0x66: {  	_ =	shalt  }
0x67: {  	_ =	shalt  }
0x68: {  	_ =	shalt  }
0x69: {  	_ =	shalt  }
0x6a: {  	_ =	shalt  }
0x6b: {  	_ =	shalt  }
0x6c: {  	_ =	shalt  }
0x6d: {  	_ =	shalt  }
0x6e: {  	_ =	shalt  }
0x6f: {  	_ =	shalt  }
0x70: {  	_ =	shalt  }
0x71: {  	_ =	shalt  }
0x72: {  	_ =	shalt  }
0x73: {  	_ =	shalt  }
0x74: {  	_ =	shalt  }
0x75: {  	_ =	shalt  }
0x76: {  	_ =	shalt  }
0x77: {  	_ =	shalt  }
0x78: {  	_ =	shalt  }
0x79: {  	_ =	shalt  }
0x7a: {  	_ =	shalt  }
0x7b: {  	_ =	shalt  }
0x7c: {  	_ =	shalt  }
0x7d: {  	_ =	shalt  }
0x7e: {  	_ =	shalt  }
0x7f: {  	_ =	shalt  }
0x80: {  	_ =	shalt  }
0x81: {  	_ =	shalt  }
0x82: {  	_ =	shalt  }
0x83: {  	_ =	shalt  }
0x84: {  	_ =	shalt  }
0x85: {  	_ =	shalt  }
0x86: {  	_ =	shalt  }
0x87: {  	_ =	shalt  }
.Lfunc_end0:
.L_simem_size_0:
called_computation.2_lowered:
.L_overlay_start_0:
0x88: {  	s2 =	sld [smem:$0x3FD9]  }
0x89: {  	s3 =	sld [smem:$0x3FFE];
	_ =	sdelay $0x1  }
0x8a: {  	s1 =	srdreg.scid  }
0x8b: {  	s0 =	sand.u32 $0x1, s1  }
0x8c: {  	s16 =	sshll.u32 s0, $0xA;
	s2 =	sadd.s32 s3, s2  }
0x8d: {  	s2 =	sadd.s32 s2, s16  }
0x8e: {  	[smem:$0x3FC2] =	sst s2  }
0x8f: {  	_ = 	snop  }
0x90: {  	(tm) =	ssettm $0x1  }
0x91: {  	s17 =	sld [smem:$0x3FFB];
	_ =	sdelay $0x3  }
0x92: {  	_ =	strace s17  }
0x93: {  	s2 =	sld [smem:$0x3FFC];
	_ =	sdelay $0x3  }
0x94: {  	_ =	strace s2  }
0x95: {  	s2 =	sld [smem:$0x3FFD];
	_ =	sdelay $0x3  }
0x96: {  	_ =	strace s2  }
0x97: {  	_ =	strace $0x8FFFFFFF  }
0x98: {  	s18 =	sld [smem:$0x3FDB];
	_ =	sdelay $0x1  }
0x99: {  	s19 =	simm.s32 $_scs_section_size  }
0x9a: {  	s4 =	simm.s32 $_size__tile_overlayer_lowered;
	s5 =	simm.s32 $_tile_overlayer_lowered  }
0x9b: {  	s22 =	simm.s32 $0x1BFF;
	s21 =	sshll.u32 s5, $0x1;
	s2 =	sadd.s32 s19, s18  }
0x9c: {  	s6 =	simm.s32 $0x0;
	s20 =	sshll.u32 s4, $0x1;
	s4 =	sadd.s32 s21, s2  }
0x9d: {  	[timem:s6], [sflag:s22] =	dma.local [hbm:s4], s20  }
0x9e: {  	_ =	swait.ge [sflag:s22], s20  }
0x9f: {  	s3 =	ssub.s32 $0x0, s20;
	[sflag:s22] =	ssyncset.done $0x0  }
0xa0: {  	[sflag:s22] =	ssyncadd.s32 s3;
	_ =	sdelay $0x1  }
0xa1: {  	s23 =	simm.s32 $0x1B8B  }
0xa2: {  	_ =	swait.ge [sflag:s23], $0x1  }
0xa3: {  	[sflag:s23] =	ssyncset.done $0x0  }
0xa4: {  	s25 =	simm.s32 $0x1B8E;
	s24 =	sld [smem:$0x3FFE];
	[sflag:s23] =	ssyncadd.s32 $0xFFFFFFFF  }
0xa5: {  	s26 =	simm.s32 $execute0_lowered;
	[smem:$0x3FD2] =	sst s25  }
0xa6: {  	s4 =	sshll.u32 s26, $0x1;
	_ =	strace $0x80000049;
	[dreg:$0x1] =	wrdreg $0xFFFFFFFF  }
0xa7: {  	s28 =	simm.s32 $_size_execute0_lowered;
	s2 =	sadd.s32 s2, s4;
	[dreg:$0x0] =	wrdreg $0x0  }
0xa8: {  	s4 =	sshll.u32 s28, $0x1;
	[dreg:$0x2] =	wrdreg s2  }
0xa9: {  	[dreg:$0x3] =	wrdreg s4  }
0xaa: {  	[dreg:$0x4] =	wrdreg $0xC0  }
0xab: {  	_ =	task [dreg:s6], $0x5FFFF  }
0xac: {  	[dreg:$0x1] =	wrdreg $0xFFFFFFFF  }
0xad: {  	[dreg:$0x0] =	wrdreg $0x60  }
0xae: {  	[dreg:$0x2] =	wrdreg s24  }
0xaf: {  	[dreg:$0x3] =	wrdreg $0xA  }
0xb0: {  	_ =	task.clear_ibuf [dreg:s6], $0x4FFFF;
	_ =	strace $0x90000049  }
0xb1: {  	s29 =	simm.s32 $0xA;
	_ =	strace $0x8000004B  }
0xb2: {  	_ =	swait.ge [sflag:s29], $0x1  }
0xb3: {  	[sflag:s29] =	ssyncadd.s32 $0xFFFFFFFF  }
0xb4: {  	_ =	strace $0x9000004B  }
0xb5: {  	_ =	sfence  }
0xb6: {  	s30 =	sld [smem:$0x0];
	_ =	sdelay $0x2  }
0xb7: {  	s31 =	sshll.u32 s1, $0xD;
	s1 =	sshrl.u32 s1, $0x2  }
0xb8: {  	s3 =	sand.u32 $0x4000, s31;
	s1 =	sadd.s32 s1, s30  }
0xb9: {  	s0 =	sor.u32 s3, s0;
	s1 =	sshll.u32 s1, $0x11  }
0xba: {  	s0 =	sor.u32 s1, s0  }
0xbb: {  	s0 =	sadd.s32 $0x8F2B, s0  }
0xbc: {  	[sflag:s0] =	ssyncadd.remote.s32 $0x1  }
0xbd: {  	_ =	sfence.sel $0xFFFF  }
0xbe: {  	[dreg:$0x0] =	wrdreg $0xFFFFFFFF;
	(pc) =	sbr.abs _section_cstart, $3  }
0xbf: {  	[dreg:$0x1] =	wrdreg $0xFFFFFFFF  }
0xc0: {  	_ =	task.clear_ibuf [dreg:s6], $0x2FFFF;
	_ =	strace $0x9FFFFFFF  }
0xc1: {  	(tm) =	ssettm $0x7FFFFFFF  }
tec
execute0_lowered:
.L_overlay_start_1:
0x0: {  	(tag) =	ssettag $0x1  }
0x1: {  	s0 =	srdreg.scid;
	s5 =	rddreg [dreg:$0x0]  }
0x2: {  	s11 =	simm.s32 $0x5000;
	s12 =	simm.s32 $0x7800;
	s4 =	sand.u32 $0x1, s0  }
0x3: {  	s13 =	simm.s32 $0x80;
	s0 =	stileid.u32;
	s1 =	sshll.u32 s4, $0x4  }
0x4: {  	s14 =	simm.s32 $0x400;
	s15 =	simm.s32 $0x0;
	s2 =	sor.u32 s0, s1  }
0x5: {  	s7 =	sshll.u32 s0, $0x7;
	s30 =	ssub.s32 $0x2, s4;
	s6 =	sshrl.u32 s2, $0x3  }
0x6: {  	s4 =	sadd.s32 $0x2A200, s5;
	s1 =	rddreg [dreg:$0x1];
	s6 =	smul.u32 $0x14000, s6  }
0x7: {  	s7 =	sand.u32 $0x380, s7;
	s3 =	smul.u32 $0x500, s2;
	s2 =	simm.s32 $0x0  }
0x8: {  	s31 =	sshrl.u32 s30, $0x1;
	[smem:$0x7FF] =	sst s2;
	s6 =	sor.u32 s7, s6  }
0x9: {  	s10 =	ssub.s32 s30, s31;
	_ =	strace $0x8000004A;
	s6 =	sshrl.u32 s6, $0x3  }
0xa: {  	s8 =	sadd.s32 s3, s5;
	s3 =	sadd.s32 $0x52800, s5;
	s9 =	sadd.s32 s6, s5  }
0xb: {  	s5 =	sadd.s32 $0x2200, s8;
	s6 =	sadd.s32 $0xC200, s8;
	s8 =	smax.u32 s10, $0x1  }
0xc: {  	s10 =	simm.s32 $0x2800;
	s7 =	sadd.s32 $0x52E00, s9;
	s9 =	simm.s32 $0x1  }
.LBB2_1:
0xd: {  	[tilespmem:s2], [sflag:$0x1] =	stream.linear.gather [hbm4b:s5+s2], $0x2800, $0x38;
	[tilespmem:$0xA000] =	vst v63  }
0xe: {  	_ =	swait.ge [sflag:s9], $0x2800  }
0xf: {  	[sflag:s9] =	ssyncset.done $0x0  }
0x10: {  	[sflag:s9] =	ssyncadd.s32 $0xFFFFD800  }
0x11: {  	[tilespmem:s10], [sflag:$0x1] =	stream.linear.gather [hbm4b:s6+s2], $0x2800, $0x38;
	[tilespmem:$0xA000] =	vst v63  }
0x12: {  	_ =	swait.ge [sflag:s9], $0x2800  }
0x13: {  	[sflag:s9] =	ssyncset.done $0x0  }
0x14: {  	[sflag:s9] =	ssyncadd.s32 $0xFFFFD800  }
0x15: {  	[tilespmem:s11], [sflag:$0x1] =	stream.linear.gather [hbm4b:s3+s2], $0x2800, $0x38;
	[tilespmem:$0xA000] =	vst v63  }
0x16: {  	_ =	swait.ge [sflag:s9], $0x2800  }
0x17: {  	[sflag:s9] =	ssyncset.done $0x0  }
0x18: {  	[sflag:s9] =	ssyncadd.s32 $0xFFFFD800  }
0x19: {  	[tilespmem:s12], [sflag:$0x1] =	stream.linear.gather [hbm4b:s4+s2], $0x2800, $0x38;
	[tilespmem:$0xA000] =	vst v63  }
0x1a: {  	_ =	swait.ge [sflag:s9], $0x2800  }
0x1b: {  	[sflag:s9] =	ssyncset.done $0x0  }
0x1c: {  	s17 =	simm.s32 $0x0;
	s16 =	simm.s32 $0x40;
	[sflag:s9] =	ssyncadd.s32 $0xFFFFD800  }
.LBB2_2:
0x1d: {  	p0 =	sne.s32 s16, $0x9FC0;
	v0 =	vld [tilespmem:s17+$0x2800];
	_ =	sdelay $0x5  }
0x1e: {  	v1 =	vld [tilespmem:s17+$0x0];
	_ =	sdelay $0x1  }
0x1f: {  	v0 =	vld.idx.msk [tilespmem:v0+s11+$0x0], $0xffff;
	_ =	sdelay $0x1  }
.Ltmp0:
0x20: {  	(pc) =	sbr.rel @p0 .LBB2_2-.Ltmp0, $2  }
0x21: {  	_ =	sdelay $0x2  }
0x22: {  	s17 =	sshra.s32 s16, $0x2;
	s16 =	sadd.s32 $0x40, s16;
	[tilespmem:v1+s12+$0x0] =	vst.idx.add.f32.msk $0xffff, v0  }
0x23: {  	v0 =	vld [tilespmem:s17+$0x2800];
	_ =	sdelay $0x4  }
0x24: {  	v1 =	vld [tilespmem:s17+$0x0];
	_ =	sdelay $0x2  }
0x25: {  	v0 =	vld.idx.msk [tilespmem:v0+s11+$0x0], $0xffff;
	_ =	sdelay $0x2  }
0x26: {  	s15 =	sadd.s32 $0x1, s15  }
0x27: {  	p0 =	sne.s32 s15, s8  }
.Ltmp1:
0x28: {  	[tilespmem:v1+s12+$0x0] =	vst.idx.add.f32.msk $0xffff, v0;
	(pc) =	sbr.rel @p0 .LBB2_1-.Ltmp1, $4  }
0x29: {  	[hbm4b:s7+s13] =	stream.strided.scatter [tilespmem:s12], [sflag:$0x1], $0x2800, s14, s13, $0x38;
	[tilespmem:$0xA000] =	vst v63  }
0x2a: {  	_ =	swait.ge [sflag:s9], $0x2800  }
0x2b: {  	[sflag:s9] =	ssyncset.done $0x0  }
0x2c: {  	[sflag:s9] =	ssyncadd.s32 $0xFFFFD800  }
0x2d: {  	_ =	sfence.sel $0x180000  }
0x2e: {  	[bflag:$0x0] =	sbarrier.arrive $0xFFFF  }
0x2f: {  	p0 =	sne.s32 s0, $0x0;
	_ =	strace $0x9000004A  }
0x30: {  	s0 =	sadd.s32 @!p0 $0x100000, s1;
	[bflag:$0x2] =	sbarrier.arrive $0xFFFF  }
0x31: {  	[sflag:s0] =	ssyncadd.tile.s32 @!p0 $0x1;
	_ =	shalt  }
.Lfunc_end2:
_tile_overlayer_lowered:
.L_overlay_start_2:
0x32: {  	(tag) =	ssettag $0x2  }
0x33: {  	s0 =	rddreg [dreg:$0x0];
	s2 =	stileid.u32  }
0x34: {  	s1 =	rddreg [dreg:$0x1];
	p0 =	sne.s32 s2, $0x0  }
0x35: {  	s3 =	rddreg [dreg:$0x2];
	[bflag:$0x3] =	sbarrier.arrive $0xFFFF;
	s2 =	simm.s32 @!p0 $0x1C01  }
0x36: {  	[timem:s3], [sflag:s2] =	dma.local @!p0 [hbm:s0], s1  }
0x37: {  	s0 =	simm.s32 @!p0 $0x1  }
0x38: {  	_ =	swait.ge @!p0 [sflag:s0], s1  }
0x39: {  	s1 =	ssub.s32 @!p0 $0x0, s1;
	[sflag:s0] =	ssyncset.done @!p0 $0x0  }
0x3a: {  	[sflag:s0] =	ssyncadd.s32 @!p0 s1  }
0x3b: {  	[bflag:$0x3] =	sbarrier.arrive $0xFFFF  }
0x3c: {  	_ =	shalt  }

// kernel: kernel.7.cloned.1.call-start
scs
__scs_entry_jumppad:
0x0: {  	(pc) =	sbr.rel $0x88, $3  }
0x1: {  	(tag) =	ssettag $0x0;
	lr =	simm.s32 $0x1  }
0x2: {  	[smem:$0x3F9B] =	sst lr;
	_ =	strace $0xD0000000  }
0x3: {  	_ = 	snop  }
0x4: {  	_ = 	snop  }
0x5: {  	_ = 	snop  }
0x6: {  	_ = 	snop  }
0x7: {  	_ = 	snop  }
__scs_overlays_trampoline_lowered:
0x8: {  	[smem:$0x3FAA] =	sst s0  }
0x9: {  	[smem:$0x3FAB] =	sst s1  }
0xa: {  	[smem:$0x3FAC] =	sst s2  }
0xb: {  	[smem:$0x3FAD] =	sst s3  }
0xc: {  	[smem:$0x3FAE] =	sst s4  }
0xd: {  	[smem:$0x3FAF] =	sst s5  }
0xe: {  	[smem:$0x3FB0] =	sst s6  }
0xf: {  	[smem:$0x3FB1] =	sst s7  }
0x10: {  	[smem:$0x3FB2] =	sst s8  }
0x11: {  	[smem:$0x3FB3] =	sst s9;
	s0 =	simm.s32 @!p0 $0x0  }
0x12: {  	s1 =	sld [smem:$0x3F99];
	s0 =	simm.s32 @p0 $0x1  }
0x13: {  	[smem:$0x3FB4] =	sst s0;
	s0 =	simm.s32 @!p1 $0x0  }
0x14: {  	s2 =	sld [smem:$0x3F98];
	s0 =	simm.s32 @p1 $0x1  }
0x15: {  	[smem:$0x3FB5] =	sst s0;
	s0 =	simm.s32 @!p2 $0x0  }
0x16: {  	s3 =	sld [smem:$0x3FDB];
	s0 =	simm.s32 @p2 $0x1  }
0x17: {  	s4 =	simm.s32 $0x1BF5;
	[smem:$0x3FB7] =	sst s0  }
0x18: {  	s0 =	sld [smem:$0x3F9A];
	_ =	swait.ge [sflag:s4], $0x0  }
0x19: {  	s7 =	sld [smem:$0x3F9B]  }
0x1a: {  	s8 =	sadd.s32 $0xFFFFE003, lr  }
0x1b: {  	s9 =	sadd.s32 $0xFFFFFEF7, lr;
	s5 =	simm.s32 $0xFFFFFFFF;
	p2 =	slt.u32 s8, $0xFFFFF086  }
0x1c: {  	p1 =	slt.u32 s9, $0xF7A;
	s5 =	simm.s32 @!p2 $0x0  }
0x1d: {  	s5 =	simm.s32 @p1 $0x1;
	p0 =	seq.s32 s7, s2  }
0x1e: {  	s7 =	smul.u32 @!p0 $0xF7A, s2;
	p2 =	seq.s32 @!p0 s5, $0x0  }
0x1f: {  	s9 =	smul.u32 $0xF7A, s1;
	s8 =	simm.s32 @!p0 $0x1BF5;
	p2 =	por !p2, p0  }
0x20: {  	[sflag:s8] =	ssyncset.s32 @!p0 $0xFFFFF086;
	s6 =	sadd.s32 @!p0 s3, s7;
	s7 =	simm.s32 @!p0 $0x108  }
0x21: {  	s3 =	sadd.s32 s3, s9;
	s6 =	sadd.s32 @!p0 $0x88, s6;
	s7 =	simm.s32 @p2 $0x1082  }
0x22: {  	[simem:s7], [sflag:s8] =	dma.local @!p0 [hbm:s6], $0xF7A  }
0x23: {  	s9 =	sor.u32 $0xD0000000, s2;
	s6 =	simm.s32 $0x108;
	_ =	swait.ge @!p0 [sflag:s8], $0x0  }
0x24: {  	s3 =	sadd.s32 $0x88, s3;
	s6 =	simm.s32 @!p1 $0x1082;
	[sflag:s4] =	ssyncset.s32 $0xFFFFF086  }
0x25: {  	[simem:s6], [sflag:s4] =	dma.local [hbm:s3], $0xF7A  }
0x26: {  	[smem:$0x3F9B] =	sst s1;
	(tag) =	ssettag s2;
	_ =	strace s9  }
0x27: {  	s1 =	sld [smem:$0x3FAB]  }
0x28: {  	s2 =	sld [smem:$0x3FAC]  }
0x29: {  	s4 =	sld [smem:$0x3FAE]  }
0x2a: {  	p0 =	seq.s32 s5, $0x0;
	s5 =	sld [smem:$0x3FAF]  }
0x2b: {  	s6 =	sld [smem:$0x3FB0]  }
0x2c: {  	s7 =	sld [smem:$0x3FB1]  }
0x2d: {  	s3 =	simm.s32 $0x108;
	s8 =	sld [smem:$0x3FB2]  }
0x2e: {  	s3 =	simm.s32 @!p0 $0x1082;
	s9 =	sld [smem:$0x3FB3]  }
0x2f: {  	lr =	sadd.s32 s0, s3;
	s0 =	sld [smem:$0x3FAA]  }
0x30: {  	s3 =	sld [smem:$0x3FAD]  }
0x31: {  	[smem:$0x3FB6] =	sst s10  }
0x32: {  	s10 =	sld [smem:$0x3FB4];
	_ =	sdelay $0x3  }
0x33: {  	p0 =	seq.s32 s10, $0x1;
	s10 =	sld [smem:$0x3FB6];
	_ =	sdelay $0x3  }
0x34: {  	[smem:$0x3FB6] =	sst s10  }
0x35: {  	s10 =	sld [smem:$0x3FB5];
	_ =	sdelay $0x3  }
0x36: {  	p1 =	seq.s32 s10, $0x1;
	s10 =	sld [smem:$0x3FB6];
	_ =	sdelay $0x3  }
0x37: {  	[smem:$0x3FB6] =	sst s10  }
0x38: {  	s10 =	sld [smem:$0x3FB7]  }
0x39: {  	_ = 	snop;
	(pc) =	sbr.ind lr, $3  }
0x3a: {  	_ = 	snop  }
0x3b: {  	_ = 	snop  }
0x3c: {  	p2 =	seq.s32 s10, $0x1;
	s10 =	sld [smem:$0x3FB6]  }
0x3d: {  	_ =	shalt  }
0x3e: {  	_ =	shalt  }
0x3f: {  	_ =	shalt  }
0x40: {  	_ =	shalt  }
0x41: {  	_ =	shalt  }
0x42: {  	_ =	shalt  }
0x43: {  	_ =	shalt  }
0x44: {  	_ =	shalt  }
0x45: {  	_ =	shalt  }
0x46: {  	_ =	shalt  }
0x47: {  	_ =	shalt  }
0x48: {  	_ =	shalt  }
0x49: {  	_ =	shalt  }
0x4a: {  	_ =	shalt  }
0x4b: {  	_ =	shalt  }
0x4c: {  	_ =	shalt  }
0x4d: {  	_ =	shalt  }
0x4e: {  	_ =	shalt  }
0x4f: {  	_ =	shalt  }
0x50: {  	_ =	shalt  }
0x51: {  	_ =	shalt  }
0x52: {  	_ =	shalt  }
0x53: {  	_ =	shalt  }
0x54: {  	_ =	shalt  }
0x55: {  	_ =	shalt  }
0x56: {  	_ =	shalt  }
0x57: {  	_ =	shalt  }
0x58: {  	_ =	shalt  }
0x59: {  	_ =	shalt  }
0x5a: {  	_ =	shalt  }
0x5b: {  	_ =	shalt  }
0x5c: {  	_ =	shalt  }
0x5d: {  	_ =	shalt  }
0x5e: {  	_ =	shalt  }
0x5f: {  	_ =	shalt  }
0x60: {  	_ =	shalt  }
0x61: {  	_ =	shalt  }
0x62: {  	_ =	shalt  }
0x63: {  	_ =	shalt  }
0x64: {  	_ =	shalt  }
0x65: {  	_ =	shalt  }
0x66: {  	_ =	shalt  }
0x67: {  	_ =	shalt  }
0x68: {  	_ =	shalt  }
0x69: {  	_ =	shalt  }
0x6a: {  	_ =	shalt  }
0x6b: {  	_ =	shalt  }
0x6c: {  	_ =	shalt  }
0x6d: {  	_ =	shalt  }
0x6e: {  	_ =	shalt  }
0x6f: {  	_ =	shalt  }
0x70: {  	_ =	shalt  }
0x71: {  	_ =	shalt  }
0x72: {  	_ =	shalt  }
0x73: {  	_ =	shalt  }
0x74: {  	_ =	shalt  }
0x75: {  	_ =	shalt  }
0x76: {  	_ =	shalt  }
0x77: {  	_ =	shalt  }
0x78: {  	_ =	shalt  }
0x79: {  	_ =	shalt  }
0x7a: {  	_ =	shalt  }
0x7b: {  	_ =	shalt  }
0x7c: {  	_ =	shalt  }
0x7d: {  	_ =	shalt  }
0x7e: {  	_ =	shalt  }
0x7f: {  	_ =	shalt  }
0x80: {  	_ =	shalt  }
0x81: {  	_ =	shalt  }
0x82: {  	_ =	shalt  }
0x83: {  	_ =	shalt  }
0x84: {  	_ =	shalt  }
0x85: {  	_ =	shalt  }
0x86: {  	_ =	shalt  }
0x87: {  	_ =	shalt  }
.Lfunc_end0:
.L_simem_size_0:
called_computation_lowered:
.L_overlay_start_0:
0x88: {  	s2 =	sld [smem:$0x3FD9]  }
0x89: {  	s3 =	sld [smem:$0x3FFE];
	_ =	sdelay $0x1  }
0x8a: {  	s1 =	srdreg.scid  }
0x8b: {  	s0 =	sand.u32 $0x1, s1  }
0x8c: {  	s16 =	sshll.u32 s0, $0xA;
	s2 =	sadd.s32 s3, s2  }
0x8d: {  	s2 =	sadd.s32 s2, s16  }
0x8e: {  	[smem:$0x3FC2] =	sst s2  }
0x8f: {  	_ = 	snop  }
0x90: {  	(tm) =	ssettm $0x1  }
0x91: {  	s17 =	sld [smem:$0x3FFB];
	_ =	sdelay $0x3  }
0x92: {  	_ =	strace s17  }
0x93: {  	s2 =	sld [smem:$0x3FFC];
	_ =	sdelay $0x3  }
0x94: {  	_ =	strace s2  }
0x95: {  	s2 =	sld [smem:$0x3FFD];
	_ =	sdelay $0x3  }
0x96: {  	_ =	strace s2  }
0x97: {  	_ =	strace $0x8FFFFFFF  }
0x98: {  	s18 =	sld [smem:$0x3FDB];
	_ =	sdelay $0x1  }
0x99: {  	s19 =	simm.s32 $_scs_section_size  }
0x9a: {  	s4 =	simm.s32 $_size__tile_overlayer_lowered;
	s5 =	simm.s32 $_tile_overlayer_lowered  }
0x9b: {  	s22 =	simm.s32 $0x1BFF;
	s21 =	sshll.u32 s5, $0x1;
	s2 =	sadd.s32 s19, s18  }
0x9c: {  	s6 =	simm.s32 $0x0;
	s20 =	sshll.u32 s4, $0x1;
	s4 =	sadd.s32 s21, s2  }
0x9d: {  	[timem:s6], [sflag:s22] =	dma.local [hbm:s4], s20  }
0x9e: {  	_ =	swait.ge [sflag:s22], s20  }
0x9f: {  	s3 =	ssub.s32 $0x0, s20;
	[sflag:s22] =	ssyncset.done $0x0  }
0xa0: {  	[sflag:s22] =	ssyncadd.s32 s3;
	_ =	sdelay $0x1  }
0xa1: {  	s23 =	simm.s32 $0x1B8B  }
0xa2: {  	_ =	swait.ge [sflag:s23], $0x1  }
0xa3: {  	[sflag:s23] =	ssyncset.done $0x0  }
0xa4: {  	s25 =	simm.s32 $0x1B8E;
	s24 =	sld [smem:$0x3FFE];
	[sflag:s23] =	ssyncadd.s32 $0xFFFFFFFF  }
0xa5: {  	s26 =	simm.s32 $execute0_lowered;
	[smem:$0x3FD2] =	sst s25  }
0xa6: {  	s4 =	sshll.u32 s26, $0x1;
	_ =	strace $0x80000046;
	[dreg:$0x1] =	wrdreg $0xFFFFFFFF  }
0xa7: {  	s28 =	simm.s32 $_size_execute0_lowered;
	s2 =	sadd.s32 s2, s4;
	[dreg:$0x0] =	wrdreg $0x0  }
0xa8: {  	s4 =	sshll.u32 s28, $0x1;
	[dreg:$0x2] =	wrdreg s2  }
0xa9: {  	[dreg:$0x3] =	wrdreg s4  }
0xaa: {  	[dreg:$0x4] =	wrdreg $0xC0  }
0xab: {  	_ =	task [dreg:s6], $0x5FFFF  }
0xac: {  	[dreg:$0x1] =	wrdreg $0xFFFFFFFF  }
0xad: {  	[dreg:$0x0] =	wrdreg $0x60  }
0xae: {  	[dreg:$0x2] =	wrdreg s24  }
0xaf: {  	[dreg:$0x3] =	wrdreg $0x9  }
0xb0: {  	_ =	task.clear_ibuf [dreg:s6], $0x4FFFF;
	_ =	strace $0x90000046  }
0xb1: {  	s29 =	simm.s32 $0x9;
	_ =	strace $0x80000048  }
0xb2: {  	_ =	swait.ge [sflag:s29], $0x1  }
0xb3: {  	[sflag:s29] =	ssyncadd.s32 $0xFFFFFFFF  }
0xb4: {  	_ =	strace $0x90000048  }
0xb5: {  	_ =	sfence  }
0xb6: {  	s30 =	sld [smem:$0x0];
	_ =	sdelay $0x2  }
0xb7: {  	s31 =	sshll.u32 s1, $0xD;
	s1 =	sshrl.u32 s1, $0x2  }
0xb8: {  	s3 =	sand.u32 $0x4000, s31;
	s1 =	sadd.s32 s1, s30  }
0xb9: {  	s0 =	sor.u32 s3, s0;
	s1 =	sshll.u32 s1, $0x11  }
0xba: {  	s0 =	sor.u32 s1, s0  }
0xbb: {  	s0 =	sadd.s32 $0x8F2B, s0  }
0xbc: {  	[sflag:s0] =	ssyncadd.remote.s32 $0x1  }
0xbd: {  	_ =	sfence.sel $0xFFFF  }
0xbe: {  	[dreg:$0x0] =	wrdreg $0xFFFFFFFF;
	(pc) =	sbr.abs _section_cstart, $3  }
0xbf: {  	[dreg:$0x1] =	wrdreg $0xFFFFFFFF  }
0xc0: {  	_ =	task.clear_ibuf [dreg:s6], $0x2FFFF;
	_ =	strace $0x9FFFFFFF  }
0xc1: {  	(tm) =	ssettm $0x7FFFFFFF  }
tec
execute0_lowered:
.L_overlay_start_1:
0x0: {  	(tag) =	ssettag $0x1  }
0x1: {  	s0 =	srdreg.scid  }
0x2: {  	s4 =	rddreg [dreg:$0x0];
	s2 =	simm.s32 $0x0;
	s3 =	sand.u32 $0x1, s0  }
0x3: {  	s8 =	simm.s32 $0x2800;
	s0 =	stileid.u32;
	s1 =	sshll.u32 s3, $0x4  }
0x4: {  	s9 =	simm.s32 $0x80;
	s10 =	simm.s32 $0x400;
	s5 =	sor.u32 s0, s1  }
0x5: {  	s11 =	simm.s32 $0x0;
	[smem:$0x7FF] =	sst s2;
	s6 =	sshrl.u32 s5, $0x3  }
0x6: {  	s7 =	sshll.u32 s0, $0x7;
	s30 =	ssub.s32 $0x2, s3;
	s6 =	smul.u32 $0x14000, s6  }
0x7: {  	s3 =	sadd.s32 $0x2A200, s4;
	s7 =	sand.u32 $0x380, s7;
	s5 =	smul.u32 $0x500, s5  }
0x8: {  	s1 =	rddreg [dreg:$0x1];
	_ =	strace $0x80000047;
	s6 =	sor.u32 s7, s6  }
0x9: {  	s31 =	sshrl.u32 s30, $0x1;
	s5 =	sadd.s32 s5, s4;
	s6 =	sshrl.u32 s6, $0x3  }
0xa: {  	s7 =	ssub.s32 s30, s31;
	s6 =	sadd.s32 s6, s4;
	s4 =	sadd.s32 $0xC200, s5  }
0xb: {  	v0 =	vimm.f32 $1.000000000e+00;
	s5 =	sadd.s32 $0x2A800, s6;
	s6 =	smax.u32 s7, $0x1;
	s7 =	simm.s32 $0x1  }
.LBB2_1:
0xc: {  	[tilespmem:s2], [sflag:$0x1] =	stream.linear.gather [hbm4b:s4+s2], $0x2800, $0x38;
	[tilespmem:$0x5000] =	vst v63  }
0xd: {  	_ =	swait.ge [sflag:s7], $0x2800  }
0xe: {  	[sflag:s7] =	ssyncset.done $0x0  }
0xf: {  	[sflag:s7] =	ssyncadd.s32 $0xFFFFD800  }
0x10: {  	[tilespmem:s8], [sflag:$0x1] =	stream.linear.gather [hbm4b:s3+s2], $0x2800, $0x38;
	[tilespmem:$0x5000] =	vst v63  }
0x11: {  	_ =	swait.ge [sflag:s7], $0x2800  }
0x12: {  	[sflag:s7] =	ssyncset.done $0x0  }
0x13: {  	s13 =	simm.s32 $0x0;
	s12 =	simm.s32 $0x40;
	[sflag:s7] =	ssyncadd.s32 $0xFFFFD800  }
.LBB2_2:
0x14: {  	p0 =	sne.s32 s12, $0x9FC0;
	v1 =	vld [tilespmem:s13+$0x0];
	_ =	sdelay $0x3  }
.Ltmp0:
0x15: {  	(pc) =	sbr.rel @p0 .LBB2_2-.Ltmp0, $2  }
0x16: {  	_ =	sdelay $0x2  }
0x17: {  	s13 =	sshra.s32 s12, $0x2;
	s12 =	sadd.s32 $0x40, s12;
	[tilespmem:v1+s8+$0x0] =	vst.idx.add.f32.msk $0xffff, v0  }
0x18: {  	v1 =	vld [tilespmem:s13+$0x0];
	_ =	sdelay $0x5  }
0x19: {  	s11 =	sadd.s32 $0x1, s11  }
0x1a: {  	p0 =	sne.s32 s11, s6  }
.Ltmp1:
0x1b: {  	[tilespmem:v1+s8+$0x0] =	vst.idx.add.f32.msk $0xffff, v0;
	(pc) =	sbr.rel @p0 .LBB2_1-.Ltmp1, $4  }
0x1c: {  	[hbm4b:s5+s9] =	stream.strided.scatter [tilespmem:s8], [sflag:$0x1], $0x2800, s10, s9, $0x38;
	[tilespmem:$0x5000] =	vst v63  }
0x1d: {  	_ =	swait.ge [sflag:s7], $0x2800  }
0x1e: {  	[sflag:s7] =	ssyncset.done $0x0  }
0x1f: {  	[sflag:s7] =	ssyncadd.s32 $0xFFFFD800  }
0x20: {  	_ =	sfence.sel $0x180000  }
0x21: {  	[bflag:$0x0] =	sbarrier.arrive $0xFFFF  }
0x22: {  	p0 =	sne.s32 s0, $0x0;
	_ =	strace $0x90000047  }
0x23: {  	s0 =	sadd.s32 @!p0 $0x100000, s1;
	[bflag:$0x2] =	sbarrier.arrive $0xFFFF  }
0x24: {  	[sflag:s0] =	ssyncadd.tile.s32 @!p0 $0x1;
	_ =	shalt  }
.Lfunc_end2:
_tile_overlayer_lowered:
.L_overlay_start_2:
0x25: {  	(tag) =	ssettag $0x2  }
0x26: {  	s0 =	rddreg [dreg:$0x0];
	s2 =	stileid.u32  }
0x27: {  	s1 =	rddreg [dreg:$0x1];
	p0 =	sne.s32 s2, $0x0  }
0x28: {  	s3 =	rddreg [dreg:$0x2];
	[bflag:$0x3] =	sbarrier.arrive $0xFFFF;
	s2 =	simm.s32 @!p0 $0x1C01  }
0x29: {  	[timem:s3], [sflag:s2] =	dma.local @!p0 [hbm:s0], s1  }
0x2a: {  	s0 =	simm.s32 @!p0 $0x1  }
0x2b: {  	_ =	swait.ge @!p0 [sflag:s0], s1  }
0x2c: {  	s1 =	ssub.s32 @!p0 $0x0, s1;
	[sflag:s0] =	ssyncset.done @!p0 $0x0  }
0x2d: {  	[sflag:s0] =	ssyncadd.s32 @!p0 s1  }
0x2e: {  	[bflag:$0x3] =	sbarrier.arrive $0xFFFF  }
0x2f: {  	_ =	shalt  }

</sc_bundles>
